<compile_context>
chip_gen: v7x
topology: tpu7x:2x2x1
jax: 0.10.2.dev20260603
libtpu: 0.0.44.dev20260713+nightly
codegen_flags: <defaults>
</compile_context>

<pallas_src>
import functools
import math

import jax
import jax.numpy as jnp
from jax import lax
from jax.experimental import pallas as pl
from jax.experimental.pallas import tpu as pltpu
from jax.experimental.pallas import tpu_sc as plsc

_B = 16
_MAX_NODE = 2048
_C = 256
_N_TOK = 16384
_NPF = 128
_TEMPERATURE = 10000.0

_NC = 2
_NS = 16
_ROWS_PER_W = (_B * _MAX_NODE) // (_NC * _NS)
_CHD = 256
_CHZ = 128


def _worker_extent(cu_lo_hbm, cu_hi_hbm, cu_lo_v, cu_hi_v):
    b = lax.axis_index("s")
    half = lax.axis_index("c")
    pltpu.sync_copy(cu_lo_hbm, cu_lo_v)
    pltpu.sync_copy(cu_hi_hbm, cu_hi_v)
    onehot = lax.broadcasted_iota(jnp.int32, (16,), 0) == b
    neg = jnp.int32(-(2 ** 31))
    cu_b = jnp.max(jnp.where(onehot, cu_lo_v[...], neg))
    cu_b1 = jnp.max(jnp.where(onehot, cu_hi_v[...], neg))
    keep = jnp.minimum(cu_b1 - cu_b, _MAX_NODE)
    r0 = half * _ROWS_PER_W
    ncopy = jnp.clip(keep - r0, 0, _ROWS_PER_W)
    return cu_b + r0, b * _MAX_NODE + r0, ncopy


def _routed_copy(src_hbm, dst_hbm, buf, zbuf, src0, dst0, ncopy, chd, chz):

    def pair(src, dst, sz):
        pltpu.sync_copy(src_hbm.at[pl.ds(src, sz), :], buf.at[pl.ds(0, sz), :])
        pltpu.sync_copy(buf.at[pl.ds(0, sz), :], dst_hbm.at[pl.ds(dst, sz), :])

    def data_chunk(q, carry):
        pair(src0 + q * chd, dst0 + q * chd, chd)
        return carry

    lax.fori_loop(0, ncopy // chd, data_chunk, 0)

    ragged = (ncopy % chd) != 0

    @pl.when(ragged & (ncopy >= chd))
    def _():
        pair(src0 + ncopy - chd, dst0 + ncopy - chd, chd)

    @pl.when(ragged & (ncopy < chd))
    def _():
        done = jnp.int32(0)
        for sz in (chd // 2, chd // 4, chd // 8):
            if sz < 1:
                continue
            hit = (ncopy & sz) != 0

            @pl.when(hit)
            def _(sz=sz, done=done):
                pair(src0 + done, dst0 + done, sz)

            done = done + jnp.where(hit, sz, 0).astype(jnp.int32)
        for sz in [s for s in (64, 32, 16, 8, 4, 2, 1) if s < chd // 8]:
            hit = (ncopy & sz) != 0

            @pl.when(hit)
            def _(sz=sz, done=done):
                pair(src0 + done, dst0 + done, sz)

            done = done + jnp.where(hit, sz, 0).astype(jnp.int32)

    nzero = _ROWS_PER_W - ncopy
    zstart = dst0 + ncopy
    zb = (chz - ncopy % chz) % chz
    zhead = jnp.minimum(zb, nzero)
    zoff = jnp.int32(0)
    for sz in [s for s in (512, 256, 128, 64, 32, 16, 8, 4, 2, 1) if s < chz]:
        hit = (zhead & sz) != 0

        @pl.when(hit)
        def _(sz=sz, zoff=zoff):
            pltpu.sync_copy(zbuf.at[pl.ds(0, sz), :],
                            dst_hbm.at[pl.ds(zstart + zoff, sz), :])

        zoff = zoff + jnp.where(hit, sz, 0).astype(jnp.int32)

    def zero_chunk(q, carry):
        pltpu.sync_copy(zbuf, dst_hbm.at[pl.ds(zstart + zhead + q * chz, chz), :])
        return carry

    lax.fori_loop(0, (nzero - zhead) // chz, zero_chunk, 0)


def _sc_feats_body(feat_hbm, zf_hbm, cu_lo_hbm, cu_hi_hbm,
                   out_hbm, cu_lo_v, cu_hi_v, dbuf, zbuf):
    src0, dst0, ncopy = _worker_extent(cu_lo_hbm, cu_hi_hbm, cu_lo_v, cu_hi_v)
    pltpu.sync_copy(zf_hbm, zbuf)
    _routed_copy(feat_hbm, out_hbm, dbuf, zbuf, src0, dst0, ncopy, _CHD, _CHZ)


def _sc_pxy_body(cxy_hbm, zc_hbm, cu_lo_hbm, cu_hi_hbm,
                 pxy_hbm, cu_lo_v, cu_hi_v, cbuf, sem):
    src0, dst0, ncopy = _worker_extent(cu_lo_hbm, cu_hi_hbm, cu_lo_v, cu_hi_v)
    done = jnp.int32(0)
    for sz in (1024, 512, 256, 128, 64, 32, 16, 8, 4, 2, 1):
        hit = (ncopy & sz) != 0

        @pl.when(hit)
        def _(sz=sz, done=done):
            pltpu.async_copy(cxy_hbm.at[pl.ds(src0 + done, sz), :],
                             cbuf.at[pl.ds(done, sz), :], sem)

        done = done + jnp.where(hit, sz, 0).astype(jnp.int32)
    nzero = _ROWS_PER_W - ncopy
    zoff = jnp.int32(0)
    for sz in (1024, 512, 256, 128, 64, 32, 16, 8, 4, 2, 1):
        hit = (nzero & sz) != 0

        @pl.when(hit)
        def _(sz=sz, zoff=zoff):
            pltpu.async_copy(zc_hbm.at[pl.ds(0, sz), :],
                             cbuf.at[pl.ds(ncopy + zoff, sz), :], sem)

        zoff = zoff + jnp.where(hit, sz, 0).astype(jnp.int32)
    pltpu.make_async_copy(zc_hbm, cbuf, sem).wait()
    pltpu.sync_copy(cbuf, pxy_hbm.at[pl.ds(dst0, _ROWS_PER_W), :])


def _sc_mesh():
    return plsc.VectorSubcoreMesh(core_axis_name="c", subcore_axis_name="s",
                                  num_cores=_NC, num_subcores=_NS)


_SC_PARAMS = dict(
    compiler_params=pltpu.CompilerParams(use_tc_tiling_on_sc=False,
                                         needs_layout_passes=False),
)


@functools.cache
def _sc_feats_copy():
    return pl.kernel(
        _sc_feats_body,
        out_type=jax.ShapeDtypeStruct((_B * _MAX_NODE, _C), jnp.float32),
        mesh=_sc_mesh(),
        scratch_types=[
            pltpu.VMEM((16,), jnp.int32),
            pltpu.VMEM((16,), jnp.int32),
            pltpu.VMEM((_CHD, _C), jnp.float32),
            pltpu.VMEM((_CHZ, _C), jnp.float32),
        ],
        **_SC_PARAMS,
    )


@functools.cache
def _sc_pxy_copy():
    return pl.kernel(
        _sc_pxy_body,
        out_type=jax.ShapeDtypeStruct((_B * _MAX_NODE, 2), jnp.float32),
        mesh=_sc_mesh(),
        scratch_types=[
            pltpu.VMEM((16,), jnp.int32),
            pltpu.VMEM((16,), jnp.int32),
            pltpu.VMEM((_ROWS_PER_W, 2), jnp.float32),
            pltpu.SemaphoreType.DMA,
        ],
        **_SC_PARAMS,
    )


def _tc_body(cu_smem, pxy_ref, emd_ref, mask_ref):
    b = pl.program_id(0)
    n_b = cu_smem[b + 1] - cu_smem[b]

    xy = pxy_ref[0]
    xmax = jnp.max(xy[:, 0:1])
    ymax = jnp.max(xy[:, 1:2])
    scale = 2.0 * math.pi
    kx = scale / (xmax + 1e-6)
    ky = scale / (ymax + 1e-6)

    k = lax.broadcasted_iota(jnp.int32, (1, _NPF), 1)
    jh = (k >> 1).astype(jnp.float32)
    inv_dim = jnp.exp(jh * (-2.0 * math.log(_TEMPERATURE) / _NPF))
    off = (k & 1).astype(jnp.float32) * (0.5 * math.pi)

    pi = math.pi

    def fast_sin(u):
        t = u - pi
        t = t - jnp.where(t > pi, 2.0 * pi, 0.0)
        t2 = t * t
        p = jnp.float32(2.173256960049e-06)
        p = p * t2 + jnp.float32(-1.931626988860e-04)
        p = p * t2 + jnp.float32(8.312388279693e-03)
        p = p * t2 + jnp.float32(-1.666325937682e-01)
        p = p * t2 + jnp.float32(9.999845934511e-01)
        return -(p * t)

    ch = 1024
    for i in range(_MAX_NODE // ch):
        sub = xy[i * ch:(i + 1) * ch]
        x_e = sub[:, 0:1] * kx
        y_e = sub[:, 1:2] * ky
        emd_ref[0, pl.ds(i * ch, ch), 0:_NPF] = fast_sin(y_e * inv_dim + off)
        emd_ref[0, pl.ds(i * ch, ch), _NPF:_C] = fast_sin(x_e * inv_dim + off)

    col = lax.broadcasted_iota(jnp.int32, (1, 1, _MAX_NODE), 2)
    mask_ref[...] = jnp.where((n_b <= _MAX_NODE) & (col >= n_b + 1), 1.0, 0.0)


def _tc_emd(cu, pxy):
    return pl.pallas_call(
        _tc_body,
        grid=(_B,),
        in_specs=[
            pl.BlockSpec(memory_space=pltpu.SMEM),
            pl.BlockSpec((1, _MAX_NODE, 2), lambda b: (b, 0, 0)),
        ],
        out_specs=[
            pl.BlockSpec((1, _MAX_NODE, _C), lambda b: (b, 0, 0)),
            pl.BlockSpec((1, 1, _MAX_NODE), lambda b: (b, 0, 0)),
        ],
        out_shape=[
            jax.ShapeDtypeStruct((_B, _MAX_NODE, _C), jnp.float32),
            jax.ShapeDtypeStruct((_B, 1, _MAX_NODE), jnp.float32),
        ],
    )(cu, pxy)


def kernel(features, centroids, cu_seqlens):
    cu = cu_seqlens.astype(jnp.int32)
    cu_lo, cu_hi = cu[:_B], cu[1:_B + 1]
    zf = jnp.zeros((_CHZ, _C), jnp.float32)
    zc = jnp.zeros((_ROWS_PER_W, 2), jnp.float32)
    pxy = _sc_pxy_copy()(centroids, zc, cu_lo, cu_hi)
    feats = _sc_feats_copy()(features, zf, cu_lo, cu_hi)
    pos_emd, mask = _tc_emd(cu, pxy.reshape(_B, _MAX_NODE, 2))
    return feats.reshape(_B, _MAX_NODE, _C), mask.reshape(_B, _MAX_NODE), pos_emd

# --- scband reference (transcript-rebuilt; emitter-appended) ---
"""Pipeline reference for scband-graphbackbone-wo-global-75265006895365 (READ-ONLY COPY).

The authoritative reference and input builder live on the scoring server;
editing this copy changes nothing except your own understanding.
"""

import jax, jax.numpy as jnp
import numpy as np

B = 16
MAX_NODE = 2048
C = 256
NPF = 128
N_TOK = 16384
TEMPERATURE = 10000.0


def setup_inputs(seed: int = 0) -> dict:
    key = jax.random.key(seed)
    k1, k2, k3 = jax.random.split(key, 3)
    features = jax.random.normal(k1, (N_TOK, C), dtype=jnp.float32)
    centroids = jax.random.uniform(k2, (N_TOK, 2), dtype=jnp.float32)
    inner = jnp.sort(jax.random.randint(k3, (B - 1,), 0, N_TOK)).astype(jnp.int32)
    cu_seqlens = jnp.concatenate([
        jnp.zeros((1,), jnp.int32), inner, jnp.full((1,), N_TOK, jnp.int32)
    ])
    return {"features": features, "centroids": centroids, "cu_seqlens": cu_seqlens}


def _sine_pos_embed(pos_x, pos_y):
    # PositionEmbeddingSineGraphNode(num_pos_feats=128, normalize=True)
    eps = 1e-6
    scale = 2.0 * np.pi
    x_embed = pos_x / (jnp.max(pos_x, axis=1, keepdims=True) + eps) * scale
    y_embed = pos_y / (jnp.max(pos_y, axis=1, keepdims=True) + eps) * scale
    dim_t = TEMPERATURE ** (2.0 * (jnp.arange(NPF) // 2) / NPF)
    px = x_embed[..., None] / dim_t
    py = y_embed[..., None] / dim_t
    px = jnp.stack([jnp.sin(px[..., 0::2]), jnp.cos(px[..., 1::2])], axis=-1)
    px = px.reshape(px.shape[0], px.shape[1], -1)
    py = jnp.stack([jnp.sin(py[..., 0::2]), jnp.cos(py[..., 1::2])], axis=-1)
    py = py.reshape(py.shape[0], py.shape[1], -1)
    return jnp.concatenate([py, px], axis=-1)


def reference(features, centroids, cu_seqlens):
    # Ragged flat node features -> padded [B, max_node, C] + mask + sine pos embed.
    counts = jnp.diff(cu_seqlens)
    batch_idx = jnp.repeat(jnp.arange(B, dtype=jnp.int32), counts, total_repeat_length=N_TOK)
    pos = jnp.arange(N_TOK, dtype=jnp.int32) - cu_seqlens[batch_idx]
    # scatter (drop nodes beyond max_node -> truncation branch of the torch loop)
    feats = jnp.zeros((B, MAX_NODE, C), jnp.float32).at[batch_idx, pos].set(features, mode='drop')
    pos_x = jnp.zeros((B, MAX_NODE), jnp.float32).at[batch_idx, pos].set(centroids[:, 0], mode='drop')
    pos_y = jnp.zeros((B, MAX_NODE), jnp.float32).at[batch_idx, pos].set(centroids[:, 1], mode='drop')
    # mask: only set when num_nodes <= max_node, and (faithful off-by-one) from num_nodes+1 on
    col = jnp.arange(MAX_NODE, dtype=jnp.int32)
    cond = counts <= MAX_NODE
    mask = jnp.where(cond[:, None] & (col[None, :] >= counts[:, None] + 1), 1.0, 0.0).astype(jnp.float32)
    pos_emd = _sine_pos_embed(pos_x, pos_y)
    return (feats, mask, pos_emd)

if __name__ == "__main__":
    import jax
    _d = setup_inputs()
    print(jax.jit(kernel)(*tuple(_d.values())))

</pallas_src>

<mosaic_0001>
#map = affine_map<(d0, d1) -> (0, 0)>
#map1 = affine_map<(d0, d1) -> (0)>
module attributes {stable_mosaic.version = 14 : i64} {
  func.func @_sc_pxy_body(%arg0: i32, %arg1: i32, %arg2: memref<16384x2xf32, #tpu.memory_space<hbm>>, %arg3: memref<1024x2xf32, #tpu.memory_space<hbm>>, %arg4: memref<16xi32, #tpu.memory_space<hbm>>, %arg5: memref<16xi32, #tpu.memory_space<hbm>>, %arg6: memref<32768x2xf32, #tpu.memory_space<hbm>>, %arg7: memref<16xi32, #tpu.memory_space<vmem>>, %arg8: memref<16xi32, #tpu.memory_space<vmem>>, %arg9: memref<1024x2xf32, #tpu.memory_space<vmem>>, %arg10: memref<!tpu.dma_semaphore, #tpu.memory_space<semaphore_mem>>) attributes {dimension_semantics = [#tpu.dimension_semantics<core_parallel>, #tpu.dimension_semantics<subcore_parallel>], iteration_bounds = array<i64: 2, 16>, scalar_prefetch = 0 : i64, scratch_operands = 4 : i64, tpu.core_type = #tpu.core_type<sc_vector_subcore>, window_params = [{transform_indices = #map}, {transform_indices = #map}, {transform_indices = #map1}, {transform_indices = #map1}, {transform_indices = #map}]} {
    "tpu.region"() ({
      %run_scoped3A = tpu.sem_alloc : memref<!tpu.dma_semaphore, #tpu.memory_space<semaphore_mem>>
      tpu.enqueue_dma source(%arg4 : memref<16xi32, #tpu.memory_space<hbm>>) target(%arg7 : memref<16xi32, #tpu.memory_space<vmem>>) target_semaphore(%run_scoped3A : memref<!tpu.dma_semaphore, #tpu.memory_space<semaphore_mem>>)
      tpu.wait_dma2 semaphore(%run_scoped3A : memref<!tpu.dma_semaphore, #tpu.memory_space<semaphore_mem>>) src(%arg4 : memref<16xi32, #tpu.memory_space<hbm>>) dst(%arg7 : memref<16xi32, #tpu.memory_space<vmem>>)
      tpu.yield
    }) : () -> ()
    "tpu.region"() ({
      %run_scoped3A = tpu.sem_alloc : memref<!tpu.dma_semaphore, #tpu.memory_space<semaphore_mem>>
      tpu.enqueue_dma source(%arg5 : memref<16xi32, #tpu.memory_space<hbm>>) target(%arg8 : memref<16xi32, #tpu.memory_space<vmem>>) target_semaphore(%run_scoped3A : memref<!tpu.dma_semaphore, #tpu.memory_space<semaphore_mem>>)
      tpu.wait_dma2 semaphore(%run_scoped3A : memref<!tpu.dma_semaphore, #tpu.memory_space<semaphore_mem>>) src(%arg5 : memref<16xi32, #tpu.memory_space<hbm>>) dst(%arg8 : memref<16xi32, #tpu.memory_space<vmem>>)
      tpu.yield
    }) : () -> ()
    %iota3A = tpu.iota {dimensions = array<i32: 0>} : vector<16xi32>
    %eq3A = vector.broadcast %arg1 : i32 to vector<16xi32>
    %eq3A_0 = arith.cmpi eq, %iota3A, %eq3A : vector<16xi32>
    %get3A = arith.constant 0 : index
    %get3A_1 = tpu.vector_load %arg7[%get3A] {strides = array<i32>} : memref<16xi32, #tpu.memory_space<vmem>>, vector<16xi32>,
    %jit3A = arith.constant -2147483648 : i32
    %broadcast_in_dim3A = vector.broadcast %jit3A : i32 to vector<16xi32>
    %select_n3A = arith.select %eq3A_0, %get3A_1, %broadcast_in_dim3A : vector<16xi1>, vector<16xi32>
    %reduce_max3A = arith.constant true
    %reduce_max3A_2 = vector.broadcast %reduce_max3A : i1 to vector<16xi1>
    %reduce_max3A_3 = arith.constant -2147483648 : i32
    %reduce_max3A_4 = vector.broadcast %reduce_max3A_3 : i32 to vector<16xi32>
    %reduce_max3A_5 = arith.xori %select_n3A, %reduce_max3A_4 : vector<16xi32>
    %reduce_max3A_6 = tpu.scan <max>, %reduce_max3A_5 masked %reduce_max3A_2 : vector<16xi32>, vector<16xi1> -> vector<16xi32>
    %reduce_max3A_7 = arith.xori %reduce_max3A_6, %reduce_max3A_4 : vector<16xi32>
    %reduce_max3A_8 = vector.extract %reduce_max3A_7[15] : i32 from vector<16xi32>
    %get3A_9 = arith.constant 0 : index
    %get3A_10 = tpu.vector_load %arg8[%get3A_9] {strides = array<i32>} : memref<16xi32, #tpu.memory_space<vmem>>, vector<16xi32>,
    %jit3A_11 = arith.constant -2147483648 : i32
    %broadcast_in_dim3A_12 = vector.broadcast %jit3A_11 : i32 to vector<16xi32>
    %select_n3A_13 = arith.select %eq3A_0, %get3A_10, %broadcast_in_dim3A_12 : vector<16xi1>, vector<16xi32>
    %reduce_max3A_14 = arith.constant true
    %reduce_max3A_15 = vector.broadcast %reduce_max3A_14 : i1 to vector<16xi1>
    %reduce_max3A_16 = arith.constant -2147483648 : i32
    %reduce_max3A_17 = vector.broadcast %reduce_max3A_16 : i32 to vector<16xi32>
    %reduce_max3A_18 = arith.xori %select_n3A_13, %reduce_max3A_17 : vector<16xi32>
    %reduce_max3A_19 = tpu.scan <max>, %reduce_max3A_18 masked %reduce_max3A_15 : vector<16xi32>, vector<16xi1> -> vector<16xi32>
    %reduce_max3A_20 = arith.xori %reduce_max3A_19, %reduce_max3A_17 : vector<16xi32>
    %reduce_max3A_21 = vector.extract %reduce_max3A_20[15] : i32 from vector<16xi32>
    %sub3A = arith.subi %reduce_max3A_21, %reduce_max3A_8 : i32
    %min3A = arith.constant 2048 : i32
    %min3A_22 = arith.minsi %sub3A, %min3A : i32
    %mul3A = arith.constant 1024 : i32
    %mul3A_23 = arith.muli %arg0, %mul3A : i32
    %sub3A_24 = arith.subi %min3A_22, %mul3A_23 : i32
    %jit3A_25 = arith.constant 0 : i32
    %jit3A_26 = arith.constant 1024 : i32
    %max3A = arith.maxsi %jit3A_25, %sub3A_24 : i32
    %min3A_27 = arith.minsi %jit3A_26, %max3A : i32
    %add3A = arith.addi %reduce_max3A_8, %mul3A_23 : i32
    %mul3A_28 = arith.constant 2048 : i32
    %mul3A_29 = arith.muli %arg1, %mul3A_28 : i32
    %add3A_30 = arith.addi %mul3A_29, %mul3A_23 : i32
    %and3A = arith.constant 1024 : i32
    %and3A_31 = arith.andi %min3A_27, %and3A : i32
    %ne3A = arith.constant 0 : i32
    %ne3A_32 = arith.cmpi ne, %and3A_31, %ne3A : i32
    %convert_element_type3A = arith.extui %ne3A_32 : i1 to i32
    %cond3A = arith.constant 0 : i32
    %cond3A_33 = arith.constant 0 : i32
    %cond3A_34 = arith.cmpi ne, %convert_element_type3A, %cond3A_33 : i32
    scf.if %cond3A_34 {
      %add3A_275 = arith.addi %add3A, %cond3A : i32
      %dma_start3A = arith.constant 0 : i32
      %dma_start3A_276 = tpu.memref_slice %arg9[%cond3A, %dma_start3A] : memref<1024x2xf32, #tpu.memory_space<vmem>> -> memref<1024x2xf32, #tpu.memory_space<vmem>>
      %dma_start3A_277 = arith.constant 0 : i32
      %dma_start3A_278 = tpu.memref_slice %arg2[%add3A_275, %dma_start3A_277] : memref<16384x2xf32, #tpu.memory_space<hbm>> -> memref<1024x2xf32, #tpu.memory_space<hbm>>
      %dma_start3A_279 = arith.constant 0 : i32
      %dma_start3A_280 = tpu.memref_slice %arg9[%cond3A, %dma_start3A_279] : memref<1024x2xf32, #tpu.memory_space<vmem>> -> memref<1024x2xf32, #tpu.memory_space<vmem>>
      %dma_start3A_281 = arith.constant 0 : i32
      %dma_start3A_282 = tpu.memref_slice %arg2[%add3A_275, %dma_start3A_281] : memref<16384x2xf32, #tpu.memory_space<hbm>> -> memref<1024x2xf32, #tpu.memory_space<hbm>>
      tpu.enqueue_dma source(%dma_start3A_282 : memref<1024x2xf32, #tpu.memory_space<hbm>>) target(%dma_start3A_280 : memref<1024x2xf32, #tpu.memory_space<vmem>>) target_semaphore(%arg10 : memref<!tpu.dma_semaphore, #tpu.memory_space<semaphore_mem>>)
    } else {
    }
    %jit3A_35 = arith.constant 1024 : i32
    %jit3A_36 = arith.constant 0 : i32
    %select_n3A_37 = arith.select %ne3A_32, %jit3A_35, %jit3A_36 : i32
    %add3A_38 = arith.constant 0 : i32
    %add3A_39 = arith.addi %add3A_38, %select_n3A_37 : i32
    %and3A_40 = arith.constant 512 : i32
    %and3A_41 = arith.andi %min3A_27, %and3A_40 : i32
    %ne3A_42 = arith.constant 0 : i32
    %ne3A_43 = arith.cmpi ne, %and3A_41, %ne3A_42 : i32
    %convert_element_type3A_44 = arith.extui %ne3A_43 : i1 to i32
    %cond3A_45 = arith.constant 0 : i32
    %cond3A_46 = arith.cmpi ne, %convert_element_type3A_44, %cond3A_45 : i32
    scf.if %cond3A_46 {
      %add3A_275 = arith.addi %add3A, %add3A_39 : i32
      %dma_start3A = arith.constant 0 : i32
      %dma_start3A_276 = tpu.memref_slice %arg9[%add3A_39, %dma_start3A] : memref<1024x2xf32, #tpu.memory_space<vmem>> -> memref<512x2xf32, #tpu.memory_space<vmem>>
      %dma_start3A_277 = arith.constant 0 : i32
      %dma_start3A_278 = tpu.memref_slice %arg2[%add3A_275, %dma_start3A_277] : memref<16384x2xf32, #tpu.memory_space<hbm>> -> memref<512x2xf32, #tpu.memory_space<hbm>>
      %dma_start3A_279 = arith.constant 0 : i32
      %dma_start3A_280 = tpu.memref_slice %arg9[%add3A_39, %dma_start3A_279] : memref<1024x2xf32, #tpu.memory_space<vmem>> -> memref<512x2xf32, #tpu.memory_space<vmem>>
      %dma_start3A_281 = arith.constant 0 : i32
      %dma_start3A_282 = tpu.memref_slice %arg2[%add3A_275, %dma_start3A_281] : memref<16384x2xf32, #tpu.memory_space<hbm>> -> memref<512x2xf32, #tpu.memory_space<hbm>>
      tpu.enqueue_dma source(%dma_start3A_282 : memref<512x2xf32, #tpu.memory_space<hbm>>) target(%dma_start3A_280 : memref<512x2xf32, #tpu.memory_space<vmem>>) target_semaphore(%arg10 : memref<!tpu.dma_semaphore, #tpu.memory_space<semaphore_mem>>)
    } else {
    }
    %jit3A_47 = arith.constant 512 : i32
    %jit3A_48 = arith.constant 0 : i32
    %select_n3A_49 = arith.select %ne3A_43, %jit3A_47, %jit3A_48 : i32
    %add3A_50 = arith.addi %add3A_39, %select_n3A_49 : i32
    %and3A_51 = arith.constant 256 : i32
    %and3A_52 = arith.andi %min3A_27, %and3A_51 : i32
    %ne3A_53 = arith.constant 0 : i32
    %ne3A_54 = arith.cmpi ne, %and3A_52, %ne3A_53 : i32
    %convert_element_type3A_55 = arith.extui %ne3A_54 : i1 to i32
    %cond3A_56 = arith.constant 0 : i32
    %cond3A_57 = arith.cmpi ne, %convert_element_type3A_55, %cond3A_56 : i32
    scf.if %cond3A_57 {
      %add3A_275 = arith.addi %add3A, %add3A_50 : i32
      %dma_start3A = arith.constant 0 : i32
      %dma_start3A_276 = tpu.memref_slice %arg9[%add3A_50, %dma_start3A] : memref<1024x2xf32, #tpu.memory_space<vmem>> -> memref<256x2xf32, #tpu.memory_space<vmem>>
      %dma_start3A_277 = arith.constant 0 : i32
      %dma_start3A_278 = tpu.memref_slice %arg2[%add3A_275, %dma_start3A_277] : memref<16384x2xf32, #tpu.memory_space<hbm>> -> memref<256x2xf32, #tpu.memory_space<hbm>>
      %dma_start3A_279 = arith.constant 0 : i32
      %dma_start3A_280 = tpu.memref_slice %arg9[%add3A_50, %dma_start3A_279] : memref<1024x2xf32, #tpu.memory_space<vmem>> -> memref<256x2xf32, #tpu.memory_space<vmem>>
      %dma_start3A_281 = arith.constant 0 : i32
      %dma_start3A_282 = tpu.memref_slice %arg2[%add3A_275, %dma_start3A_281] : memref<16384x2xf32, #tpu.memory_space<hbm>> -> memref<256x2xf32, #tpu.memory_space<hbm>>
      tpu.enqueue_dma source(%dma_start3A_282 : memref<256x2xf32, #tpu.memory_space<hbm>>) target(%dma_start3A_280 : memref<256x2xf32, #tpu.memory_space<vmem>>) target_semaphore(%arg10 : memref<!tpu.dma_semaphore, #tpu.memory_space<semaphore_mem>>)
    } else {
    }
    %jit3A_58 = arith.constant 256 : i32
    %jit3A_59 = arith.constant 0 : i32
    %select_n3A_60 = arith.select %ne3A_54, %jit3A_58, %jit3A_59 : i32
    %add3A_61 = arith.addi %add3A_50, %select_n3A_60 : i32
    %and3A_62 = arith.constant 128 : i32
    %and3A_63 = arith.andi %min3A_27, %and3A_62 : i32
    %ne3A_64 = arith.constant 0 : i32
    %ne3A_65 = arith.cmpi ne, %and3A_63, %ne3A_64 : i32
    %convert_element_type3A_66 = arith.extui %ne3A_65 : i1 to i32
    %cond3A_67 = arith.constant 0 : i32
    %cond3A_68 = arith.cmpi ne, %convert_element_type3A_66, %cond3A_67 : i32
    scf.if %cond3A_68 {
      %add3A_275 = arith.addi %add3A, %add3A_61 : i32
      %dma_start3A = arith.constant 0 : i32
      %dma_start3A_276 = tpu.memref_slice %arg9[%add3A_61, %dma_start3A] : memref<1024x2xf32, #tpu.memory_space<vmem>> -> memref<128x2xf32, #tpu.memory_space<vmem>>
      %dma_start3A_277 = arith.constant 0 : i32
      %dma_start3A_278 = tpu.memref_slice %arg2[%add3A_275, %dma_start3A_277] : memref<16384x2xf32, #tpu.memory_space<hbm>> -> memref<128x2xf32, #tpu.memory_space<hbm>>
      %dma_start3A_279 = arith.constant 0 : i32
      %dma_start3A_280 = tpu.memref_slice %arg9[%add3A_61, %dma_start3A_279] : memref<1024x2xf32, #tpu.memory_space<vmem>> -> memref<128x2xf32, #tpu.memory_space<vmem>>
      %dma_start3A_281 = arith.constant 0 : i32
      %dma_start3A_282 = tpu.memref_slice %arg2[%add3A_275, %dma_start3A_281] : memref<16384x2xf32, #tpu.memory_space<hbm>> -> memref<128x2xf32, #tpu.memory_space<hbm>>
      tpu.enqueue_dma source(%dma_start3A_282 : memref<128x2xf32, #tpu.memory_space<hbm>>) target(%dma_start3A_280 : memref<128x2xf32, #tpu.memory_space<vmem>>) target_semaphore(%arg10 : memref<!tpu.dma_semaphore, #tpu.memory_space<semaphore_mem>>)
    } else {
    }
    %jit3A_69 = arith.constant 128 : i32
    %jit3A_70 = arith.constant 0 : i32
    %select_n3A_71 = arith.select %ne3A_65, %jit3A_69, %jit3A_70 : i32
    %add3A_72 = arith.addi %add3A_61, %select_n3A_71 : i32
    %and3A_73 = arith.constant 64 : i32
    %and3A_74 = arith.andi %min3A_27, %and3A_73 : i32
    %ne3A_75 = arith.constant 0 : i32
    %ne3A_76 = arith.cmpi ne, %and3A_74, %ne3A_75 : i32
    %convert_element_type3A_77 = arith.extui %ne3A_76 : i1 to i32
    %cond3A_78 = arith.constant 0 : i32
    %cond3A_79 = arith.cmpi ne, %convert_element_type3A_77, %cond3A_78 : i32
    scf.if %cond3A_79 {
      %add3A_275 = arith.addi %add3A, %add3A_72 : i32
      %dma_start3A = arith.constant 0 : i32
      %dma_start3A_276 = tpu.memref_slice %arg9[%add3A_72, %dma_start3A] : memref<1024x2xf32, #tpu.memory_space<vmem>> -> memref<64x2xf32, #tpu.memory_space<vmem>>
      %dma_start3A_277 = arith.constant 0 : i32
      %dma_start3A_278 = tpu.memref_slice %arg2[%add3A_275, %dma_start3A_277] : memref<16384x2xf32, #tpu.memory_space<hbm>> -> memref<64x2xf32, #tpu.memory_space<hbm>>
      %dma_start3A_279 = arith.constant 0 : i32
      %dma_start3A_280 = tpu.memref_slice %arg9[%add3A_72, %dma_start3A_279] : memref<1024x2xf32, #tpu.memory_space<vmem>> -> memref<64x2xf32, #tpu.memory_space<vmem>>
      %dma_start3A_281 = arith.constant 0 : i32
      %dma_start3A_282 = tpu.memref_slice %arg2[%add3A_275, %dma_start3A_281] : memref<16384x2xf32, #tpu.memory_space<hbm>> -> memref<64x2xf32, #tpu.memory_space<hbm>>
      tpu.enqueue_dma source(%dma_start3A_282 : memref<64x2xf32, #tpu.memory_space<hbm>>) target(%dma_start3A_280 : memref<64x2xf32, #tpu.memory_space<vmem>>) target_semaphore(%arg10 : memref<!tpu.dma_semaphore, #tpu.memory_space<semaphore_mem>>)
    } else {
    }
    %jit3A_80 = arith.constant 64 : i32
    %jit3A_81 = arith.constant 0 : i32
    %select_n3A_82 = arith.select %ne3A_76, %jit3A_80, %jit3A_81 : i32
    %add3A_83 = arith.addi %add3A_72, %select_n3A_82 : i32
    %and3A_84 = arith.constant 32 : i32
    %and3A_85 = arith.andi %min3A_27, %and3A_84 : i32
    %ne3A_86 = arith.constant 0 : i32
    %ne3A_87 = arith.cmpi ne, %and3A_85, %ne3A_86 : i32
    %convert_element_type3A_88 = arith.extui %ne3A_87 : i1 to i32
    %cond3A_89 = arith.constant 0 : i32
    %cond3A_90 = arith.cmpi ne, %convert_element_type3A_88, %cond3A_89 : i32
    scf.if %cond3A_90 {
      %add3A_275 = arith.addi %add3A, %add3A_83 : i32
      %dma_start3A = arith.constant 0 : i32
      %dma_start3A_276 = tpu.memref_slice %arg9[%add3A_83, %dma_start3A] : memref<1024x2xf32, #tpu.memory_space<vmem>> -> memref<32x2xf32, #tpu.memory_space<vmem>>
      %dma_start3A_277 = arith.constant 0 : i32
      %dma_start3A_278 = tpu.memref_slice %arg2[%add3A_275, %dma_start3A_277] : memref<16384x2xf32, #tpu.memory_space<hbm>> -> memref<32x2xf32, #tpu.memory_space<hbm>>
      %dma_start3A_279 = arith.constant 0 : i32
      %dma_start3A_280 = tpu.memref_slice %arg9[%add3A_83, %dma_start3A_279] : memref<1024x2xf32, #tpu.memory_space<vmem>> -> memref<32x2xf32, #tpu.memory_space<vmem>>
      %dma_start3A_281 = arith.constant 0 : i32
      %dma_start3A_282 = tpu.memref_slice %arg2[%add3A_275, %dma_start3A_281] : memref<16384x2xf32, #tpu.memory_space<hbm>> -> memref<32x2xf32, #tpu.memory_space<hbm>>
      tpu.enqueue_dma source(%dma_start3A_282 : memref<32x2xf32, #tpu.memory_space<hbm>>) target(%dma_start3A_280 : memref<32x2xf32, #tpu.memory_space<vmem>>) target_semaphore(%arg10 : memref<!tpu.dma_semaphore, #tpu.memory_space<semaphore_mem>>)
    } else {
    }
    %jit3A_91 = arith.constant 32 : i32
    %jit3A_92 = arith.constant 0 : i32
    %select_n3A_93 = arith.select %ne3A_87, %jit3A_91, %jit3A_92 : i32
    %add3A_94 = arith.addi %add3A_83, %select_n3A_93 : i32
    %and3A_95 = arith.constant 16 : i32
    %and3A_96 = arith.andi %min3A_27, %and3A_95 : i32
    %ne3A_97 = arith.constant 0 : i32
    %ne3A_98 = arith.cmpi ne, %and3A_96, %ne3A_97 : i32
    %convert_element_type3A_99 = arith.extui %ne3A_98 : i1 to i32
    %cond3A_100 = arith.constant 0 : i32
    %cond3A_101 = arith.cmpi ne, %convert_element_type3A_99, %cond3A_100 : i32
    scf.if %cond3A_101 {
      %add3A_275 = arith.addi %add3A, %add3A_94 : i32
      %dma_start3A = arith.constant 0 : i32
      %dma_start3A_276 = tpu.memref_slice %arg9[%add3A_94, %dma_start3A] : memref<1024x2xf32, #tpu.memory_space<vmem>> -> memref<16x2xf32, #tpu.memory_space<vmem>>
      %dma_start3A_277 = arith.constant 0 : i32
      %dma_start3A_278 = tpu.memref_slice %arg2[%add3A_275, %dma_start3A_277] : memref<16384x2xf32, #tpu.memory_space<hbm>> -> memref<16x2xf32, #tpu.memory_space<hbm>>
      %dma_start3A_279 = arith.constant 0 : i32
      %dma_start3A_280 = tpu.memref_slice %arg9[%add3A_94, %dma_start3A_279] : memref<1024x2xf32, #tpu.memory_space<vmem>> -> memref<16x2xf32, #tpu.memory_space<vmem>>
      %dma_start3A_281 = arith.constant 0 : i32
      %dma_start3A_282 = tpu.memref_slice %arg2[%add3A_275, %dma_start3A_281] : memref<16384x2xf32, #tpu.memory_space<hbm>> -> memref<16x2xf32, #tpu.memory_space<hbm>>
      tpu.enqueue_dma source(%dma_start3A_282 : memref<16x2xf32, #tpu.memory_space<hbm>>) target(%dma_start3A_280 : memref<16x2xf32, #tpu.memory_space<vmem>>) target_semaphore(%arg10 : memref<!tpu.dma_semaphore, #tpu.memory_space<semaphore_mem>>)
    } else {
    }
    %jit3A_102 = arith.constant 16 : i32
    %jit3A_103 = arith.constant 0 : i32
    %select_n3A_104 = arith.select %ne3A_98, %jit3A_102, %jit3A_103 : i32
    %add3A_105 = arith.addi %add3A_94, %select_n3A_104 : i32
    %and3A_106 = arith.constant 8 : i32
    %and3A_107 = arith.andi %min3A_27, %and3A_106 : i32
    %ne3A_108 = arith.constant 0 : i32
    %ne3A_109 = arith.cmpi ne, %and3A_107, %ne3A_108 : i32
    %convert_element_type3A_110 = arith.extui %ne3A_109 : i1 to i32
    %cond3A_111 = arith.constant 0 : i32
    %cond3A_112 = arith.cmpi ne, %convert_element_type3A_110, %cond3A_111 : i32
    scf.if %cond3A_112 {
      %add3A_275 = arith.addi %add3A, %add3A_105 : i32
      %dma_start3A = arith.constant 0 : i32
      %dma_start3A_276 = tpu.memref_slice %arg9[%add3A_105, %dma_start3A] : memref<1024x2xf32, #tpu.memory_space<vmem>> -> memref<8x2xf32, #tpu.memory_space<vmem>>
      %dma_start3A_277 = arith.constant 0 : i32
      %dma_start3A_278 = tpu.memref_slice %arg2[%add3A_275, %dma_start3A_277] : memref<16384x2xf32, #tpu.memory_space<hbm>> -> memref<8x2xf32, #tpu.memory_space<hbm>>
      %dma_start3A_279 = arith.constant 0 : i32
      %dma_start3A_280 = tpu.memref_slice %arg9[%add3A_105, %dma_start3A_279] : memref<1024x2xf32, #tpu.memory_space<vmem>> -> memref<8x2xf32, #tpu.memory_space<vmem>>
      %dma_start3A_281 = arith.constant 0 : i32
      %dma_start3A_282 = tpu.memref_slice %arg2[%add3A_275, %dma_start3A_281] : memref<16384x2xf32, #tpu.memory_space<hbm>> -> memref<8x2xf32, #tpu.memory_space<hbm>>
      tpu.enqueue_dma source(%dma_start3A_282 : memref<8x2xf32, #tpu.memory_space<hbm>>) target(%dma_start3A_280 : memref<8x2xf32, #tpu.memory_space<vmem>>) target_semaphore(%arg10 : memref<!tpu.dma_semaphore, #tpu.memory_space<semaphore_mem>>)
    } else {
    }
    %jit3A_113 = arith.constant 8 : i32
    %jit3A_114 = arith.constant 0 : i32
    %select_n3A_115 = arith.select %ne3A_109, %jit3A_113, %jit3A_114 : i32
    %add3A_116 = arith.addi %add3A_105, %select_n3A_115 : i32
    %and3A_117 = arith.constant 4 : i32
    %and3A_118 = arith.andi %min3A_27, %and3A_117 : i32
    %ne3A_119 = arith.constant 0 : i32
    %ne3A_120 = arith.cmpi ne, %and3A_118, %ne3A_119 : i32
    %convert_element_type3A_121 = arith.extui %ne3A_120 : i1 to i32
    %cond3A_122 = arith.constant 0 : i32
    %cond3A_123 = arith.cmpi ne, %convert_element_type3A_121, %cond3A_122 : i32
    scf.if %cond3A_123 {
      %add3A_275 = arith.addi %add3A, %add3A_116 : i32
      %dma_start3A = arith.constant 0 : i32
      %dma_start3A_276 = tpu.memref_slice %arg9[%add3A_116, %dma_start3A] : memref<1024x2xf32, #tpu.memory_space<vmem>> -> memref<4x2xf32, #tpu.memory_space<vmem>>
      %dma_start3A_277 = arith.constant 0 : i32
      %dma_start3A_278 = tpu.memref_slice %arg2[%add3A_275, %dma_start3A_277] : memref<16384x2xf32, #tpu.memory_space<hbm>> -> memref<4x2xf32, #tpu.memory_space<hbm>>
      %dma_start3A_279 = arith.constant 0 : i32
      %dma_start3A_280 = tpu.memref_slice %arg9[%add3A_116, %dma_start3A_279] : memref<1024x2xf32, #tpu.memory_space<vmem>> -> memref<4x2xf32, #tpu.memory_space<vmem>>
      %dma_start3A_281 = arith.constant 0 : i32
      %dma_start3A_282 = tpu.memref_slice %arg2[%add3A_275, %dma_start3A_281] : memref<16384x2xf32, #tpu.memory_space<hbm>> -> memref<4x2xf32, #tpu.memory_space<hbm>>
      tpu.enqueue_dma source(%dma_start3A_282 : memref<4x2xf32, #tpu.memory_space<hbm>>) target(%dma_start3A_280 : memref<4x2xf32, #tpu.memory_space<vmem>>) target_semaphore(%arg10 : memref<!tpu.dma_semaphore, #tpu.memory_space<semaphore_mem>>)
    } else {
    }
    %jit3A_124 = arith.constant 4 : i32
    %jit3A_125 = arith.constant 0 : i32
    %select_n3A_126 = arith.select %ne3A_120, %jit3A_124, %jit3A_125 : i32
    %add3A_127 = arith.addi %add3A_116, %select_n3A_126 : i32
    %and3A_128 = arith.constant 2 : i32
    %and3A_129 = arith.andi %min3A_27, %and3A_128 : i32
    %ne3A_130 = arith.constant 0 : i32
    %ne3A_131 = arith.cmpi ne, %and3A_129, %ne3A_130 : i32
    %convert_element_type3A_132 = arith.extui %ne3A_131 : i1 to i32
    %cond3A_133 = arith.constant 0 : i32
    %cond3A_134 = arith.cmpi ne, %convert_element_type3A_132, %cond3A_133 : i32
    scf.if %cond3A_134 {
      %add3A_275 = arith.addi %add3A, %add3A_127 : i32
      %dma_start3A = arith.constant 0 : i32
      %dma_start3A_276 = tpu.memref_slice %arg9[%add3A_127, %dma_start3A] : memref<1024x2xf32, #tpu.memory_space<vmem>> -> memref<2x2xf32, #tpu.memory_space<vmem>>
      %dma_start3A_277 = arith.constant 0 : i32
      %dma_start3A_278 = tpu.memref_slice %arg2[%add3A_275, %dma_start3A_277] : memref<16384x2xf32, #tpu.memory_space<hbm>> -> memref<2x2xf32, #tpu.memory_space<hbm>>
      %dma_start3A_279 = arith.constant 0 : i32
      %dma_start3A_280 = tpu.memref_slice %arg9[%add3A_127, %dma_start3A_279] : memref<1024x2xf32, #tpu.memory_space<vmem>> -> memref<2x2xf32, #tpu.memory_space<vmem>>
      %dma_start3A_281 = arith.constant 0 : i32
      %dma_start3A_282 = tpu.memref_slice %arg2[%add3A_275, %dma_start3A_281] : memref<16384x2xf32, #tpu.memory_space<hbm>> -> memref<2x2xf32, #tpu.memory_space<hbm>>
      tpu.enqueue_dma source(%dma_start3A_282 : memref<2x2xf32, #tpu.memory_space<hbm>>) target(%dma_start3A_280 : memref<2x2xf32, #tpu.memory_space<vmem>>) target_semaphore(%arg10 : memref<!tpu.dma_semaphore, #tpu.memory_space<semaphore_mem>>)
    } else {
    }
    %jit3A_135 = arith.constant 2 : i32
    %jit3A_136 = arith.constant 0 : i32
    %select_n3A_137 = arith.select %ne3A_131, %jit3A_135, %jit3A_136 : i32
    %add3A_138 = arith.addi %add3A_127, %select_n3A_137 : i32
    %and3A_139 = arith.constant 1 : i32
    %and3A_140 = arith.andi %min3A_27, %and3A_139 : i32
    %ne3A_141 = arith.constant 0 : i32
    %ne3A_142 = arith.cmpi ne, %and3A_140, %ne3A_141 : i32
    %convert_element_type3A_143 = arith.extui %ne3A_142 : i1 to i32
    %cond3A_144 = arith.constant 0 : i32
    %cond3A_145 = arith.cmpi ne, %convert_element_type3A_143, %cond3A_144 : i32
    scf.if %cond3A_145 {
      %add3A_275 = arith.addi %add3A, %add3A_138 : i32
      %dma_start3A = arith.constant 0 : i32
      %dma_start3A_276 = tpu.memref_slice %arg9[%add3A_138, %dma_start3A] : memref<1024x2xf32, #tpu.memory_space<vmem>> -> memref<1x2xf32, #tpu.memory_space<vmem>>
      %dma_start3A_277 = arith.constant 0 : i32
      %dma_start3A_278 = tpu.memref_slice %arg2[%add3A_275, %dma_start3A_277] : memref<16384x2xf32, #tpu.memory_space<hbm>> -> memref<1x2xf32, #tpu.memory_space<hbm>>
      %dma_start3A_279 = arith.constant 0 : i32
      %dma_start3A_280 = tpu.memref_slice %arg9[%add3A_138, %dma_start3A_279] : memref<1024x2xf32, #tpu.memory_space<vmem>> -> memref<1x2xf32, #tpu.memory_space<vmem>>
      %dma_start3A_281 = arith.constant 0 : i32
      %dma_start3A_282 = tpu.memref_slice %arg2[%add3A_275, %dma_start3A_281] : memref<16384x2xf32, #tpu.memory_space<hbm>> -> memref<1x2xf32, #tpu.memory_space<hbm>>
      tpu.enqueue_dma source(%dma_start3A_282 : memref<1x2xf32, #tpu.memory_space<hbm>>) target(%dma_start3A_280 : memref<1x2xf32, #tpu.memory_space<vmem>>) target_semaphore(%arg10 : memref<!tpu.dma_semaphore, #tpu.memory_space<semaphore_mem>>)
    } else {
    }
    %jit3A_146 = arith.constant 1 : i32
    %jit3A_147 = arith.constant 0 : i32
    %select_n3A_148 = arith.select %ne3A_142, %jit3A_146, %jit3A_147 : i32
    %add3A_149 = arith.addi %add3A_138, %select_n3A_148 : i32
    %sub3A_150 = arith.constant 1024 : i32
    %sub3A_151 = arith.subi %sub3A_150, %min3A_27 : i32
    %and3A_152 = arith.constant 1024 : i32
    %and3A_153 = arith.andi %sub3A_151, %and3A_152 : i32
    %ne3A_154 = arith.constant 0 : i32
    %ne3A_155 = arith.cmpi ne, %and3A_153, %ne3A_154 : i32
    %convert_element_type3A_156 = arith.extui %ne3A_155 : i1 to i32
    %cond3A_157 = arith.constant 0 : i32
    %cond3A_158 = arith.constant 0 : i32
    %cond3A_159 = arith.cmpi ne, %convert_element_type3A_156, %cond3A_158 : i32
    scf.if %cond3A_159 {
      %add3A_275 = arith.addi %min3A_27, %cond3A_157 : i32
      %dma_start3A = arith.constant 0 : i32
      %dma_start3A_276 = tpu.memref_slice %arg9[%add3A_275, %dma_start3A] : memref<1024x2xf32, #tpu.memory_space<vmem>> -> memref<1024x2xf32, #tpu.memory_space<vmem>>
      %dma_start3A_277 = arith.constant 0 : i32
      %dma_start3A_278 = arith.constant 0 : i32
      %dma_start3A_279 = tpu.memref_slice %arg3[%dma_start3A_277, %dma_start3A_278] : memref<1024x2xf32, #tpu.memory_space<hbm>> -> memref<1024x2xf32, #tpu.memory_space<hbm>>
      %dma_start3A_280 = arith.constant 0 : i32
      %dma_start3A_281 = tpu.memref_slice %arg9[%add3A_275, %dma_start3A_280] : memref<1024x2xf32, #tpu.memory_space<vmem>> -> memref<1024x2xf32, #tpu.memory_space<vmem>>
      %dma_start3A_282 = arith.constant 0 : i32
      %dma_start3A_283 = arith.constant 0 : i32
      %dma_start3A_284 = tpu.memref_slice %arg3[%dma_start3A_282, %dma_start3A_283] : memref<1024x2xf32, #tpu.memory_space<hbm>> -> memref<1024x2xf32, #tpu.memory_space<hbm>>
      tpu.enqueue_dma source(%dma_start3A_284 : memref<1024x2xf32, #tpu.memory_space<hbm>>) target(%dma_start3A_281 : memref<1024x2xf32, #tpu.memory_space<vmem>>) target_semaphore(%arg10 : memref<!tpu.dma_semaphore, #tpu.memory_space<semaphore_mem>>)
    } else {
    }
    %jit3A_160 = arith.constant 1024 : i32
    %jit3A_161 = arith.constant 0 : i32
    %select_n3A_162 = arith.select %ne3A_155, %jit3A_160, %jit3A_161 : i32
    %add3A_163 = arith.constant 0 : i32
    %add3A_164 = arith.addi %add3A_163, %select_n3A_162 : i32
    %and3A_165 = arith.constant 512 : i32
    %and3A_166 = arith.andi %sub3A_151, %and3A_165 : i32
    %ne3A_167 = arith.constant 0 : i32
    %ne3A_168 = arith.cmpi ne, %and3A_166, %ne3A_167 : i32
    %convert_element_type3A_169 = arith.extui %ne3A_168 : i1 to i32
    %cond3A_170 = arith.constant 0 : i32
    %cond3A_171 = arith.cmpi ne, %convert_element_type3A_169, %cond3A_170 : i32
    scf.if %cond3A_171 {
      %add3A_275 = arith.addi %min3A_27, %add3A_164 : i32
      %dma_start3A = arith.constant 0 : i32
      %dma_start3A_276 = tpu.memref_slice %arg9[%add3A_275, %dma_start3A] : memref<1024x2xf32, #tpu.memory_space<vmem>> -> memref<512x2xf32, #tpu.memory_space<vmem>>
      %dma_start3A_277 = arith.constant 0 : i32
      %dma_start3A_278 = arith.constant 0 : i32
      %dma_start3A_279 = tpu.memref_slice %arg3[%dma_start3A_277, %dma_start3A_278] : memref<1024x2xf32, #tpu.memory_space<hbm>> -> memref<512x2xf32, #tpu.memory_space<hbm>>
      %dma_start3A_280 = arith.constant 0 : i32
      %dma_start3A_281 = tpu.memref_slice %arg9[%add3A_275, %dma_start3A_280] : memref<1024x2xf32, #tpu.memory_space<vmem>> -> memref<512x2xf32, #tpu.memory_space<vmem>>
      %dma_start3A_282 = arith.constant 0 : i32
      %dma_start3A_283 = arith.constant 0 : i32
      %dma_start3A_284 = tpu.memref_slice %arg3[%dma_start3A_282, %dma_start3A_283] : memref<1024x2xf32, #tpu.memory_space<hbm>> -> memref<512x2xf32, #tpu.memory_space<hbm>>
      tpu.enqueue_dma source(%dma_start3A_284 : memref<512x2xf32, #tpu.memory_space<hbm>>) target(%dma_start3A_281 : memref<512x2xf32, #tpu.memory_space<vmem>>) target_semaphore(%arg10 : memref<!tpu.dma_semaphore, #tpu.memory_space<semaphore_mem>>)
    } else {
    }
    %jit3A_172 = arith.constant 512 : i32
    %jit3A_173 = arith.constant 0 : i32
    %select_n3A_174 = arith.select %ne3A_168, %jit3A_172, %jit3A_173 : i32
    %add3A_175 = arith.addi %add3A_164, %select_n3A_174 : i32
    %and3A_176 = arith.constant 256 : i32
    %and3A_177 = arith.andi %sub3A_151, %and3A_176 : i32
    %ne3A_178 = arith.constant 0 : i32
    %ne3A_179 = arith.cmpi ne, %and3A_177, %ne3A_178 : i32
    %convert_element_type3A_180 = arith.extui %ne3A_179 : i1 to i32
    %cond3A_181 = arith.constant 0 : i32
    %cond3A_182 = arith.cmpi ne, %convert_element_type3A_180, %cond3A_181 : i32
    scf.if %cond3A_182 {
      %add3A_275 = arith.addi %min3A_27, %add3A_175 : i32
      %dma_start3A = arith.constant 0 : i32
      %dma_start3A_276 = tpu.memref_slice %arg9[%add3A_275, %dma_start3A] : memref<1024x2xf32, #tpu.memory_space<vmem>> -> memref<256x2xf32, #tpu.memory_space<vmem>>
      %dma_start3A_277 = arith.constant 0 : i32
      %dma_start3A_278 = arith.constant 0 : i32
      %dma_start3A_279 = tpu.memref_slice %arg3[%dma_start3A_277, %dma_start3A_278] : memref<1024x2xf32, #tpu.memory_space<hbm>> -> memref<256x2xf32, #tpu.memory_space<hbm>>
      %dma_start3A_280 = arith.constant 0 : i32
      %dma_start3A_281 = tpu.memref_slice %arg9[%add3A_275, %dma_start3A_280] : memref<1024x2xf32, #tpu.memory_space<vmem>> -> memref<256x2xf32, #tpu.memory_space<vmem>>
      %dma_start3A_282 = arith.constant 0 : i32
      %dma_start3A_283 = arith.constant 0 : i32
      %dma_start3A_284 = tpu.memref_slice %arg3[%dma_start3A_282, %dma_start3A_283] : memref<1024x2xf32, #tpu.memory_space<hbm>> -> memref<256x2xf32, #tpu.memory_space<hbm>>
      tpu.enqueue_dma source(%dma_start3A_284 : memref<256x2xf32, #tpu.memory_space<hbm>>) target(%dma_start3A_281 : memref<256x2xf32, #tpu.memory_space<vmem>>) target_semaphore(%arg10 : memref<!tpu.dma_semaphore, #tpu.memory_space<semaphore_mem>>)
    } else {
    }
    %jit3A_183 = arith.constant 256 : i32
    %jit3A_184 = arith.constant 0 : i32
    %select_n3A_185 = arith.select %ne3A_179, %jit3A_183, %jit3A_184 : i32
    %add3A_186 = arith.addi %add3A_175, %select_n3A_185 : i32
    %and3A_187 = arith.constant 128 : i32
    %and3A_188 = arith.andi %sub3A_151, %and3A_187 : i32
    %ne3A_189 = arith.constant 0 : i32
    %ne3A_190 = arith.cmpi ne, %and3A_188, %ne3A_189 : i32
    %convert_element_type3A_191 = arith.extui %ne3A_190 : i1 to i32
    %cond3A_192 = arith.constant 0 : i32
    %cond3A_193 = arith.cmpi ne, %convert_element_type3A_191, %cond3A_192 : i32
    scf.if %cond3A_193 {
      %add3A_275 = arith.addi %min3A_27, %add3A_186 : i32
      %dma_start3A = arith.constant 0 : i32
      %dma_start3A_276 = tpu.memref_slice %arg9[%add3A_275, %dma_start3A] : memref<1024x2xf32, #tpu.memory_space<vmem>> -> memref<128x2xf32, #tpu.memory_space<vmem>>
      %dma_start3A_277 = arith.constant 0 : i32
      %dma_start3A_278 = arith.constant 0 : i32
      %dma_start3A_279 = tpu.memref_slice %arg3[%dma_start3A_277, %dma_start3A_278] : memref<1024x2xf32, #tpu.memory_space<hbm>> -> memref<128x2xf32, #tpu.memory_space<hbm>>
      %dma_start3A_280 = arith.constant 0 : i32
      %dma_start3A_281 = tpu.memref_slice %arg9[%add3A_275, %dma_start3A_280] : memref<1024x2xf32, #tpu.memory_space<vmem>> -> memref<128x2xf32, #tpu.memory_space<vmem>>
      %dma_start3A_282 = arith.constant 0 : i32
      %dma_start3A_283 = arith.constant 0 : i32
      %dma_start3A_284 = tpu.memref_slice %arg3[%dma_start3A_282, %dma_start3A_283] : memref<1024x2xf32, #tpu.memory_space<hbm>> -> memref<128x2xf32, #tpu.memory_space<hbm>>
      tpu.enqueue_dma source(%dma_start3A_284 : memref<128x2xf32, #tpu.memory_space<hbm>>) target(%dma_start3A_281 : memref<128x2xf32, #tpu.memory_space<vmem>>) target_semaphore(%arg10 : memref<!tpu.dma_semaphore, #tpu.memory_space<semaphore_mem>>)
    } else {
    }
    %jit3A_194 = arith.constant 128 : i32
    %jit3A_195 = arith.constant 0 : i32
    %select_n3A_196 = arith.select %ne3A_190, %jit3A_194, %jit3A_195 : i32
    %add3A_197 = arith.addi %add3A_186, %select_n3A_196 : i32
    %and3A_198 = arith.constant 64 : i32
    %and3A_199 = arith.andi %sub3A_151, %and3A_198 : i32
    %ne3A_200 = arith.constant 0 : i32
    %ne3A_201 = arith.cmpi ne, %and3A_199, %ne3A_200 : i32
    %convert_element_type3A_202 = arith.extui %ne3A_201 : i1 to i32
    %cond3A_203 = arith.constant 0 : i32
    %cond3A_204 = arith.cmpi ne, %convert_element_type3A_202, %cond3A_203 : i32
    scf.if %cond3A_204 {
      %add3A_275 = arith.addi %min3A_27, %add3A_197 : i32
      %dma_start3A = arith.constant 0 : i32
      %dma_start3A_276 = tpu.memref_slice %arg9[%add3A_275, %dma_start3A] : memref<1024x2xf32, #tpu.memory_space<vmem>> -> memref<64x2xf32, #tpu.memory_space<vmem>>
      %dma_start3A_277 = arith.constant 0 : i32
      %dma_start3A_278 = arith.constant 0 : i32
      %dma_start3A_279 = tpu.memref_slice %arg3[%dma_start3A_277, %dma_start3A_278] : memref<1024x2xf32, #tpu.memory_space<hbm>> -> memref<64x2xf32, #tpu.memory_space<hbm>>
      %dma_start3A_280 = arith.constant 0 : i32
      %dma_start3A_281 = tpu.memref_slice %arg9[%add3A_275, %dma_start3A_280] : memref<1024x2xf32, #tpu.memory_space<vmem>> -> memref<64x2xf32, #tpu.memory_space<vmem>>
      %dma_start3A_282 = arith.constant 0 : i32
      %dma_start3A_283 = arith.constant 0 : i32
      %dma_start3A_284 = tpu.memref_slice %arg3[%dma_start3A_282, %dma_start3A_283] : memref<1024x2xf32, #tpu.memory_space<hbm>> -> memref<64x2xf32, #tpu.memory_space<hbm>>
      tpu.enqueue_dma source(%dma_start3A_284 : memref<64x2xf32, #tpu.memory_space<hbm>>) target(%dma_start3A_281 : memref<64x2xf32, #tpu.memory_space<vmem>>) target_semaphore(%arg10 : memref<!tpu.dma_semaphore, #tpu.memory_space<semaphore_mem>>)
    } else {
    }
    %jit3A_205 = arith.constant 64 : i32
    %jit3A_206 = arith.constant 0 : i32
    %select_n3A_207 = arith.select %ne3A_201, %jit3A_205, %jit3A_206 : i32
    %add3A_208 = arith.addi %add3A_197, %select_n3A_207 : i32
    %and3A_209 = arith.constant 32 : i32
    %and3A_210 = arith.andi %sub3A_151, %and3A_209 : i32
    %ne3A_211 = arith.constant 0 : i32
    %ne3A_212 = arith.cmpi ne, %and3A_210, %ne3A_211 : i32
    %convert_element_type3A_213 = arith.extui %ne3A_212 : i1 to i32
    %cond3A_214 = arith.constant 0 : i32
    %cond3A_215 = arith.cmpi ne, %convert_element_type3A_213, %cond3A_214 : i32
    scf.if %cond3A_215 {
      %add3A_275 = arith.addi %min3A_27, %add3A_208 : i32
      %dma_start3A = arith.constant 0 : i32
      %dma_start3A_276 = tpu.memref_slice %arg9[%add3A_275, %dma_start3A] : memref<1024x2xf32, #tpu.memory_space<vmem>> -> memref<32x2xf32, #tpu.memory_space<vmem>>
      %dma_start3A_277 = arith.constant 0 : i32
      %dma_start3A_278 = arith.constant 0 : i32
      %dma_start3A_279 = tpu.memref_slice %arg3[%dma_start3A_277, %dma_start3A_278] : memref<1024x2xf32, #tpu.memory_space<hbm>> -> memref<32x2xf32, #tpu.memory_space<hbm>>
      %dma_start3A_280 = arith.constant 0 : i32
      %dma_start3A_281 = tpu.memref_slice %arg9[%add3A_275, %dma_start3A_280] : memref<1024x2xf32, #tpu.memory_space<vmem>> -> memref<32x2xf32, #tpu.memory_space<vmem>>
      %dma_start3A_282 = arith.constant 0 : i32
      %dma_start3A_283 = arith.constant 0 : i32
      %dma_start3A_284 = tpu.memref_slice %arg3[%dma_start3A_282, %dma_start3A_283] : memref<1024x2xf32, #tpu.memory_space<hbm>> -> memref<32x2xf32, #tpu.memory_space<hbm>>
      tpu.enqueue_dma source(%dma_start3A_284 : memref<32x2xf32, #tpu.memory_space<hbm>>) target(%dma_start3A_281 : memref<32x2xf32, #tpu.memory_space<vmem>>) target_semaphore(%arg10 : memref<!tpu.dma_semaphore, #tpu.memory_space<semaphore_mem>>)
    } else {
    }
    %jit3A_216 = arith.constant 32 : i32
    %jit3A_217 = arith.constant 0 : i32
    %select_n3A_218 = arith.select %ne3A_212, %jit3A_216, %jit3A_217 : i32
    %add3A_219 = arith.addi %add3A_208, %select_n3A_218 : i32
    %and3A_220 = arith.constant 16 : i32
    %and3A_221 = arith.andi %sub3A_151, %and3A_220 : i32
    %ne3A_222 = arith.constant 0 : i32
    %ne3A_223 = arith.cmpi ne, %and3A_221, %ne3A_222 : i32
    %convert_element_type3A_224 = arith.extui %ne3A_223 : i1 to i32
    %cond3A_225 = arith.constant 0 : i32
    %cond3A_226 = arith.cmpi ne, %convert_element_type3A_224, %cond3A_225 : i32
    scf.if %cond3A_226 {
      %add3A_275 = arith.addi %min3A_27, %add3A_219 : i32
      %dma_start3A = arith.constant 0 : i32
      %dma_start3A_276 = tpu.memref_slice %arg9[%add3A_275, %dma_start3A] : memref<1024x2xf32, #tpu.memory_space<vmem>> -> memref<16x2xf32, #tpu.memory_space<vmem>>
      %dma_start3A_277 = arith.constant 0 : i32
      %dma_start3A_278 = arith.constant 0 : i32
      %dma_start3A_279 = tpu.memref_slice %arg3[%dma_start3A_277, %dma_start3A_278] : memref<1024x2xf32, #tpu.memory_space<hbm>> -> memref<16x2xf32, #tpu.memory_space<hbm>>
      %dma_start3A_280 = arith.constant 0 : i32
      %dma_start3A_281 = tpu.memref_slice %arg9[%add3A_275, %dma_start3A_280] : memref<1024x2xf32, #tpu.memory_space<vmem>> -> memref<16x2xf32, #tpu.memory_space<vmem>>
      %dma_start3A_282 = arith.constant 0 : i32
      %dma_start3A_283 = arith.constant 0 : i32
      %dma_start3A_284 = tpu.memref_slice %arg3[%dma_start3A_282, %dma_start3A_283] : memref<1024x2xf32, #tpu.memory_space<hbm>> -> memref<16x2xf32, #tpu.memory_space<hbm>>
      tpu.enqueue_dma source(%dma_start3A_284 : memref<16x2xf32, #tpu.memory_space<hbm>>) target(%dma_start3A_281 : memref<16x2xf32, #tpu.memory_space<vmem>>) target_semaphore(%arg10 : memref<!tpu.dma_semaphore, #tpu.memory_space<semaphore_mem>>)
    } else {
    }
    %jit3A_227 = arith.constant 16 : i32
    %jit3A_228 = arith.constant 0 : i32
    %select_n3A_229 = arith.select %ne3A_223, %jit3A_227, %jit3A_228 : i32
    %add3A_230 = arith.addi %add3A_219, %select_n3A_229 : i32
    %and3A_231 = arith.constant 8 : i32
    %and3A_232 = arith.andi %sub3A_151, %and3A_231 : i32
    %ne3A_233 = arith.constant 0 : i32
    %ne3A_234 = arith.cmpi ne, %and3A_232, %ne3A_233 : i32
    %convert_element_type3A_235 = arith.extui %ne3A_234 : i1 to i32
    %cond3A_236 = arith.constant 0 : i32
    %cond3A_237 = arith.cmpi ne, %convert_element_type3A_235, %cond3A_236 : i32
    scf.if %cond3A_237 {
      %add3A_275 = arith.addi %min3A_27, %add3A_230 : i32
      %dma_start3A = arith.constant 0 : i32
      %dma_start3A_276 = tpu.memref_slice %arg9[%add3A_275, %dma_start3A] : memref<1024x2xf32, #tpu.memory_space<vmem>> -> memref<8x2xf32, #tpu.memory_space<vmem>>
      %dma_start3A_277 = arith.constant 0 : i32
      %dma_start3A_278 = arith.constant 0 : i32
      %dma_start3A_279 = tpu.memref_slice %arg3[%dma_start3A_277, %dma_start3A_278] : memref<1024x2xf32, #tpu.memory_space<hbm>> -> memref<8x2xf32, #tpu.memory_space<hbm>>
      %dma_start3A_280 = arith.constant 0 : i32
      %dma_start3A_281 = tpu.memref_slice %arg9[%add3A_275, %dma_start3A_280] : memref<1024x2xf32, #tpu.memory_space<vmem>> -> memref<8x2xf32, #tpu.memory_space<vmem>>
      %dma_start3A_282 = arith.constant 0 : i32
      %dma_start3A_283 = arith.constant 0 : i32
      %dma_start3A_284 = tpu.memref_slice %arg3[%dma_start3A_282, %dma_start3A_283] : memref<1024x2xf32, #tpu.memory_space<hbm>> -> memref<8x2xf32, #tpu.memory_space<hbm>>
      tpu.enqueue_dma source(%dma_start3A_284 : memref<8x2xf32, #tpu.memory_space<hbm>>) target(%dma_start3A_281 : memref<8x2xf32, #tpu.memory_space<vmem>>) target_semaphore(%arg10 : memref<!tpu.dma_semaphore, #tpu.memory_space<semaphore_mem>>)
    } else {
    }
    %jit3A_238 = arith.constant 8 : i32
    %jit3A_239 = arith.constant 0 : i32
    %select_n3A_240 = arith.select %ne3A_234, %jit3A_238, %jit3A_239 : i32
    %add3A_241 = arith.addi %add3A_230, %select_n3A_240 : i32
    %and3A_242 = arith.constant 4 : i32
    %and3A_243 = arith.andi %sub3A_151, %and3A_242 : i32
    %ne3A_244 = arith.constant 0 : i32
    %ne3A_245 = arith.cmpi ne, %and3A_243, %ne3A_244 : i32
    %convert_element_type3A_246 = arith.extui %ne3A_245 : i1 to i32
    %cond3A_247 = arith.constant 0 : i32
    %cond3A_248 = arith.cmpi ne, %convert_element_type3A_246, %cond3A_247 : i32
    scf.if %cond3A_248 {
      %add3A_275 = arith.addi %min3A_27, %add3A_241 : i32
      %dma_start3A = arith.constant 0 : i32
      %dma_start3A_276 = tpu.memref_slice %arg9[%add3A_275, %dma_start3A] : memref<1024x2xf32, #tpu.memory_space<vmem>> -> memref<4x2xf32, #tpu.memory_space<vmem>>
      %dma_start3A_277 = arith.constant 0 : i32
      %dma_start3A_278 = arith.constant 0 : i32
      %dma_start3A_279 = tpu.memref_slice %arg3[%dma_start3A_277, %dma_start3A_278] : memref<1024x2xf32, #tpu.memory_space<hbm>> -> memref<4x2xf32, #tpu.memory_space<hbm>>
      %dma_start3A_280 = arith.constant 0 : i32
      %dma_start3A_281 = tpu.memref_slice %arg9[%add3A_275, %dma_start3A_280] : memref<1024x2xf32, #tpu.memory_space<vmem>> -> memref<4x2xf32, #tpu.memory_space<vmem>>
      %dma_start3A_282 = arith.constant 0 : i32
      %dma_start3A_283 = arith.constant 0 : i32
      %dma_start3A_284 = tpu.memref_slice %arg3[%dma_start3A_282, %dma_start3A_283] : memref<1024x2xf32, #tpu.memory_space<hbm>> -> memref<4x2xf32, #tpu.memory_space<hbm>>
      tpu.enqueue_dma source(%dma_start3A_284 : memref<4x2xf32, #tpu.memory_space<hbm>>) target(%dma_start3A_281 : memref<4x2xf32, #tpu.memory_space<vmem>>) target_semaphore(%arg10 : memref<!tpu.dma_semaphore, #tpu.memory_space<semaphore_mem>>)
    } else {
    }
    %jit3A_249 = arith.constant 4 : i32
    %jit3A_250 = arith.constant 0 : i32
    %select_n3A_251 = arith.select %ne3A_245, %jit3A_249, %jit3A_250 : i32
    %add3A_252 = arith.addi %add3A_241, %select_n3A_251 : i32
    %and3A_253 = arith.constant 2 : i32
    %and3A_254 = arith.andi %sub3A_151, %and3A_253 : i32
    %ne3A_255 = arith.constant 0 : i32
    %ne3A_256 = arith.cmpi ne, %and3A_254, %ne3A_255 : i32
    %convert_element_type3A_257 = arith.extui %ne3A_256 : i1 to i32
    %cond3A_258 = arith.constant 0 : i32
    %cond3A_259 = arith.cmpi ne, %convert_element_type3A_257, %cond3A_258 : i32
    scf.if %cond3A_259 {
      %add3A_275 = arith.addi %min3A_27, %add3A_252 : i32
      %dma_start3A = arith.constant 0 : i32
      %dma_start3A_276 = tpu.memref_slice %arg9[%add3A_275, %dma_start3A] : memref<1024x2xf32, #tpu.memory_space<vmem>> -> memref<2x2xf32, #tpu.memory_space<vmem>>
      %dma_start3A_277 = arith.constant 0 : i32
      %dma_start3A_278 = arith.constant 0 : i32
      %dma_start3A_279 = tpu.memref_slice %arg3[%dma_start3A_277, %dma_start3A_278] : memref<1024x2xf32, #tpu.memory_space<hbm>> -> memref<2x2xf32, #tpu.memory_space<hbm>>
      %dma_start3A_280 = arith.constant 0 : i32
      %dma_start3A_281 = tpu.memref_slice %arg9[%add3A_275, %dma_start3A_280] : memref<1024x2xf32, #tpu.memory_space<vmem>> -> memref<2x2xf32, #tpu.memory_space<vmem>>
      %dma_start3A_282 = arith.constant 0 : i32
      %dma_start3A_283 = arith.constant 0 : i32
      %dma_start3A_284 = tpu.memref_slice %arg3[%dma_start3A_282, %dma_start3A_283] : memref<1024x2xf32, #tpu.memory_space<hbm>> -> memref<2x2xf32, #tpu.memory_space<hbm>>
      tpu.enqueue_dma source(%dma_start3A_284 : memref<2x2xf32, #tpu.memory_space<hbm>>) target(%dma_start3A_281 : memref<2x2xf32, #tpu.memory_space<vmem>>) target_semaphore(%arg10 : memref<!tpu.dma_semaphore, #tpu.memory_space<semaphore_mem>>)
    } else {
    }
    %jit3A_260 = arith.constant 2 : i32
    %jit3A_261 = arith.constant 0 : i32
    %select_n3A_262 = arith.select %ne3A_256, %jit3A_260, %jit3A_261 : i32
    %add3A_263 = arith.addi %add3A_252, %select_n3A_262 : i32
    %and3A_264 = arith.constant 1 : i32
    %and3A_265 = arith.andi %sub3A_151, %and3A_264 : i32
    %ne3A_266 = arith.constant 0 : i32
    %ne3A_267 = arith.cmpi ne, %and3A_265, %ne3A_266 : i32
    %convert_element_type3A_268 = arith.extui %ne3A_267 : i1 to i32
    %cond3A_269 = arith.constant 0 : i32
    %cond3A_270 = arith.cmpi ne, %convert_element_type3A_268, %cond3A_269 : i32
    scf.if %cond3A_270 {
      %add3A_275 = arith.addi %min3A_27, %add3A_263 : i32
      %dma_start3A = arith.constant 0 : i32
      %dma_start3A_276 = tpu.memref_slice %arg9[%add3A_275, %dma_start3A] : memref<1024x2xf32, #tpu.memory_space<vmem>> -> memref<1x2xf32, #tpu.memory_space<vmem>>
      %dma_start3A_277 = arith.constant 0 : i32
      %dma_start3A_278 = arith.constant 0 : i32
      %dma_start3A_279 = tpu.memref_slice %arg3[%dma_start3A_277, %dma_start3A_278] : memref<1024x2xf32, #tpu.memory_space<hbm>> -> memref<1x2xf32, #tpu.memory_space<hbm>>
      %dma_start3A_280 = arith.constant 0 : i32
      %dma_start3A_281 = tpu.memref_slice %arg9[%add3A_275, %dma_start3A_280] : memref<1024x2xf32, #tpu.memory_space<vmem>> -> memref<1x2xf32, #tpu.memory_space<vmem>>
      %dma_start3A_282 = arith.constant 0 : i32
      %dma_start3A_283 = arith.constant 0 : i32
      %dma_start3A_284 = tpu.memref_slice %arg3[%dma_start3A_282, %dma_start3A_283] : memref<1024x2xf32, #tpu.memory_space<hbm>> -> memref<1x2xf32, #tpu.memory_space<hbm>>
      tpu.enqueue_dma source(%dma_start3A_284 : memref<1x2xf32, #tpu.memory_space<hbm>>) target(%dma_start3A_281 : memref<1x2xf32, #tpu.memory_space<vmem>>) target_semaphore(%arg10 : memref<!tpu.dma_semaphore, #tpu.memory_space<semaphore_mem>>)
    } else {
    }
    %jit3A_271 = arith.constant 1 : i32
    %jit3A_272 = arith.constant 0 : i32
    %select_n3A_273 = arith.select %ne3A_267, %jit3A_271, %jit3A_272 : i32
    %add3A_274 = arith.addi %add3A_263, %select_n3A_273 : i32
    tpu.wait_dma2 semaphore(%arg10 : memref<!tpu.dma_semaphore, #tpu.memory_space<semaphore_mem>>) src(%arg3 : memref<1024x2xf32, #tpu.memory_space<hbm>>) dst(%arg9 : memref<1024x2xf32, #tpu.memory_space<vmem>>)
    "tpu.region"() ({
      %run_scoped3A = tpu.sem_alloc : memref<!tpu.dma_semaphore, #tpu.memory_space<semaphore_mem>>
      %dma_start3A = arith.constant 0 : i32
      %dma_start3A_275 = tpu.memref_slice %arg6[%add3A_30, %dma_start3A] : memref<32768x2xf32, #tpu.memory_space<hbm>> -> memref<1024x2xf32, #tpu.memory_space<hbm>>
      %dma_start3A_276 = arith.constant 0 : i32
      %dma_start3A_277 = tpu.memref_slice %arg6[%add3A_30, %dma_start3A_276] : memref<32768x2xf32, #tpu.memory_space<hbm>> -> memref<1024x2xf32, #tpu.memory_space<hbm>>
      tpu.enqueue_dma source(%arg9 : memref<1024x2xf32, #tpu.memory_space<vmem>>) target(%dma_start3A_277 : memref<1024x2xf32, #tpu.memory_space<hbm>>) target_semaphore(%run_scoped3A : memref<!tpu.dma_semaphore, #tpu.memory_space<semaphore_mem>>)
      %dma_wait3A = arith.constant 0 : i32
      %dma_wait3A_278 = tpu.memref_slice %arg6[%add3A_30, %dma_wait3A] : memref<32768x2xf32, #tpu.memory_space<hbm>> -> memref<1024x2xf32, #tpu.memory_space<hbm>>
      %dma_wait3A_279 = arith.constant 0 : i32
      %dma_wait3A_280 = tpu.memref_slice %arg6[%add3A_30, %dma_wait3A_279] : memref<32768x2xf32, #tpu.memory_space<hbm>> -> memref<1024x2xf32, #tpu.memory_space<hbm>>
      tpu.wait_dma2 semaphore(%run_scoped3A : memref<!tpu.dma_semaphore, #tpu.memory_space<semaphore_mem>>) src(%arg9 : memref<1024x2xf32, #tpu.memory_space<vmem>>) dst(%dma_wait3A_280 : memref<1024x2xf32, #tpu.memory_space<hbm>>)
      tpu.yield
    }) : () -> ()
    return
  }
}

#map = affine_map<(d0, d1) -> (0, 0)>
#map1 = affine_map<(d0, d1) -> (0)>
module attributes {stable_mosaic.version = 14 : i64} {
  func.func @_sc_feats_body(%arg0: i32, %arg1: i32, %arg2: memref<16384x256xf32, #tpu.memory_space<hbm>>, %arg3: memref<128x256xf32, #tpu.memory_space<hbm>>, %arg4: memref<16xi32, #tpu.memory_space<hbm>>, %arg5: memref<16xi32, #tpu.memory_space<hbm>>, %arg6: memref<32768x256xf32, #tpu.memory_space<hbm>>, %arg7: memref<16xi32, #tpu.memory_space<vmem>>, %arg8: memref<16xi32, #tpu.memory_space<vmem>>, %arg9: memref<256x256xf32, #tpu.memory_space<vmem>>, %arg10: memref<128x256xf32, #tpu.memory_space<vmem>>) attributes {dimension_semantics = [#tpu.dimension_semantics<core_parallel>, #tpu.dimension_semantics<subcore_parallel>], iteration_bounds = array<i64: 2, 16>, scalar_prefetch = 0 : i64, scratch_operands = 4 : i64, tpu.core_type = #tpu.core_type<sc_vector_subcore>, window_params = [{transform_indices = #map}, {transform_indices = #map}, {transform_indices = #map1}, {transform_indices = #map1}, {transform_indices = #map}]} {
    "tpu.region"() ({
      %run_scoped3A = tpu.sem_alloc : memref<!tpu.dma_semaphore, #tpu.memory_space<semaphore_mem>>
      tpu.enqueue_dma source(%arg4 : memref<16xi32, #tpu.memory_space<hbm>>) target(%arg7 : memref<16xi32, #tpu.memory_space<vmem>>) target_semaphore(%run_scoped3A : memref<!tpu.dma_semaphore, #tpu.memory_space<semaphore_mem>>)
      tpu.wait_dma2 semaphore(%run_scoped3A : memref<!tpu.dma_semaphore, #tpu.memory_space<semaphore_mem>>) src(%arg4 : memref<16xi32, #tpu.memory_space<hbm>>) dst(%arg7 : memref<16xi32, #tpu.memory_space<vmem>>)
      tpu.yield
    }) : () -> ()
    "tpu.region"() ({
      %run_scoped3A = tpu.sem_alloc : memref<!tpu.dma_semaphore, #tpu.memory_space<semaphore_mem>>
      tpu.enqueue_dma source(%arg5 : memref<16xi32, #tpu.memory_space<hbm>>) target(%arg8 : memref<16xi32, #tpu.memory_space<vmem>>) target_semaphore(%run_scoped3A : memref<!tpu.dma_semaphore, #tpu.memory_space<semaphore_mem>>)
      tpu.wait_dma2 semaphore(%run_scoped3A : memref<!tpu.dma_semaphore, #tpu.memory_space<semaphore_mem>>) src(%arg5 : memref<16xi32, #tpu.memory_space<hbm>>) dst(%arg8 : memref<16xi32, #tpu.memory_space<vmem>>)
      tpu.yield
    }) : () -> ()
    %iota3A = tpu.iota {dimensions = array<i32: 0>} : vector<16xi32>
    %eq3A = vector.broadcast %arg1 : i32 to vector<16xi32>
    %eq3A_0 = arith.cmpi eq, %iota3A, %eq3A : vector<16xi32>
    %get3A = arith.constant 0 : index
    %get3A_1 = tpu.vector_load %arg7[%get3A] {strides = array<i32>} : memref<16xi32, #tpu.memory_space<vmem>>, vector<16xi32>,
    %jit3A = arith.constant -2147483648 : i32
    %broadcast_in_dim3A = vector.broadcast %jit3A : i32 to vector<16xi32>
    %select_n3A = arith.select %eq3A_0, %get3A_1, %broadcast_in_dim3A : vector<16xi1>, vector<16xi32>
    %reduce_max3A = arith.constant true
    %reduce_max3A_2 = vector.broadcast %reduce_max3A : i1 to vector<16xi1>
    %reduce_max3A_3 = arith.constant -2147483648 : i32
    %reduce_max3A_4 = vector.broadcast %reduce_max3A_3 : i32 to vector<16xi32>
    %reduce_max3A_5 = arith.xori %select_n3A, %reduce_max3A_4 : vector<16xi32>
    %reduce_max3A_6 = tpu.scan <max>, %reduce_max3A_5 masked %reduce_max3A_2 : vector<16xi32>, vector<16xi1> -> vector<16xi32>
    %reduce_max3A_7 = arith.xori %reduce_max3A_6, %reduce_max3A_4 : vector<16xi32>
    %reduce_max3A_8 = vector.extract %reduce_max3A_7[15] : i32 from vector<16xi32>
    %get3A_9 = arith.constant 0 : index
    %get3A_10 = tpu.vector_load %arg8[%get3A_9] {strides = array<i32>} : memref<16xi32, #tpu.memory_space<vmem>>, vector<16xi32>,
    %jit3A_11 = arith.constant -2147483648 : i32
    %broadcast_in_dim3A_12 = vector.broadcast %jit3A_11 : i32 to vector<16xi32>
    %select_n3A_13 = arith.select %eq3A_0, %get3A_10, %broadcast_in_dim3A_12 : vector<16xi1>, vector<16xi32>
    %reduce_max3A_14 = arith.constant true
    %reduce_max3A_15 = vector.broadcast %reduce_max3A_14 : i1 to vector<16xi1>
    %reduce_max3A_16 = arith.constant -2147483648 : i32
    %reduce_max3A_17 = vector.broadcast %reduce_max3A_16 : i32 to vector<16xi32>
    %reduce_max3A_18 = arith.xori %select_n3A_13, %reduce_max3A_17 : vector<16xi32>
    %reduce_max3A_19 = tpu.scan <max>, %reduce_max3A_18 masked %reduce_max3A_15 : vector<16xi32>, vector<16xi1> -> vector<16xi32>
    %reduce_max3A_20 = arith.xori %reduce_max3A_19, %reduce_max3A_17 : vector<16xi32>
    %reduce_max3A_21 = vector.extract %reduce_max3A_20[15] : i32 from vector<16xi32>
    %sub3A = arith.subi %reduce_max3A_21, %reduce_max3A_8 : i32
    %min3A = arith.constant 2048 : i32
    %min3A_22 = arith.minsi %sub3A, %min3A : i32
    %mul3A = arith.constant 1024 : i32
    %mul3A_23 = arith.muli %arg0, %mul3A : i32
    %sub3A_24 = arith.subi %min3A_22, %mul3A_23 : i32
    %jit3A_25 = arith.constant 0 : i32
    %jit3A_26 = arith.constant 1024 : i32
    %max3A = arith.maxsi %jit3A_25, %sub3A_24 : i32
    %min3A_27 = arith.minsi %jit3A_26, %max3A : i32
    %add3A = arith.addi %reduce_max3A_8, %mul3A_23 : i32
    %mul3A_28 = arith.constant 2048 : i32
    %mul3A_29 = arith.muli %arg1, %mul3A_28 : i32
    %add3A_30 = arith.addi %mul3A_29, %mul3A_23 : i32
    "tpu.region"() ({
      %run_scoped3A = tpu.sem_alloc : memref<!tpu.dma_semaphore, #tpu.memory_space<semaphore_mem>>
      tpu.enqueue_dma source(%arg3 : memref<128x256xf32, #tpu.memory_space<hbm>>) target(%arg10 : memref<128x256xf32, #tpu.memory_space<vmem>>) target_semaphore(%run_scoped3A : memref<!tpu.dma_semaphore, #tpu.memory_space<semaphore_mem>>)
      tpu.wait_dma2 semaphore(%run_scoped3A : memref<!tpu.dma_semaphore, #tpu.memory_space<semaphore_mem>>) src(%arg3 : memref<128x256xf32, #tpu.memory_space<hbm>>) dst(%arg10 : memref<128x256xf32, #tpu.memory_space<vmem>>)
      tpu.yield
    }) : () -> ()
    %jit3A_31 = arith.constant 256 : i32
    %div3A = arith.divsi %min3A_27, %jit3A_31 : i32
    %sign3A = arith.constant 0 : i32
    %sign3A_32 = arith.cmpi sgt, %min3A_27, %sign3A : i32
    %sign3A_33 = arith.extui %sign3A_32 : i1 to i32
    %sign3A_34 = arith.constant 0 : i32
    %sign3A_35 = arith.cmpi slt, %min3A_27, %sign3A_34 : i32
    %sign3A_36 = arith.extui %sign3A_35 : i1 to i32
    %sign3A_37 = arith.subi %sign3A_33, %sign3A_36 : i32
    %sign3A_38 = arith.constant 0 : i32
    %sign3A_39 = arith.cmpi sgt, %jit3A_31, %sign3A_38 : i32
    %sign3A_40 = arith.extui %sign3A_39 : i1 to i32
    %sign3A_41 = arith.constant 0 : i32
    %sign3A_42 = arith.cmpi slt, %jit3A_31, %sign3A_41 : i32
    %sign3A_43 = arith.extui %sign3A_42 : i1 to i32
    %sign3A_44 = arith.subi %sign3A_40, %sign3A_43 : i32
    %ne3A = arith.cmpi ne, %sign3A_37, %sign3A_44 : i32
    %rem3A = arith.remsi %min3A_27, %jit3A_31 : i32
    %ne3A_45 = arith.constant 0 : i32
    %ne3A_46 = arith.cmpi ne, %rem3A, %ne3A_45 : i32
    %and3A = arith.andi %ne3A, %ne3A_46 : i1
    %sub3A_47 = arith.constant 1 : i32
    %sub3A_48 = arith.subi %div3A, %sub3A_47 : i32
    %select_n3A_49 = arith.select %and3A, %sub3A_48, %div3A : i32
    %while3A = arith.constant 0 : i32
    %while3A_50 = arith.constant 0 : i32
    %while3A_51 = arith.subi %select_n3A_49, %while3A_50 : i32
    %while3A_52 = arith.addi %while3A_50, %while3A_51 : i32
    %while3A_53 = arith.constant 1 : i32
    %while3A_54 = arith.divsi %while3A_51, %while3A_53 : i32
    %while3A_55 = arith.muli %while3A_54, %while3A_53 : i32
    %while3A_56 = arith.addi %while3A_50, %while3A_55 : i32
    %while3A_57 = arith.constant 1 : i32
    scf.for %while3A_237 = %while3A_50 to %while3A_56 step %while3A_57  : i32 {
      %mul3A_238 = arith.constant 256 : i32
      %mul3A_239 = arith.muli %while3A_237, %mul3A_238 : i32
      %add3A_240 = arith.addi %add3A, %mul3A_239 : i32
      %mul3A_241 = arith.constant 256 : i32
      %mul3A_242 = arith.muli %while3A_237, %mul3A_241 : i32
      %add3A_243 = arith.addi %add3A_30, %mul3A_242 : i32
      "tpu.region"() ({
        %run_scoped3A = tpu.sem_alloc : memref<!tpu.dma_semaphore, #tpu.memory_space<semaphore_mem>>
        %dma_start3A = arith.constant 0 : i32
        %dma_start3A_244 = arith.constant 0 : i32
        %dma_start3A_245 = tpu.memref_slice %arg9[%dma_start3A, %dma_start3A_244] : memref<256x256xf32, #tpu.memory_space<vmem>> -> memref<256x256xf32, #tpu.memory_space<vmem>>
        %dma_start3A_246 = arith.constant 0 : i32
        %dma_start3A_247 = tpu.memref_slice %arg2[%add3A_240, %dma_start3A_246] : memref<16384x256xf32, #tpu.memory_space<hbm>> -> memref<256x256xf32, #tpu.memory_space<hbm>>
        %dma_start3A_248 = arith.constant 0 : i32
        %dma_start3A_249 = arith.constant 0 : i32
        %dma_start3A_250 = tpu.memref_slice %arg9[%dma_start3A_248, %dma_start3A_249] : memref<256x256xf32, #tpu.memory_space<vmem>> -> memref<256x256xf32, #tpu.memory_space<vmem>>
        %dma_start3A_251 = arith.constant 0 : i32
        %dma_start3A_252 = tpu.memref_slice %arg2[%add3A_240, %dma_start3A_251] : memref<16384x256xf32, #tpu.memory_space<hbm>> -> memref<256x256xf32, #tpu.memory_space<hbm>>
        tpu.enqueue_dma source(%dma_start3A_252 : memref<256x256xf32, #tpu.memory_space<hbm>>) target(%dma_start3A_250 : memref<256x256xf32, #tpu.memory_space<vmem>>) target_semaphore(%run_scoped3A : memref<!tpu.dma_semaphore, #tpu.memory_space<semaphore_mem>>)
        %dma_wait3A = arith.constant 0 : i32
        %dma_wait3A_253 = arith.constant 0 : i32
        %dma_wait3A_254 = tpu.memref_slice %arg9[%dma_wait3A, %dma_wait3A_253] : memref<256x256xf32, #tpu.memory_space<vmem>> -> memref<256x256xf32, #tpu.memory_space<vmem>>
        %dma_wait3A_255 = arith.constant 0 : i32
        %dma_wait3A_256 = tpu.memref_slice %arg2[%add3A_240, %dma_wait3A_255] : memref<16384x256xf32, #tpu.memory_space<hbm>> -> memref<256x256xf32, #tpu.memory_space<hbm>>
        %dma_wait3A_257 = arith.constant 0 : i32
        %dma_wait3A_258 = arith.constant 0 : i32
        %dma_wait3A_259 = tpu.memref_slice %arg9[%dma_wait3A_257, %dma_wait3A_258] : memref<256x256xf32, #tpu.memory_space<vmem>> -> memref<256x256xf32, #tpu.memory_space<vmem>>
        %dma_wait3A_260 = arith.constant 0 : i32
        %dma_wait3A_261 = tpu.memref_slice %arg2[%add3A_240, %dma_wait3A_260] : memref<16384x256xf32, #tpu.memory_space<hbm>> -> memref<256x256xf32, #tpu.memory_space<hbm>>
        tpu.wait_dma2 semaphore(%run_scoped3A : memref<!tpu.dma_semaphore, #tpu.memory_space<semaphore_mem>>) src(%dma_wait3A_261 : memref<256x256xf32, #tpu.memory_space<hbm>>) dst(%dma_wait3A_259 : memref<256x256xf32, #tpu.memory_space<vmem>>)
        tpu.yield
      }) : () -> ()
      "tpu.region"() ({
        %run_scoped3A = tpu.sem_alloc : memref<!tpu.dma_semaphore, #tpu.memory_space<semaphore_mem>>
        %dma_start3A = arith.constant 0 : i32
        %dma_start3A_244 = arith.constant 0 : i32
        %dma_start3A_245 = tpu.memref_slice %arg9[%dma_start3A, %dma_start3A_244] : memref<256x256xf32, #tpu.memory_space<vmem>> -> memref<256x256xf32, #tpu.memory_space<vmem>>
        %dma_start3A_246 = arith.constant 0 : i32
        %dma_start3A_247 = tpu.memref_slice %arg6[%add3A_243, %dma_start3A_246] : memref<32768x256xf32, #tpu.memory_space<hbm>> -> memref<256x256xf32, #tpu.memory_space<hbm>>
        %dma_start3A_248 = arith.constant 0 : i32
        %dma_start3A_249 = tpu.memref_slice %arg6[%add3A_243, %dma_start3A_248] : memref<32768x256xf32, #tpu.memory_space<hbm>> -> memref<256x256xf32, #tpu.memory_space<hbm>>
        %dma_start3A_250 = arith.constant 0 : i32
        %dma_start3A_251 = arith.constant 0 : i32
        %dma_start3A_252 = tpu.memref_slice %arg9[%dma_start3A_250, %dma_start3A_251] : memref<256x256xf32, #tpu.memory_space<vmem>> -> memref<256x256xf32, #tpu.memory_space<vmem>>
        tpu.enqueue_dma source(%dma_start3A_252 : memref<256x256xf32, #tpu.memory_space<vmem>>) target(%dma_start3A_249 : memref<256x256xf32, #tpu.memory_space<hbm>>) target_semaphore(%run_scoped3A : memref<!tpu.dma_semaphore, #tpu.memory_space<semaphore_mem>>)
        %dma_wait3A = arith.constant 0 : i32
        %dma_wait3A_253 = arith.constant 0 : i32
        %dma_wait3A_254 = tpu.memref_slice %arg9[%dma_wait3A, %dma_wait3A_253] : memref<256x256xf32, #tpu.memory_space<vmem>> -> memref<256x256xf32, #tpu.memory_space<vmem>>
        %dma_wait3A_255 = arith.constant 0 : i32
        %dma_wait3A_256 = tpu.memref_slice %arg6[%add3A_243, %dma_wait3A_255] : memref<32768x256xf32, #tpu.memory_space<hbm>> -> memref<256x256xf32, #tpu.memory_space<hbm>>
        %dma_wait3A_257 = arith.constant 0 : i32
        %dma_wait3A_258 = tpu.memref_slice %arg6[%add3A_243, %dma_wait3A_257] : memref<32768x256xf32, #tpu.memory_space<hbm>> -> memref<256x256xf32, #tpu.memory_space<hbm>>
        %dma_wait3A_259 = arith.constant 0 : i32
        %dma_wait3A_260 = arith.constant 0 : i32
        %dma_wait3A_261 = tpu.memref_slice %arg9[%dma_wait3A_259, %dma_wait3A_260] : memref<256x256xf32, #tpu.memory_space<vmem>> -> memref<256x256xf32, #tpu.memory_space<vmem>>
        tpu.wait_dma2 semaphore(%run_scoped3A : memref<!tpu.dma_semaphore, #tpu.memory_space<semaphore_mem>>) src(%dma_wait3A_261 : memref<256x256xf32, #tpu.memory_space<vmem>>) dst(%dma_wait3A_258 : memref<256x256xf32, #tpu.memory_space<hbm>>)
        tpu.yield
      }) : () -> ()
    }
    %while3A_58 = arith.constant 1 : i32
    scf.for %while3A_237 = %while3A_56 to %while3A_52 step %while3A_58  : i32 {
      %mul3A_238 = arith.constant 256 : i32
      %mul3A_239 = arith.muli %while3A_237, %mul3A_238 : i32
      %add3A_240 = arith.addi %add3A, %mul3A_239 : i32
      %mul3A_241 = arith.constant 256 : i32
      %mul3A_242 = arith.muli %while3A_237, %mul3A_241 : i32
      %add3A_243 = arith.addi %add3A_30, %mul3A_242 : i32
      "tpu.region"() ({
        %run_scoped3A = tpu.sem_alloc : memref<!tpu.dma_semaphore, #tpu.memory_space<semaphore_mem>>
        %dma_start3A = arith.constant 0 : i32
        %dma_start3A_244 = arith.constant 0 : i32
        %dma_start3A_245 = tpu.memref_slice %arg9[%dma_start3A, %dma_start3A_244] : memref<256x256xf32, #tpu.memory_space<vmem>> -> memref<256x256xf32, #tpu.memory_space<vmem>>
        %dma_start3A_246 = arith.constant 0 : i32
        %dma_start3A_247 = tpu.memref_slice %arg2[%add3A_240, %dma_start3A_246] : memref<16384x256xf32, #tpu.memory_space<hbm>> -> memref<256x256xf32, #tpu.memory_space<hbm>>
        %dma_start3A_248 = arith.constant 0 : i32
        %dma_start3A_249 = arith.constant 0 : i32
        %dma_start3A_250 = tpu.memref_slice %arg9[%dma_start3A_248, %dma_start3A_249] : memref<256x256xf32, #tpu.memory_space<vmem>> -> memref<256x256xf32, #tpu.memory_space<vmem>>
        %dma_start3A_251 = arith.constant 0 : i32
        %dma_start3A_252 = tpu.memref_slice %arg2[%add3A_240, %dma_start3A_251] : memref<16384x256xf32, #tpu.memory_space<hbm>> -> memref<256x256xf32, #tpu.memory_space<hbm>>
        tpu.enqueue_dma source(%dma_start3A_252 : memref<256x256xf32, #tpu.memory_space<hbm>>) target(%dma_start3A_250 : memref<256x256xf32, #tpu.memory_space<vmem>>) target_semaphore(%run_scoped3A : memref<!tpu.dma_semaphore, #tpu.memory_space<semaphore_mem>>)
        %dma_wait3A = arith.constant 0 : i32
        %dma_wait3A_253 = arith.constant 0 : i32
        %dma_wait3A_254 = tpu.memref_slice %arg9[%dma_wait3A, %dma_wait3A_253] : memref<256x256xf32, #tpu.memory_space<vmem>> -> memref<256x256xf32, #tpu.memory_space<vmem>>
        %dma_wait3A_255 = arith.constant 0 : i32
        %dma_wait3A_256 = tpu.memref_slice %arg2[%add3A_240, %dma_wait3A_255] : memref<16384x256xf32, #tpu.memory_space<hbm>> -> memref<256x256xf32, #tpu.memory_space<hbm>>
        %dma_wait3A_257 = arith.constant 0 : i32
        %dma_wait3A_258 = arith.constant 0 : i32
        %dma_wait3A_259 = tpu.memref_slice %arg9[%dma_wait3A_257, %dma_wait3A_258] : memref<256x256xf32, #tpu.memory_space<vmem>> -> memref<256x256xf32, #tpu.memory_space<vmem>>
        %dma_wait3A_260 = arith.constant 0 : i32
        %dma_wait3A_261 = tpu.memref_slice %arg2[%add3A_240, %dma_wait3A_260] : memref<16384x256xf32, #tpu.memory_space<hbm>> -> memref<256x256xf32, #tpu.memory_space<hbm>>
        tpu.wait_dma2 semaphore(%run_scoped3A : memref<!tpu.dma_semaphore, #tpu.memory_space<semaphore_mem>>) src(%dma_wait3A_261 : memref<256x256xf32, #tpu.memory_space<hbm>>) dst(%dma_wait3A_259 : memref<256x256xf32, #tpu.memory_space<vmem>>)
        tpu.yield
      }) : () -> ()
      "tpu.region"() ({
        %run_scoped3A = tpu.sem_alloc : memref<!tpu.dma_semaphore, #tpu.memory_space<semaphore_mem>>
        %dma_start3A = arith.constant 0 : i32
        %dma_start3A_244 = arith.constant 0 : i32
        %dma_start3A_245 = tpu.memref_slice %arg9[%dma_start3A, %dma_start3A_244] : memref<256x256xf32, #tpu.memory_space<vmem>> -> memref<256x256xf32, #tpu.memory_space<vmem>>
        %dma_start3A_246 = arith.constant 0 : i32
        %dma_start3A_247 = tpu.memref_slice %arg6[%add3A_243, %dma_start3A_246] : memref<32768x256xf32, #tpu.memory_space<hbm>> -> memref<256x256xf32, #tpu.memory_space<hbm>>
        %dma_start3A_248 = arith.constant 0 : i32
        %dma_start3A_249 = tpu.memref_slice %arg6[%add3A_243, %dma_start3A_248] : memref<32768x256xf32, #tpu.memory_space<hbm>> -> memref<256x256xf32, #tpu.memory_space<hbm>>
        %dma_start3A_250 = arith.constant 0 : i32
        %dma_start3A_251 = arith.constant 0 : i32
        %dma_start3A_252 = tpu.memref_slice %arg9[%dma_start3A_250, %dma_start3A_251] : memref<256x256xf32, #tpu.memory_space<vmem>> -> memref<256x256xf32, #tpu.memory_space<vmem>>
        tpu.enqueue_dma source(%dma_start3A_252 : memref<256x256xf32, #tpu.memory_space<vmem>>) target(%dma_start3A_249 : memref<256x256xf32, #tpu.memory_space<hbm>>) target_semaphore(%run_scoped3A : memref<!tpu.dma_semaphore, #tpu.memory_space<semaphore_mem>>)
        %dma_wait3A = arith.constant 0 : i32
        %dma_wait3A_253 = arith.constant 0 : i32
        %dma_wait3A_254 = tpu.memref_slice %arg9[%dma_wait3A, %dma_wait3A_253] : memref<256x256xf32, #tpu.memory_space<vmem>> -> memref<256x256xf32, #tpu.memory_space<vmem>>
        %dma_wait3A_255 = arith.constant 0 : i32
        %dma_wait3A_256 = tpu.memref_slice %arg6[%add3A_243, %dma_wait3A_255] : memref<32768x256xf32, #tpu.memory_space<hbm>> -> memref<256x256xf32, #tpu.memory_space<hbm>>
        %dma_wait3A_257 = arith.constant 0 : i32
        %dma_wait3A_258 = tpu.memref_slice %arg6[%add3A_243, %dma_wait3A_257] : memref<32768x256xf32, #tpu.memory_space<hbm>> -> memref<256x256xf32, #tpu.memory_space<hbm>>
        %dma_wait3A_259 = arith.constant 0 : i32
        %dma_wait3A_260 = arith.constant 0 : i32
        %dma_wait3A_261 = tpu.memref_slice %arg9[%dma_wait3A_259, %dma_wait3A_260] : memref<256x256xf32, #tpu.memory_space<vmem>> -> memref<256x256xf32, #tpu.memory_space<vmem>>
        tpu.wait_dma2 semaphore(%run_scoped3A : memref<!tpu.dma_semaphore, #tpu.memory_space<semaphore_mem>>) src(%dma_wait3A_261 : memref<256x256xf32, #tpu.memory_space<vmem>>) dst(%dma_wait3A_258 : memref<256x256xf32, #tpu.memory_space<hbm>>)
        tpu.yield
      }) : () -> ()
    }
    %jit3A_59 = arith.constant 256 : i32
    %eq3A_60 = arith.constant 0 : i32
    %eq3A_61 = arith.cmpi eq, %jit3A_59, %eq3A_60 : i32
    %jit3A_62 = arith.constant 1 : i32
    %select_n3A_63 = arith.select %eq3A_61, %jit3A_62, %jit3A_59 : i32
    %rem3A_64 = arith.remsi %min3A_27, %select_n3A_63 : i32
    %ne3A_65 = arith.constant 0 : i32
    %ne3A_66 = arith.cmpi ne, %rem3A_64, %ne3A_65 : i32
    %lt3A = arith.constant 0 : i32
    %lt3A_67 = arith.cmpi slt, %rem3A_64, %lt3A : i32
    %lt3A_68 = arith.constant 0 : i32
    %lt3A_69 = arith.cmpi slt, %select_n3A_63, %lt3A_68 : i32
    %ne3A_70 = arith.xori %lt3A_67, %lt3A_69 : i1
    %and3A_71 = arith.andi %ne3A_70, %ne3A_66 : i1
    %add3A_72 = arith.addi %rem3A_64, %select_n3A_63 : i32
    %select_n3A_73 = arith.select %and3A_71, %add3A_72, %rem3A_64 : i32
    %ne3A_74 = arith.constant 0 : i32
    %ne3A_75 = arith.cmpi ne, %select_n3A_73, %ne3A_74 : i32
    %ge3A = arith.constant 256 : i32
    %ge3A_76 = arith.cmpi sge, %min3A_27, %ge3A : i32
    %and3A_77 = arith.andi %ne3A_75, %ge3A_76 : i1
    %convert_element_type3A = arith.extui %and3A_77 : i1 to i32
    %cond3A = arith.constant 0 : i32
    %cond3A_78 = arith.cmpi ne, %convert_element_type3A, %cond3A : i32
    scf.if %cond3A_78 {
      %add3A_237 = arith.addi %add3A, %min3A_27 : i32
      %sub3A_238 = arith.constant 256 : i32
      %sub3A_239 = arith.subi %add3A_237, %sub3A_238 : i32
      %add3A_240 = arith.addi %add3A_30, %min3A_27 : i32
      %sub3A_241 = arith.constant 256 : i32
      %sub3A_242 = arith.subi %add3A_240, %sub3A_241 : i32
      "tpu.region"() ({
        %run_scoped3A = tpu.sem_alloc : memref<!tpu.dma_semaphore, #tpu.memory_space<semaphore_mem>>
        %dma_start3A = arith.constant 0 : i32
        %dma_start3A_243 = arith.constant 0 : i32
        %dma_start3A_244 = tpu.memref_slice %arg9[%dma_start3A, %dma_start3A_243] : memref<256x256xf32, #tpu.memory_space<vmem>> -> memref<256x256xf32, #tpu.memory_space<vmem>>
        %dma_start3A_245 = arith.constant 0 : i32
        %dma_start3A_246 = tpu.memref_slice %arg2[%sub3A_239, %dma_start3A_245] : memref<16384x256xf32, #tpu.memory_space<hbm>> -> memref<256x256xf32, #tpu.memory_space<hbm>>
        %dma_start3A_247 = arith.constant 0 : i32
        %dma_start3A_248 = arith.constant 0 : i32
        %dma_start3A_249 = tpu.memref_slice %arg9[%dma_start3A_247, %dma_start3A_248] : memref<256x256xf32, #tpu.memory_space<vmem>> -> memref<256x256xf32, #tpu.memory_space<vmem>>
        %dma_start3A_250 = arith.constant 0 : i32
        %dma_start3A_251 = tpu.memref_slice %arg2[%sub3A_239, %dma_start3A_250] : memref<16384x256xf32, #tpu.memory_space<hbm>> -> memref<256x256xf32, #tpu.memory_space<hbm>>
        tpu.enqueue_dma source(%dma_start3A_251 : memref<256x256xf32, #tpu.memory_space<hbm>>) target(%dma_start3A_249 : memref<256x256xf32, #tpu.memory_space<vmem>>) target_semaphore(%run_scoped3A : memref<!tpu.dma_semaphore, #tpu.memory_space<semaphore_mem>>)
        %dma_wait3A = arith.constant 0 : i32
        %dma_wait3A_252 = arith.constant 0 : i32
        %dma_wait3A_253 = tpu.memref_slice %arg9[%dma_wait3A, %dma_wait3A_252] : memref<256x256xf32, #tpu.memory_space<vmem>> -> memref<256x256xf32, #tpu.memory_space<vmem>>
        %dma_wait3A_254 = arith.constant 0 : i32
        %dma_wait3A_255 = tpu.memref_slice %arg2[%sub3A_239, %dma_wait3A_254] : memref<16384x256xf32, #tpu.memory_space<hbm>> -> memref<256x256xf32, #tpu.memory_space<hbm>>
        %dma_wait3A_256 = arith.constant 0 : i32
        %dma_wait3A_257 = arith.constant 0 : i32
        %dma_wait3A_258 = tpu.memref_slice %arg9[%dma_wait3A_256, %dma_wait3A_257] : memref<256x256xf32, #tpu.memory_space<vmem>> -> memref<256x256xf32, #tpu.memory_space<vmem>>
        %dma_wait3A_259 = arith.constant 0 : i32
        %dma_wait3A_260 = tpu.memref_slice %arg2[%sub3A_239, %dma_wait3A_259] : memref<16384x256xf32, #tpu.memory_space<hbm>> -> memref<256x256xf32, #tpu.memory_space<hbm>>
        tpu.wait_dma2 semaphore(%run_scoped3A : memref<!tpu.dma_semaphore, #tpu.memory_space<semaphore_mem>>) src(%dma_wait3A_260 : memref<256x256xf32, #tpu.memory_space<hbm>>) dst(%dma_wait3A_258 : memref<256x256xf32, #tpu.memory_space<vmem>>)
        tpu.yield
      }) : () -> ()
      "tpu.region"() ({
        %run_scoped3A = tpu.sem_alloc : memref<!tpu.dma_semaphore, #tpu.memory_space<semaphore_mem>>
        %dma_start3A = arith.constant 0 : i32
        %dma_start3A_243 = arith.constant 0 : i32
        %dma_start3A_244 = tpu.memref_slice %arg9[%dma_start3A, %dma_start3A_243] : memref<256x256xf32, #tpu.memory_space<vmem>> -> memref<256x256xf32, #tpu.memory_space<vmem>>
        %dma_start3A_245 = arith.constant 0 : i32
        %dma_start3A_246 = tpu.memref_slice %arg6[%sub3A_242, %dma_start3A_245] : memref<32768x256xf32, #tpu.memory_space<hbm>> -> memref<256x256xf32, #tpu.memory_space<hbm>>
        %dma_start3A_247 = arith.constant 0 : i32
        %dma_start3A_248 = tpu.memref_slice %arg6[%sub3A_242, %dma_start3A_247] : memref<32768x256xf32, #tpu.memory_space<hbm>> -> memref<256x256xf32, #tpu.memory_space<hbm>>
        %dma_start3A_249 = arith.constant 0 : i32
        %dma_start3A_250 = arith.constant 0 : i32
        %dma_start3A_251 = tpu.memref_slice %arg9[%dma_start3A_249, %dma_start3A_250] : memref<256x256xf32, #tpu.memory_space<vmem>> -> memref<256x256xf32, #tpu.memory_space<vmem>>
        tpu.enqueue_dma source(%dma_start3A_251 : memref<256x256xf32, #tpu.memory_space<vmem>>) target(%dma_start3A_248 : memref<256x256xf32, #tpu.memory_space<hbm>>) target_semaphore(%run_scoped3A : memref<!tpu.dma_semaphore, #tpu.memory_space<semaphore_mem>>)
        %dma_wait3A = arith.constant 0 : i32
        %dma_wait3A_252 = arith.constant 0 : i32
        %dma_wait3A_253 = tpu.memref_slice %arg9[%dma_wait3A, %dma_wait3A_252] : memref<256x256xf32, #tpu.memory_space<vmem>> -> memref<256x256xf32, #tpu.memory_space<vmem>>
        %dma_wait3A_254 = arith.constant 0 : i32
        %dma_wait3A_255 = tpu.memref_slice %arg6[%sub3A_242, %dma_wait3A_254] : memref<32768x256xf32, #tpu.memory_space<hbm>> -> memref<256x256xf32, #tpu.memory_space<hbm>>
        %dma_wait3A_256 = arith.constant 0 : i32
        %dma_wait3A_257 = tpu.memref_slice %arg6[%sub3A_242, %dma_wait3A_256] : memref<32768x256xf32, #tpu.memory_space<hbm>> -> memref<256x256xf32, #tpu.memory_space<hbm>>
        %dma_wait3A_258 = arith.constant 0 : i32
        %dma_wait3A_259 = arith.constant 0 : i32
        %dma_wait3A_260 = tpu.memref_slice %arg9[%dma_wait3A_258, %dma_wait3A_259] : memref<256x256xf32, #tpu.memory_space<vmem>> -> memref<256x256xf32, #tpu.memory_space<vmem>>
        tpu.wait_dma2 semaphore(%run_scoped3A : memref<!tpu.dma_semaphore, #tpu.memory_space<semaphore_mem>>) src(%dma_wait3A_260 : memref<256x256xf32, #tpu.memory_space<vmem>>) dst(%dma_wait3A_257 : memref<256x256xf32, #tpu.memory_space<hbm>>)
        tpu.yield
      }) : () -> ()
    } else {
    }
    %lt3A_79 = arith.constant 256 : i32
    %lt3A_80 = arith.cmpi slt, %min3A_27, %lt3A_79 : i32
    %and3A_81 = arith.andi %ne3A_75, %lt3A_80 : i1
    %convert_element_type3A_82 = arith.extui %and3A_81 : i1 to i32
    %cond3A_83 = arith.constant 0 : i32
    %cond3A_84 = arith.cmpi ne, %convert_element_type3A_82, %cond3A_83 : i32
    scf.if %cond3A_84 {
      %and3A_237 = arith.constant 128 : i32
      %and3A_238 = arith.andi %min3A_27, %and3A_237 : i32
      %ne3A_239 = arith.constant 0 : i32
      %ne3A_240 = arith.cmpi ne, %and3A_238, %ne3A_239 : i32
      %convert_element_type3A_241 = arith.extui %ne3A_240 : i1 to i32
      %cond3A_242 = arith.constant 0 : i32
      %cond3A_243 = arith.constant 0 : i32
      %cond3A_244 = arith.cmpi ne, %convert_element_type3A_241, %cond3A_243 : i32
      scf.if %cond3A_244 {
        %add3A_327 = arith.addi %add3A, %cond3A_242 : i32
        %add3A_328 = arith.addi %add3A_30, %cond3A_242 : i32
        "tpu.region"() ({
          %run_scoped3A = tpu.sem_alloc : memref<!tpu.dma_semaphore, #tpu.memory_space<semaphore_mem>>
          %dma_start3A = arith.constant 0 : i32
          %dma_start3A_329 = arith.constant 0 : i32
          %dma_start3A_330 = tpu.memref_slice %arg9[%dma_start3A, %dma_start3A_329] : memref<256x256xf32, #tpu.memory_space<vmem>> -> memref<128x256xf32, #tpu.memory_space<vmem>>
          %dma_start3A_331 = arith.constant 0 : i32
          %dma_start3A_332 = tpu.memref_slice %arg2[%add3A_327, %dma_start3A_331] : memref<16384x256xf32, #tpu.memory_space<hbm>> -> memref<128x256xf32, #tpu.memory_space<hbm>>
          %dma_start3A_333 = arith.constant 0 : i32
          %dma_start3A_334 = arith.constant 0 : i32
          %dma_start3A_335 = tpu.memref_slice %arg9[%dma_start3A_333, %dma_start3A_334] : memref<256x256xf32, #tpu.memory_space<vmem>> -> memref<128x256xf32, #tpu.memory_space<vmem>>
          %dma_start3A_336 = arith.constant 0 : i32
          %dma_start3A_337 = tpu.memref_slice %arg2[%add3A_327, %dma_start3A_336] : memref<16384x256xf32, #tpu.memory_space<hbm>> -> memref<128x256xf32, #tpu.memory_space<hbm>>
          tpu.enqueue_dma source(%dma_start3A_337 : memref<128x256xf32, #tpu.memory_space<hbm>>) target(%dma_start3A_335 : memref<128x256xf32, #tpu.memory_space<vmem>>) target_semaphore(%run_scoped3A : memref<!tpu.dma_semaphore, #tpu.memory_space<semaphore_mem>>)
          %dma_wait3A = arith.constant 0 : i32
          %dma_wait3A_338 = arith.constant 0 : i32
          %dma_wait3A_339 = tpu.memref_slice %arg9[%dma_wait3A, %dma_wait3A_338] : memref<256x256xf32, #tpu.memory_space<vmem>> -> memref<128x256xf32, #tpu.memory_space<vmem>>
          %dma_wait3A_340 = arith.constant 0 : i32
          %dma_wait3A_341 = tpu.memref_slice %arg2[%add3A_327, %dma_wait3A_340] : memref<16384x256xf32, #tpu.memory_space<hbm>> -> memref<128x256xf32, #tpu.memory_space<hbm>>
          %dma_wait3A_342 = arith.constant 0 : i32
          %dma_wait3A_343 = arith.constant 0 : i32
          %dma_wait3A_344 = tpu.memref_slice %arg9[%dma_wait3A_342, %dma_wait3A_343] : memref<256x256xf32, #tpu.memory_space<vmem>> -> memref<128x256xf32, #tpu.memory_space<vmem>>
          %dma_wait3A_345 = arith.constant 0 : i32
          %dma_wait3A_346 = tpu.memref_slice %arg2[%add3A_327, %dma_wait3A_345] : memref<16384x256xf32, #tpu.memory_space<hbm>> -> memref<128x256xf32, #tpu.memory_space<hbm>>
          tpu.wait_dma2 semaphore(%run_scoped3A : memref<!tpu.dma_semaphore, #tpu.memory_space<semaphore_mem>>) src(%dma_wait3A_346 : memref<128x256xf32, #tpu.memory_space<hbm>>) dst(%dma_wait3A_344 : memref<128x256xf32, #tpu.memory_space<vmem>>)
          tpu.yield
        }) : () -> ()
        "tpu.region"() ({
          %run_scoped3A = tpu.sem_alloc : memref<!tpu.dma_semaphore, #tpu.memory_space<semaphore_mem>>
          %dma_start3A = arith.constant 0 : i32
          %dma_start3A_329 = arith.constant 0 : i32
          %dma_start3A_330 = tpu.memref_slice %arg9[%dma_start3A, %dma_start3A_329] : memref<256x256xf32, #tpu.memory_space<vmem>> -> memref<128x256xf32, #tpu.memory_space<vmem>>
          %dma_start3A_331 = arith.constant 0 : i32
          %dma_start3A_332 = tpu.memref_slice %arg6[%add3A_328, %dma_start3A_331] : memref<32768x256xf32, #tpu.memory_space<hbm>> -> memref<128x256xf32, #tpu.memory_space<hbm>>
          %dma_start3A_333 = arith.constant 0 : i32
          %dma_start3A_334 = tpu.memref_slice %arg6[%add3A_328, %dma_start3A_333] : memref<32768x256xf32, #tpu.memory_space<hbm>> -> memref<128x256xf32, #tpu.memory_space<hbm>>
          %dma_start3A_335 = arith.constant 0 : i32
          %dma_start3A_336 = arith.constant 0 : i32
          %dma_start3A_337 = tpu.memref_slice %arg9[%dma_start3A_335, %dma_start3A_336] : memref<256x256xf32, #tpu.memory_space<vmem>> -> memref<128x256xf32, #tpu.memory_space<vmem>>
          tpu.enqueue_dma source(%dma_start3A_337 : memref<128x256xf32, #tpu.memory_space<vmem>>) target(%dma_start3A_334 : memref<128x256xf32, #tpu.memory_space<hbm>>) target_semaphore(%run_scoped3A : memref<!tpu.dma_semaphore, #tpu.memory_space<semaphore_mem>>)
          %dma_wait3A = arith.constant 0 : i32
          %dma_wait3A_338 = arith.constant 0 : i32
          %dma_wait3A_339 = tpu.memref_slice %arg9[%dma_wait3A, %dma_wait3A_338] : memref<256x256xf32, #tpu.memory_space<vmem>> -> memref<128x256xf32, #tpu.memory_space<vmem>>
          %dma_wait3A_340 = arith.constant 0 : i32
          %dma_wait3A_341 = tpu.memref_slice %arg6[%add3A_328, %dma_wait3A_340] : memref<32768x256xf32, #tpu.memory_space<hbm>> -> memref<128x256xf32, #tpu.memory_space<hbm>>
          %dma_wait3A_342 = arith.constant 0 : i32
          %dma_wait3A_343 = tpu.memref_slice %arg6[%add3A_328, %dma_wait3A_342] : memref<32768x256xf32, #tpu.memory_space<hbm>> -> memref<128x256xf32, #tpu.memory_space<hbm>>
          %dma_wait3A_344 = arith.constant 0 : i32
          %dma_wait3A_345 = arith.constant 0 : i32
          %dma_wait3A_346 = tpu.memref_slice %arg9[%dma_wait3A_344, %dma_wait3A_345] : memref<256x256xf32, #tpu.memory_space<vmem>> -> memref<128x256xf32, #tpu.memory_space<vmem>>
          tpu.wait_dma2 semaphore(%run_scoped3A : memref<!tpu.dma_semaphore, #tpu.memory_space<semaphore_mem>>) src(%dma_wait3A_346 : memref<128x256xf32, #tpu.memory_space<vmem>>) dst(%dma_wait3A_343 : memref<128x256xf32, #tpu.memory_space<hbm>>)
          tpu.yield
        }) : () -> ()
      } else {
      }
      %jit3A_245 = arith.constant 128 : i32
      %jit3A_246 = arith.constant 0 : i32
      %select_n3A_247 = arith.select %ne3A_240, %jit3A_245, %jit3A_246 : i32
      %add3A_248 = arith.constant 0 : i32
      %add3A_249 = arith.addi %add3A_248, %select_n3A_247 : i32
      %and3A_250 = arith.constant 64 : i32
      %and3A_251 = arith.andi %min3A_27, %and3A_250 : i32
      %ne3A_252 = arith.constant 0 : i32
      %ne3A_253 = arith.cmpi ne, %and3A_251, %ne3A_252 : i32
      %convert_element_type3A_254 = arith.extui %ne3A_253 : i1 to i32
      %cond3A_255 = arith.constant 0 : i32
      %cond3A_256 = arith.cmpi ne, %convert_element_type3A_254, %cond3A_255 : i32
      scf.if %cond3A_256 {
        %add3A_327 = arith.addi %add3A, %add3A_249 : i32
        %add3A_328 = arith.addi %add3A_30, %add3A_249 : i32
        "tpu.region"() ({
          %run_scoped3A = tpu.sem_alloc : memref<!tpu.dma_semaphore, #tpu.memory_space<semaphore_mem>>
          %dma_start3A = arith.constant 0 : i32
          %dma_start3A_329 = arith.constant 0 : i32
          %dma_start3A_330 = tpu.memref_slice %arg9[%dma_start3A, %dma_start3A_329] : memref<256x256xf32, #tpu.memory_space<vmem>> -> memref<64x256xf32, #tpu.memory_space<vmem>>
          %dma_start3A_331 = arith.constant 0 : i32
          %dma_start3A_332 = tpu.memref_slice %arg2[%add3A_327, %dma_start3A_331] : memref<16384x256xf32, #tpu.memory_space<hbm>> -> memref<64x256xf32, #tpu.memory_space<hbm>>
          %dma_start3A_333 = arith.constant 0 : i32
          %dma_start3A_334 = arith.constant 0 : i32
          %dma_start3A_335 = tpu.memref_slice %arg9[%dma_start3A_333, %dma_start3A_334] : memref<256x256xf32, #tpu.memory_space<vmem>> -> memref<64x256xf32, #tpu.memory_space<vmem>>
          %dma_start3A_336 = arith.constant 0 : i32
          %dma_start3A_337 = tpu.memref_slice %arg2[%add3A_327, %dma_start3A_336] : memref<16384x256xf32, #tpu.memory_space<hbm>> -> memref<64x256xf32, #tpu.memory_space<hbm>>
          tpu.enqueue_dma source(%dma_start3A_337 : memref<64x256xf32, #tpu.memory_space<hbm>>) target(%dma_start3A_335 : memref<64x256xf32, #tpu.memory_space<vmem>>) target_semaphore(%run_scoped3A : memref<!tpu.dma_semaphore, #tpu.memory_space<semaphore_mem>>)
          %dma_wait3A = arith.constant 0 : i32
          %dma_wait3A_338 = arith.constant 0 : i32
          %dma_wait3A_339 = tpu.memref_slice %arg9[%dma_wait3A, %dma_wait3A_338] : memref<256x256xf32, #tpu.memory_space<vmem>> -> memref<64x256xf32, #tpu.memory_space<vmem>>
          %dma_wait3A_340 = arith.constant 0 : i32
          %dma_wait3A_341 = tpu.memref_slice %arg2[%add3A_327, %dma_wait3A_340] : memref<16384x256xf32, #tpu.memory_space<hbm>> -> memref<64x256xf32, #tpu.memory_space<hbm>>
          %dma_wait3A_342 = arith.constant 0 : i32
          %dma_wait3A_343 = arith.constant 0 : i32
          %dma_wait3A_344 = tpu.memref_slice %arg9[%dma_wait3A_342, %dma_wait3A_343] : memref<256x256xf32, #tpu.memory_space<vmem>> -> memref<64x256xf32, #tpu.memory_space<vmem>>
          %dma_wait3A_345 = arith.constant 0 : i32
          %dma_wait3A_346 = tpu.memref_slice %arg2[%add3A_327, %dma_wait3A_345] : memref<16384x256xf32, #tpu.memory_space<hbm>> -> memref<64x256xf32, #tpu.memory_space<hbm>>
          tpu.wait_dma2 semaphore(%run_scoped3A : memref<!tpu.dma_semaphore, #tpu.memory_space<semaphore_mem>>) src(%dma_wait3A_346 : memref<64x256xf32, #tpu.memory_space<hbm>>) dst(%dma_wait3A_344 : memref<64x256xf32, #tpu.memory_space<vmem>>)
          tpu.yield
        }) : () -> ()
        "tpu.region"() ({
          %run_scoped3A = tpu.sem_alloc : memref<!tpu.dma_semaphore, #tpu.memory_space<semaphore_mem>>
          %dma_start3A = arith.constant 0 : i32
          %dma_start3A_329 = arith.constant 0 : i32
          %dma_start3A_330 = tpu.memref_slice %arg9[%dma_start3A, %dma_start3A_329] : memref<256x256xf32, #tpu.memory_space<vmem>> -> memref<64x256xf32, #tpu.memory_space<vmem>>
          %dma_start3A_331 = arith.constant 0 : i32
          %dma_start3A_332 = tpu.memref_slice %arg6[%add3A_328, %dma_start3A_331] : memref<32768x256xf32, #tpu.memory_space<hbm>> -> memref<64x256xf32, #tpu.memory_space<hbm>>
          %dma_start3A_333 = arith.constant 0 : i32
          %dma_start3A_334 = tpu.memref_slice %arg6[%add3A_328, %dma_start3A_333] : memref<32768x256xf32, #tpu.memory_space<hbm>> -> memref<64x256xf32, #tpu.memory_space<hbm>>
          %dma_start3A_335 = arith.constant 0 : i32
          %dma_start3A_336 = arith.constant 0 : i32
          %dma_start3A_337 = tpu.memref_slice %arg9[%dma_start3A_335, %dma_start3A_336] : memref<256x256xf32, #tpu.memory_space<vmem>> -> memref<64x256xf32, #tpu.memory_space<vmem>>
          tpu.enqueue_dma source(%dma_start3A_337 : memref<64x256xf32, #tpu.memory_space<vmem>>) target(%dma_start3A_334 : memref<64x256xf32, #tpu.memory_space<hbm>>) target_semaphore(%run_scoped3A : memref<!tpu.dma_semaphore, #tpu.memory_space<semaphore_mem>>)
          %dma_wait3A = arith.constant 0 : i32
          %dma_wait3A_338 = arith.constant 0 : i32
          %dma_wait3A_339 = tpu.memref_slice %arg9[%dma_wait3A, %dma_wait3A_338] : memref<256x256xf32, #tpu.memory_space<vmem>> -> memref<64x256xf32, #tpu.memory_space<vmem>>
          %dma_wait3A_340 = arith.constant 0 : i32
          %dma_wait3A_341 = tpu.memref_slice %arg6[%add3A_328, %dma_wait3A_340] : memref<32768x256xf32, #tpu.memory_space<hbm>> -> memref<64x256xf32, #tpu.memory_space<hbm>>
          %dma_wait3A_342 = arith.constant 0 : i32
          %dma_wait3A_343 = tpu.memref_slice %arg6[%add3A_328, %dma_wait3A_342] : memref<32768x256xf32, #tpu.memory_space<hbm>> -> memref<64x256xf32, #tpu.memory_space<hbm>>
          %dma_wait3A_344 = arith.constant 0 : i32
          %dma_wait3A_345 = arith.constant 0 : i32
          %dma_wait3A_346 = tpu.memref_slice %arg9[%dma_wait3A_344, %dma_wait3A_345] : memref<256x256xf32, #tpu.memory_space<vmem>> -> memref<64x256xf32, #tpu.memory_space<vmem>>
          tpu.wait_dma2 semaphore(%run_scoped3A : memref<!tpu.dma_semaphore, #tpu.memory_space<semaphore_mem>>) src(%dma_wait3A_346 : memref<64x256xf32, #tpu.memory_space<vmem>>) dst(%dma_wait3A_343 : memref<64x256xf32, #tpu.memory_space<hbm>>)
          tpu.yield
        }) : () -> ()
      } else {
      }
      %jit3A_257 = arith.constant 64 : i32
      %jit3A_258 = arith.constant 0 : i32
      %select_n3A_259 = arith.select %ne3A_253, %jit3A_257, %jit3A_258 : i32
      %add3A_260 = arith.addi %add3A_249, %select_n3A_259 : i32
      %and3A_261 = arith.constant 32 : i32
      %and3A_262 = arith.andi %min3A_27, %and3A_261 : i32
      %ne3A_263 = arith.constant 0 : i32
      %ne3A_264 = arith.cmpi ne, %and3A_262, %ne3A_263 : i32
      %convert_element_type3A_265 = arith.extui %ne3A_264 : i1 to i32
      %cond3A_266 = arith.constant 0 : i32
      %cond3A_267 = arith.cmpi ne, %convert_element_type3A_265, %cond3A_266 : i32
      scf.if %cond3A_267 {
        %add3A_327 = arith.addi %add3A, %add3A_260 : i32
        %add3A_328 = arith.addi %add3A_30, %add3A_260 : i32
        "tpu.region"() ({
          %run_scoped3A = tpu.sem_alloc : memref<!tpu.dma_semaphore, #tpu.memory_space<semaphore_mem>>
          %dma_start3A = arith.constant 0 : i32
          %dma_start3A_329 = arith.constant 0 : i32
          %dma_start3A_330 = tpu.memref_slice %arg9[%dma_start3A, %dma_start3A_329] : memref<256x256xf32, #tpu.memory_space<vmem>> -> memref<32x256xf32, #tpu.memory_space<vmem>>
          %dma_start3A_331 = arith.constant 0 : i32
          %dma_start3A_332 = tpu.memref_slice %arg2[%add3A_327, %dma_start3A_331] : memref<16384x256xf32, #tpu.memory_space<hbm>> -> memref<32x256xf32, #tpu.memory_space<hbm>>
          %dma_start3A_333 = arith.constant 0 : i32
          %dma_start3A_334 = arith.constant 0 : i32
          %dma_start3A_335 = tpu.memref_slice %arg9[%dma_start3A_333, %dma_start3A_334] : memref<256x256xf32, #tpu.memory_space<vmem>> -> memref<32x256xf32, #tpu.memory_space<vmem>>
          %dma_start3A_336 = arith.constant 0 : i32
          %dma_start3A_337 = tpu.memref_slice %arg2[%add3A_327, %dma_start3A_336] : memref<16384x256xf32, #tpu.memory_space<hbm>> -> memref<32x256xf32, #tpu.memory_space<hbm>>
          tpu.enqueue_dma source(%dma_start3A_337 : memref<32x256xf32, #tpu.memory_space<hbm>>) target(%dma_start3A_335 : memref<32x256xf32, #tpu.memory_space<vmem>>) target_semaphore(%run_scoped3A : memref<!tpu.dma_semaphore, #tpu.memory_space<semaphore_mem>>)
          %dma_wait3A = arith.constant 0 : i32
          %dma_wait3A_338 = arith.constant 0 : i32
          %dma_wait3A_339 = tpu.memref_slice %arg9[%dma_wait3A, %dma_wait3A_338] : memref<256x256xf32, #tpu.memory_space<vmem>> -> memref<32x256xf32, #tpu.memory_space<vmem>>
          %dma_wait3A_340 = arith.constant 0 : i32
          %dma_wait3A_341 = tpu.memref_slice %arg2[%add3A_327, %dma_wait3A_340] : memref<16384x256xf32, #tpu.memory_space<hbm>> -> memref<32x256xf32, #tpu.memory_space<hbm>>
          %dma_wait3A_342 = arith.constant 0 : i32
          %dma_wait3A_343 = arith.constant 0 : i32
          %dma_wait3A_344 = tpu.memref_slice %arg9[%dma_wait3A_342, %dma_wait3A_343] : memref<256x256xf32, #tpu.memory_space<vmem>> -> memref<32x256xf32, #tpu.memory_space<vmem>>
          %dma_wait3A_345 = arith.constant 0 : i32
          %dma_wait3A_346 = tpu.memref_slice %arg2[%add3A_327, %dma_wait3A_345] : memref<16384x256xf32, #tpu.memory_space<hbm>> -> memref<32x256xf32, #tpu.memory_space<hbm>>
          tpu.wait_dma2 semaphore(%run_scoped3A : memref<!tpu.dma_semaphore, #tpu.memory_space<semaphore_mem>>) src(%dma_wait3A_346 : memref<32x256xf32, #tpu.memory_space<hbm>>) dst(%dma_wait3A_344 : memref<32x256xf32, #tpu.memory_space<vmem>>)
          tpu.yield
        }) : () -> ()
        "tpu.region"() ({
          %run_scoped3A = tpu.sem_alloc : memref<!tpu.dma_semaphore, #tpu.memory_space<semaphore_mem>>
          %dma_start3A = arith.constant 0 : i32
          %dma_start3A_329 = arith.constant 0 : i32
          %dma_start3A_330 = tpu.memref_slice %arg9[%dma_start3A, %dma_start3A_329] : memref<256x256xf32, #tpu.memory_space<vmem>> -> memref<32x256xf32, #tpu.memory_space<vmem>>
          %dma_start3A_331 = arith.constant 0 : i32
          %dma_start3A_332 = tpu.memref_slice %arg6[%add3A_328, %dma_start3A_331] : memref<32768x256xf32, #tpu.memory_space<hbm>> -> memref<32x256xf32, #tpu.memory_space<hbm>>
          %dma_start3A_333 = arith.constant 0 : i32
          %dma_start3A_334 = tpu.memref_slice %arg6[%add3A_328, %dma_start3A_333] : memref<32768x256xf32, #tpu.memory_space<hbm>> -> memref<32x256xf32, #tpu.memory_space<hbm>>
          %dma_start3A_335 = arith.constant 0 : i32
          %dma_start3A_336 = arith.constant 0 : i32
          %dma_start3A_337 = tpu.memref_slice %arg9[%dma_start3A_335, %dma_start3A_336] : memref<256x256xf32, #tpu.memory_space<vmem>> -> memref<32x256xf32, #tpu.memory_space<vmem>>
          tpu.enqueue_dma source(%dma_start3A_337 : memref<32x256xf32, #tpu.memory_space<vmem>>) target(%dma_start3A_334 : memref<32x256xf32, #tpu.memory_space<hbm>>) target_semaphore(%run_scoped3A : memref<!tpu.dma_semaphore, #tpu.memory_space<semaphore_mem>>)
          %dma_wait3A = arith.constant 0 : i32
          %dma_wait3A_338 = arith.constant 0 : i32
          %dma_wait3A_339 = tpu.memref_slice %arg9[%dma_wait3A, %dma_wait3A_338] : memref<256x256xf32, #tpu.memory_space<vmem>> -> memref<32x256xf32, #tpu.memory_space<vmem>>
          %dma_wait3A_340 = arith.constant 0 : i32
          %dma_wait3A_341 = tpu.memref_slice %arg6[%add3A_328, %dma_wait3A_340] : memref<32768x256xf32, #tpu.memory_space<hbm>> -> memref<32x256xf32, #tpu.memory_space<hbm>>
          %dma_wait3A_342 = arith.constant 0 : i32
          %dma_wait3A_343 = tpu.memref_slice %arg6[%add3A_328, %dma_wait3A_342] : memref<32768x256xf32, #tpu.memory_space<hbm>> -> memref<32x256xf32, #tpu.memory_space<hbm>>
          %dma_wait3A_344 = arith.constant 0 : i32
          %dma_wait3A_345 = arith.constant 0 : i32
          %dma_wait3A_346 = tpu.memref_slice %arg9[%dma_wait3A_344, %dma_wait3A_345] : memref<256x256xf32, #tpu.memory_space<vmem>> -> memref<32x256xf32, #tpu.memory_space<vmem>>
          tpu.wait_dma2 semaphore(%run_scoped3A : memref<!tpu.dma_semaphore, #tpu.memory_space<semaphore_mem>>) src(%dma_wait3A_346 : memref<32x256xf32, #tpu.memory_space<vmem>>) dst(%dma_wait3A_343 : memref<32x256xf32, #tpu.memory_space<hbm>>)
          tpu.yield
        }) : () -> ()
      } else {
      }
      %jit3A_268 = arith.constant 32 : i32
      %jit3A_269 = arith.constant 0 : i32
      %select_n3A_270 = arith.select %ne3A_264, %jit3A_268, %jit3A_269 : i32
      %add3A_271 = arith.addi %add3A_260, %select_n3A_270 : i32
      %and3A_272 = arith.constant 16 : i32
      %and3A_273 = arith.andi %min3A_27, %and3A_272 : i32
      %ne3A_274 = arith.constant 0 : i32
      %ne3A_275 = arith.cmpi ne, %and3A_273, %ne3A_274 : i32
      %convert_element_type3A_276 = arith.extui %ne3A_275 : i1 to i32
      %cond3A_277 = arith.constant 0 : i32
      %cond3A_278 = arith.cmpi ne, %convert_element_type3A_276, %cond3A_277 : i32
      scf.if %cond3A_278 {
        %add3A_327 = arith.addi %add3A, %add3A_271 : i32
        %add3A_328 = arith.addi %add3A_30, %add3A_271 : i32
        "tpu.region"() ({
          %run_scoped3A = tpu.sem_alloc : memref<!tpu.dma_semaphore, #tpu.memory_space<semaphore_mem>>
          %dma_start3A = arith.constant 0 : i32
          %dma_start3A_329 = arith.constant 0 : i32
          %dma_start3A_330 = tpu.memref_slice %arg9[%dma_start3A, %dma_start3A_329] : memref<256x256xf32, #tpu.memory_space<vmem>> -> memref<16x256xf32, #tpu.memory_space<vmem>>
          %dma_start3A_331 = arith.constant 0 : i32
          %dma_start3A_332 = tpu.memref_slice %arg2[%add3A_327, %dma_start3A_331] : memref<16384x256xf32, #tpu.memory_space<hbm>> -> memref<16x256xf32, #tpu.memory_space<hbm>>
          %dma_start3A_333 = arith.constant 0 : i32
          %dma_start3A_334 = arith.constant 0 : i32
          %dma_start3A_335 = tpu.memref_slice %arg9[%dma_start3A_333, %dma_start3A_334] : memref<256x256xf32, #tpu.memory_space<vmem>> -> memref<16x256xf32, #tpu.memory_space<vmem>>
          %dma_start3A_336 = arith.constant 0 : i32
          %dma_start3A_337 = tpu.memref_slice %arg2[%add3A_327, %dma_start3A_336] : memref<16384x256xf32, #tpu.memory_space<hbm>> -> memref<16x256xf32, #tpu.memory_space<hbm>>
          tpu.enqueue_dma source(%dma_start3A_337 : memref<16x256xf32, #tpu.memory_space<hbm>>) target(%dma_start3A_335 : memref<16x256xf32, #tpu.memory_space<vmem>>) target_semaphore(%run_scoped3A : memref<!tpu.dma_semaphore, #tpu.memory_space<semaphore_mem>>)
          %dma_wait3A = arith.constant 0 : i32
          %dma_wait3A_338 = arith.constant 0 : i32
          %dma_wait3A_339 = tpu.memref_slice %arg9[%dma_wait3A, %dma_wait3A_338] : memref<256x256xf32, #tpu.memory_space<vmem>> -> memref<16x256xf32, #tpu.memory_space<vmem>>
          %dma_wait3A_340 = arith.constant 0 : i32
          %dma_wait3A_341 = tpu.memref_slice %arg2[%add3A_327, %dma_wait3A_340] : memref<16384x256xf32, #tpu.memory_space<hbm>> -> memref<16x256xf32, #tpu.memory_space<hbm>>
          %dma_wait3A_342 = arith.constant 0 : i32
          %dma_wait3A_343 = arith.constant 0 : i32
          %dma_wait3A_344 = tpu.memref_slice %arg9[%dma_wait3A_342, %dma_wait3A_343] : memref<256x256xf32, #tpu.memory_space<vmem>> -> memref<16x256xf32, #tpu.memory_space<vmem>>
          %dma_wait3A_345 = arith.constant 0 : i32
          %dma_wait3A_346 = tpu.memref_slice %arg2[%add3A_327, %dma_wait3A_345] : memref<16384x256xf32, #tpu.memory_space<hbm>> -> memref<16x256xf32, #tpu.memory_space<hbm>>
          tpu.wait_dma2 semaphore(%run_scoped3A : memref<!tpu.dma_semaphore, #tpu.memory_space<semaphore_mem>>) src(%dma_wait3A_346 : memref<16x256xf32, #tpu.memory_space<hbm>>) dst(%dma_wait3A_344 : memref<16x256xf32, #tpu.memory_space<vmem>>)
          tpu.yield
        }) : () -> ()
        "tpu.region"() ({
          %run_scoped3A = tpu.sem_alloc : memref<!tpu.dma_semaphore, #tpu.memory_space<semaphore_mem>>
          %dma_start3A = arith.constant 0 : i32
          %dma_start3A_329 = arith.constant 0 : i32
          %dma_start3A_330 = tpu.memref_slice %arg9[%dma_start3A, %dma_start3A_329] : memref<256x256xf32, #tpu.memory_space<vmem>> -> memref<16x256xf32, #tpu.memory_space<vmem>>
          %dma_start3A_331 = arith.constant 0 : i32
          %dma_start3A_332 = tpu.memref_slice %arg6[%add3A_328, %dma_start3A_331] : memref<32768x256xf32, #tpu.memory_space<hbm>> -> memref<16x256xf32, #tpu.memory_space<hbm>>
          %dma_start3A_333 = arith.constant 0 : i32
          %dma_start3A_334 = tpu.memref_slice %arg6[%add3A_328, %dma_start3A_333] : memref<32768x256xf32, #tpu.memory_space<hbm>> -> memref<16x256xf32, #tpu.memory_space<hbm>>
          %dma_start3A_335 = arith.constant 0 : i32
          %dma_start3A_336 = arith.constant 0 : i32
          %dma_start3A_337 = tpu.memref_slice %arg9[%dma_start3A_335, %dma_start3A_336] : memref<256x256xf32, #tpu.memory_space<vmem>> -> memref<16x256xf32, #tpu.memory_space<vmem>>
          tpu.enqueue_dma source(%dma_start3A_337 : memref<16x256xf32, #tpu.memory_space<vmem>>) target(%dma_start3A_334 : memref<16x256xf32, #tpu.memory_space<hbm>>) target_semaphore(%run_scoped3A : memref<!tpu.dma_semaphore, #tpu.memory_space<semaphore_mem>>)
          %dma_wait3A = arith.constant 0 : i32
          %dma_wait3A_338 = arith.constant 0 : i32
          %dma_wait3A_339 = tpu.memref_slice %arg9[%dma_wait3A, %dma_wait3A_338] : memref<256x256xf32, #tpu.memory_space<vmem>> -> memref<16x256xf32, #tpu.memory_space<vmem>>
          %dma_wait3A_340 = arith.constant 0 : i32
          %dma_wait3A_341 = tpu.memref_slice %arg6[%add3A_328, %dma_wait3A_340] : memref<32768x256xf32, #tpu.memory_space<hbm>> -> memref<16x256xf32, #tpu.memory_space<hbm>>
          %dma_wait3A_342 = arith.constant 0 : i32
          %dma_wait3A_343 = tpu.memref_slice %arg6[%add3A_328, %dma_wait3A_342] : memref<32768x256xf32, #tpu.memory_space<hbm>> -> memref<16x256xf32, #tpu.memory_space<hbm>>
          %dma_wait3A_344 = arith.constant 0 : i32
          %dma_wait3A_345 = arith.constant 0 : i32
          %dma_wait3A_346 = tpu.memref_slice %arg9[%dma_wait3A_344, %dma_wait3A_345] : memref<256x256xf32, #tpu.memory_space<vmem>> -> memref<16x256xf32, #tpu.memory_space<vmem>>
          tpu.wait_dma2 semaphore(%run_scoped3A : memref<!tpu.dma_semaphore, #tpu.memory_space<semaphore_mem>>) src(%dma_wait3A_346 : memref<16x256xf32, #tpu.memory_space<vmem>>) dst(%dma_wait3A_343 : memref<16x256xf32, #tpu.memory_space<hbm>>)
          tpu.yield
        }) : () -> ()
      } else {
      }
      %jit3A_279 = arith.constant 16 : i32
      %jit3A_280 = arith.constant 0 : i32
      %select_n3A_281 = arith.select %ne3A_275, %jit3A_279, %jit3A_280 : i32
      %add3A_282 = arith.addi %add3A_271, %select_n3A_281 : i32
      %and3A_283 = arith.constant 8 : i32
      %and3A_284 = arith.andi %min3A_27, %and3A_283 : i32
      %ne3A_285 = arith.constant 0 : i32
      %ne3A_286 = arith.cmpi ne, %and3A_284, %ne3A_285 : i32
      %convert_element_type3A_287 = arith.extui %ne3A_286 : i1 to i32
      %cond3A_288 = arith.constant 0 : i32
      %cond3A_289 = arith.cmpi ne, %convert_element_type3A_287, %cond3A_288 : i32
      scf.if %cond3A_289 {
        %add3A_327 = arith.addi %add3A, %add3A_282 : i32
        %add3A_328 = arith.addi %add3A_30, %add3A_282 : i32
        "tpu.region"() ({
          %run_scoped3A = tpu.sem_alloc : memref<!tpu.dma_semaphore, #tpu.memory_space<semaphore_mem>>
          %dma_start3A = arith.constant 0 : i32
          %dma_start3A_329 = arith.constant 0 : i32
          %dma_start3A_330 = tpu.memref_slice %arg9[%dma_start3A, %dma_start3A_329] : memref<256x256xf32, #tpu.memory_space<vmem>> -> memref<8x256xf32, #tpu.memory_space<vmem>>
          %dma_start3A_331 = arith.constant 0 : i32
          %dma_start3A_332 = tpu.memref_slice %arg2[%add3A_327, %dma_start3A_331] : memref<16384x256xf32, #tpu.memory_space<hbm>> -> memref<8x256xf32, #tpu.memory_space<hbm>>
          %dma_start3A_333 = arith.constant 0 : i32
          %dma_start3A_334 = arith.constant 0 : i32
          %dma_start3A_335 = tpu.memref_slice %arg9[%dma_start3A_333, %dma_start3A_334] : memref<256x256xf32, #tpu.memory_space<vmem>> -> memref<8x256xf32, #tpu.memory_space<vmem>>
          %dma_start3A_336 = arith.constant 0 : i32
          %dma_start3A_337 = tpu.memref_slice %arg2[%add3A_327, %dma_start3A_336] : memref<16384x256xf32, #tpu.memory_space<hbm>> -> memref<8x256xf32, #tpu.memory_space<hbm>>
          tpu.enqueue_dma source(%dma_start3A_337 : memref<8x256xf32, #tpu.memory_space<hbm>>) target(%dma_start3A_335 : memref<8x256xf32, #tpu.memory_space<vmem>>) target_semaphore(%run_scoped3A : memref<!tpu.dma_semaphore, #tpu.memory_space<semaphore_mem>>)
          %dma_wait3A = arith.constant 0 : i32
          %dma_wait3A_338 = arith.constant 0 : i32
          %dma_wait3A_339 = tpu.memref_slice %arg9[%dma_wait3A, %dma_wait3A_338] : memref<256x256xf32, #tpu.memory_space<vmem>> -> memref<8x256xf32, #tpu.memory_space<vmem>>
          %dma_wait3A_340 = arith.constant 0 : i32
          %dma_wait3A_341 = tpu.memref_slice %arg2[%add3A_327, %dma_wait3A_340] : memref<16384x256xf32, #tpu.memory_space<hbm>> -> memref<8x256xf32, #tpu.memory_space<hbm>>
          %dma_wait3A_342 = arith.constant 0 : i32
          %dma_wait3A_343 = arith.constant 0 : i32
          %dma_wait3A_344 = tpu.memref_slice %arg9[%dma_wait3A_342, %dma_wait3A_343] : memref<256x256xf32, #tpu.memory_space<vmem>> -> memref<8x256xf32, #tpu.memory_space<vmem>>
          %dma_wait3A_345 = arith.constant 0 : i32
          %dma_wait3A_346 = tpu.memref_slice %arg2[%add3A_327, %dma_wait3A_345] : memref<16384x256xf32, #tpu.memory_space<hbm>> -> memref<8x256xf32, #tpu.memory_space<hbm>>
          tpu.wait_dma2 semaphore(%run_scoped3A : memref<!tpu.dma_semaphore, #tpu.memory_space<semaphore_mem>>) src(%dma_wait3A_346 : memref<8x256xf32, #tpu.memory_space<hbm>>) dst(%dma_wait3A_344 : memref<8x256xf32, #tpu.memory_space<vmem>>)
          tpu.yield
        }) : () -> ()
        "tpu.region"() ({
          %run_scoped3A = tpu.sem_alloc : memref<!tpu.dma_semaphore, #tpu.memory_space<semaphore_mem>>
          %dma_start3A = arith.constant 0 : i32
          %dma_start3A_329 = arith.constant 0 : i32
          %dma_start3A_330 = tpu.memref_slice %arg9[%dma_start3A, %dma_start3A_329] : memref<256x256xf32, #tpu.memory_space<vmem>> -> memref<8x256xf32, #tpu.memory_space<vmem>>
          %dma_start3A_331 = arith.constant 0 : i32
          %dma_start3A_332 = tpu.memref_slice %arg6[%add3A_328, %dma_start3A_331] : memref<32768x256xf32, #tpu.memory_space<hbm>> -> memref<8x256xf32, #tpu.memory_space<hbm>>
          %dma_start3A_333 = arith.constant 0 : i32
          %dma_start3A_334 = tpu.memref_slice %arg6[%add3A_328, %dma_start3A_333] : memref<32768x256xf32, #tpu.memory_space<hbm>> -> memref<8x256xf32, #tpu.memory_space<hbm>>
          %dma_start3A_335 = arith.constant 0 : i32
          %dma_start3A_336 = arith.constant 0 : i32
          %dma_start3A_337 = tpu.memref_slice %arg9[%dma_start3A_335, %dma_start3A_336] : memref<256x256xf32, #tpu.memory_space<vmem>> -> memref<8x256xf32, #tpu.memory_space<vmem>>
          tpu.enqueue_dma source(%dma_start3A_337 : memref<8x256xf32, #tpu.memory_space<vmem>>) target(%dma_start3A_334 : memref<8x256xf32, #tpu.memory_space<hbm>>) target_semaphore(%run_scoped3A : memref<!tpu.dma_semaphore, #tpu.memory_space<semaphore_mem>>)
          %dma_wait3A = arith.constant 0 : i32
          %dma_wait3A_338 = arith.constant 0 : i32
          %dma_wait3A_339 = tpu.memref_slice %arg9[%dma_wait3A, %dma_wait3A_338] : memref<256x256xf32, #tpu.memory_space<vmem>> -> memref<8x256xf32, #tpu.memory_space<vmem>>
          %dma_wait3A_340 = arith.constant 0 : i32
          %dma_wait3A_341 = tpu.memref_slice %arg6[%add3A_328, %dma_wait3A_340] : memref<32768x256xf32, #tpu.memory_space<hbm>> -> memref<8x256xf32, #tpu.memory_space<hbm>>
          %dma_wait3A_342 = arith.constant 0 : i32
          %dma_wait3A_343 = tpu.memref_slice %arg6[%add3A_328, %dma_wait3A_342] : memref<32768x256xf32, #tpu.memory_space<hbm>> -> memref<8x256xf32, #tpu.memory_space<hbm>>
          %dma_wait3A_344 = arith.constant 0 : i32
          %dma_wait3A_345 = arith.constant 0 : i32
          %dma_wait3A_346 = tpu.memref_slice %arg9[%dma_wait3A_344, %dma_wait3A_345] : memref<256x256xf32, #tpu.memory_space<vmem>> -> memref<8x256xf32, #tpu.memory_space<vmem>>
          tpu.wait_dma2 semaphore(%run_scoped3A : memref<!tpu.dma_semaphore, #tpu.memory_space<semaphore_mem>>) src(%dma_wait3A_346 : memref<8x256xf32, #tpu.memory_space<vmem>>) dst(%dma_wait3A_343 : memref<8x256xf32, #tpu.memory_space<hbm>>)
          tpu.yield
        }) : () -> ()
      } else {
      }
      %jit3A_290 = arith.constant 8 : i32
      %jit3A_291 = arith.constant 0 : i32
      %select_n3A_292 = arith.select %ne3A_286, %jit3A_290, %jit3A_291 : i32
      %add3A_293 = arith.addi %add3A_282, %select_n3A_292 : i32
      %and3A_294 = arith.constant 4 : i32
      %and3A_295 = arith.andi %min3A_27, %and3A_294 : i32
      %ne3A_296 = arith.constant 0 : i32
      %ne3A_297 = arith.cmpi ne, %and3A_295, %ne3A_296 : i32
      %convert_element_type3A_298 = arith.extui %ne3A_297 : i1 to i32
      %cond3A_299 = arith.constant 0 : i32
      %cond3A_300 = arith.cmpi ne, %convert_element_type3A_298, %cond3A_299 : i32
      scf.if %cond3A_300 {
        %add3A_327 = arith.addi %add3A, %add3A_293 : i32
        %add3A_328 = arith.addi %add3A_30, %add3A_293 : i32
        "tpu.region"() ({
          %run_scoped3A = tpu.sem_alloc : memref<!tpu.dma_semaphore, #tpu.memory_space<semaphore_mem>>
          %dma_start3A = arith.constant 0 : i32
          %dma_start3A_329 = arith.constant 0 : i32
          %dma_start3A_330 = tpu.memref_slice %arg9[%dma_start3A, %dma_start3A_329] : memref<256x256xf32, #tpu.memory_space<vmem>> -> memref<4x256xf32, #tpu.memory_space<vmem>>
          %dma_start3A_331 = arith.constant 0 : i32
          %dma_start3A_332 = tpu.memref_slice %arg2[%add3A_327, %dma_start3A_331] : memref<16384x256xf32, #tpu.memory_space<hbm>> -> memref<4x256xf32, #tpu.memory_space<hbm>>
          %dma_start3A_333 = arith.constant 0 : i32
          %dma_start3A_334 = arith.constant 0 : i32
          %dma_start3A_335 = tpu.memref_slice %arg9[%dma_start3A_333, %dma_start3A_334] : memref<256x256xf32, #tpu.memory_space<vmem>> -> memref<4x256xf32, #tpu.memory_space<vmem>>
          %dma_start3A_336 = arith.constant 0 : i32
          %dma_start3A_337 = tpu.memref_slice %arg2[%add3A_327, %dma_start3A_336] : memref<16384x256xf32, #tpu.memory_space<hbm>> -> memref<4x256xf32, #tpu.memory_space<hbm>>
          tpu.enqueue_dma source(%dma_start3A_337 : memref<4x256xf32, #tpu.memory_space<hbm>>) target(%dma_start3A_335 : memref<4x256xf32, #tpu.memory_space<vmem>>) target_semaphore(%run_scoped3A : memref<!tpu.dma_semaphore, #tpu.memory_space<semaphore_mem>>)
          %dma_wait3A = arith.constant 0 : i32
          %dma_wait3A_338 = arith.constant 0 : i32
          %dma_wait3A_339 = tpu.memref_slice %arg9[%dma_wait3A, %dma_wait3A_338] : memref<256x256xf32, #tpu.memory_space<vmem>> -> memref<4x256xf32, #tpu.memory_space<vmem>>
          %dma_wait3A_340 = arith.constant 0 : i32
          %dma_wait3A_341 = tpu.memref_slice %arg2[%add3A_327, %dma_wait3A_340] : memref<16384x256xf32, #tpu.memory_space<hbm>> -> memref<4x256xf32, #tpu.memory_space<hbm>>
          %dma_wait3A_342 = arith.constant 0 : i32
          %dma_wait3A_343 = arith.constant 0 : i32
          %dma_wait3A_344 = tpu.memref_slice %arg9[%dma_wait3A_342, %dma_wait3A_343] : memref<256x256xf32, #tpu.memory_space<vmem>> -> memref<4x256xf32, #tpu.memory_space<vmem>>
          %dma_wait3A_345 = arith.constant 0 : i32
          %dma_wait3A_346 = tpu.memref_slice %arg2[%add3A_327, %dma_wait3A_345] : memref<16384x256xf32, #tpu.memory_space<hbm>> -> memref<4x256xf32, #tpu.memory_space<hbm>>
          tpu.wait_dma2 semaphore(%run_scoped3A : memref<!tpu.dma_semaphore, #tpu.memory_space<semaphore_mem>>) src(%dma_wait3A_346 : memref<4x256xf32, #tpu.memory_space<hbm>>) dst(%dma_wait3A_344 : memref<4x256xf32, #tpu.memory_space<vmem>>)
          tpu.yield
        }) : () -> ()
        "tpu.region"() ({
          %run_scoped3A = tpu.sem_alloc : memref<!tpu.dma_semaphore, #tpu.memory_space<semaphore_mem>>
          %dma_start3A = arith.constant 0 : i32
          %dma_start3A_329 = arith.constant 0 : i32
          %dma_start3A_330 = tpu.memref_slice %arg9[%dma_start3A, %dma_start3A_329] : memref<256x256xf32, #tpu.memory_space<vmem>> -> memref<4x256xf32, #tpu.memory_space<vmem>>
          %dma_start3A_331 = arith.constant 0 : i32
          %dma_start3A_332 = tpu.memref_slice %arg6[%add3A_328, %dma_start3A_331] : memref<32768x256xf32, #tpu.memory_space<hbm>> -> memref<4x256xf32, #tpu.memory_space<hbm>>
          %dma_start3A_333 = arith.constant 0 : i32
          %dma_start3A_334 = tpu.memref_slice %arg6[%add3A_328, %dma_start3A_333] : memref<32768x256xf32, #tpu.memory_space<hbm>> -> memref<4x256xf32, #tpu.memory_space<hbm>>
          %dma_start3A_335 = arith.constant 0 : i32
          %dma_start3A_336 = arith.constant 0 : i32
          %dma_start3A_337 = tpu.memref_slice %arg9[%dma_start3A_335, %dma_start3A_336] : memref<256x256xf32, #tpu.memory_space<vmem>> -> memref<4x256xf32, #tpu.memory_space<vmem>>
          tpu.enqueue_dma source(%dma_start3A_337 : memref<4x256xf32, #tpu.memory_space<vmem>>) target(%dma_start3A_334 : memref<4x256xf32, #tpu.memory_space<hbm>>) target_semaphore(%run_scoped3A : memref<!tpu.dma_semaphore, #tpu.memory_space<semaphore_mem>>)
          %dma_wait3A = arith.constant 0 : i32
          %dma_wait3A_338 = arith.constant 0 : i32
          %dma_wait3A_339 = tpu.memref_slice %arg9[%dma_wait3A, %dma_wait3A_338] : memref<256x256xf32, #tpu.memory_space<vmem>> -> memref<4x256xf32, #tpu.memory_space<vmem>>
          %dma_wait3A_340 = arith.constant 0 : i32
          %dma_wait3A_341 = tpu.memref_slice %arg6[%add3A_328, %dma_wait3A_340] : memref<32768x256xf32, #tpu.memory_space<hbm>> -> memref<4x256xf32, #tpu.memory_space<hbm>>
          %dma_wait3A_342 = arith.constant 0 : i32
          %dma_wait3A_343 = tpu.memref_slice %arg6[%add3A_328, %dma_wait3A_342] : memref<32768x256xf32, #tpu.memory_space<hbm>> -> memref<4x256xf32, #tpu.memory_space<hbm>>
          %dma_wait3A_344 = arith.constant 0 : i32
          %dma_wait3A_345 = arith.constant 0 : i32
          %dma_wait3A_346 = tpu.memref_slice %arg9[%dma_wait3A_344, %dma_wait3A_345] : memref<256x256xf32, #tpu.memory_space<vmem>> -> memref<4x256xf32, #tpu.memory_space<vmem>>
          tpu.wait_dma2 semaphore(%run_scoped3A : memref<!tpu.dma_semaphore, #tpu.memory_space<semaphore_mem>>) src(%dma_wait3A_346 : memref<4x256xf32, #tpu.memory_space<vmem>>) dst(%dma_wait3A_343 : memref<4x256xf32, #tpu.memory_space<hbm>>)
          tpu.yield
        }) : () -> ()
      } else {
      }
      %jit3A_301 = arith.constant 4 : i32
      %jit3A_302 = arith.constant 0 : i32
      %select_n3A_303 = arith.select %ne3A_297, %jit3A_301, %jit3A_302 : i32
      %add3A_304 = arith.addi %add3A_293, %select_n3A_303 : i32
      %and3A_305 = arith.constant 2 : i32
      %and3A_306 = arith.andi %min3A_27, %and3A_305 : i32
      %ne3A_307 = arith.constant 0 : i32
      %ne3A_308 = arith.cmpi ne, %and3A_306, %ne3A_307 : i32
      %convert_element_type3A_309 = arith.extui %ne3A_308 : i1 to i32
      %cond3A_310 = arith.constant 0 : i32
      %cond3A_311 = arith.cmpi ne, %convert_element_type3A_309, %cond3A_310 : i32
      scf.if %cond3A_311 {
        %add3A_327 = arith.addi %add3A, %add3A_304 : i32
        %add3A_328 = arith.addi %add3A_30, %add3A_304 : i32
        "tpu.region"() ({
          %run_scoped3A = tpu.sem_alloc : memref<!tpu.dma_semaphore, #tpu.memory_space<semaphore_mem>>
          %dma_start3A = arith.constant 0 : i32
          %dma_start3A_329 = arith.constant 0 : i32
          %dma_start3A_330 = tpu.memref_slice %arg9[%dma_start3A, %dma_start3A_329] : memref<256x256xf32, #tpu.memory_space<vmem>> -> memref<2x256xf32, #tpu.memory_space<vmem>>
          %dma_start3A_331 = arith.constant 0 : i32
          %dma_start3A_332 = tpu.memref_slice %arg2[%add3A_327, %dma_start3A_331] : memref<16384x256xf32, #tpu.memory_space<hbm>> -> memref<2x256xf32, #tpu.memory_space<hbm>>
          %dma_start3A_333 = arith.constant 0 : i32
          %dma_start3A_334 = arith.constant 0 : i32
          %dma_start3A_335 = tpu.memref_slice %arg9[%dma_start3A_333, %dma_start3A_334] : memref<256x256xf32, #tpu.memory_space<vmem>> -> memref<2x256xf32, #tpu.memory_space<vmem>>
          %dma_start3A_336 = arith.constant 0 : i32
          %dma_start3A_337 = tpu.memref_slice %arg2[%add3A_327, %dma_start3A_336] : memref<16384x256xf32, #tpu.memory_space<hbm>> -> memref<2x256xf32, #tpu.memory_space<hbm>>
          tpu.enqueue_dma source(%dma_start3A_337 : memref<2x256xf32, #tpu.memory_space<hbm>>) target(%dma_start3A_335 : memref<2x256xf32, #tpu.memory_space<vmem>>) target_semaphore(%run_scoped3A : memref<!tpu.dma_semaphore, #tpu.memory_space<semaphore_mem>>)
          %dma_wait3A = arith.constant 0 : i32
          %dma_wait3A_338 = arith.constant 0 : i32
          %dma_wait3A_339 = tpu.memref_slice %arg9[%dma_wait3A, %dma_wait3A_338] : memref<256x256xf32, #tpu.memory_space<vmem>> -> memref<2x256xf32, #tpu.memory_space<vmem>>
          %dma_wait3A_340 = arith.constant 0 : i32
          %dma_wait3A_341 = tpu.memref_slice %arg2[%add3A_327, %dma_wait3A_340] : memref<16384x256xf32, #tpu.memory_space<hbm>> -> memref<2x256xf32, #tpu.memory_space<hbm>>
          %dma_wait3A_342 = arith.constant 0 : i32
          %dma_wait3A_343 = arith.constant 0 : i32
          %dma_wait3A_344 = tpu.memref_slice %arg9[%dma_wait3A_342, %dma_wait3A_343] : memref<256x256xf32, #tpu.memory_space<vmem>> -> memref<2x256xf32, #tpu.memory_space<vmem>>
          %dma_wait3A_345 = arith.constant 0 : i32
          %dma_wait3A_346 = tpu.memref_slice %arg2[%add3A_327, %dma_wait3A_345] : memref<16384x256xf32, #tpu.memory_space<hbm>> -> memref<2x256xf32, #tpu.memory_space<hbm>>
          tpu.wait_dma2 semaphore(%run_scoped3A : memref<!tpu.dma_semaphore, #tpu.memory_space<semaphore_mem>>) src(%dma_wait3A_346 : memref<2x256xf32, #tpu.memory_space<hbm>>) dst(%dma_wait3A_344 : memref<2x256xf32, #tpu.memory_space<vmem>>)
          tpu.yield
        }) : () -> ()
        "tpu.region"() ({
          %run_scoped3A = tpu.sem_alloc : memref<!tpu.dma_semaphore, #tpu.memory_space<semaphore_mem>>
          %dma_start3A = arith.constant 0 : i32
          %dma_start3A_329 = arith.constant 0 : i32
          %dma_start3A_330 = tpu.memref_slice %arg9[%dma_start3A, %dma_start3A_329] : memref<256x256xf32, #tpu.memory_space<vmem>> -> memref<2x256xf32, #tpu.memory_space<vmem>>
          %dma_start3A_331 = arith.constant 0 : i32
          %dma_start3A_332 = tpu.memref_slice %arg6[%add3A_328, %dma_start3A_331] : memref<32768x256xf32, #tpu.memory_space<hbm>> -> memref<2x256xf32, #tpu.memory_space<hbm>>
          %dma_start3A_333 = arith.constant 0 : i32
          %dma_start3A_334 = tpu.memref_slice %arg6[%add3A_328, %dma_start3A_333] : memref<32768x256xf32, #tpu.memory_space<hbm>> -> memref<2x256xf32, #tpu.memory_space<hbm>>
          %dma_start3A_335 = arith.constant 0 : i32
          %dma_start3A_336 = arith.constant 0 : i32
          %dma_start3A_337 = tpu.memref_slice %arg9[%dma_start3A_335, %dma_start3A_336] : memref<256x256xf32, #tpu.memory_space<vmem>> -> memref<2x256xf32, #tpu.memory_space<vmem>>
          tpu.enqueue_dma source(%dma_start3A_337 : memref<2x256xf32, #tpu.memory_space<vmem>>) target(%dma_start3A_334 : memref<2x256xf32, #tpu.memory_space<hbm>>) target_semaphore(%run_scoped3A : memref<!tpu.dma_semaphore, #tpu.memory_space<semaphore_mem>>)
          %dma_wait3A = arith.constant 0 : i32
          %dma_wait3A_338 = arith.constant 0 : i32
          %dma_wait3A_339 = tpu.memref_slice %arg9[%dma_wait3A, %dma_wait3A_338] : memref<256x256xf32, #tpu.memory_space<vmem>> -> memref<2x256xf32, #tpu.memory_space<vmem>>
          %dma_wait3A_340 = arith.constant 0 : i32
          %dma_wait3A_341 = tpu.memref_slice %arg6[%add3A_328, %dma_wait3A_340] : memref<32768x256xf32, #tpu.memory_space<hbm>> -> memref<2x256xf32, #tpu.memory_space<hbm>>
          %dma_wait3A_342 = arith.constant 0 : i32
          %dma_wait3A_343 = tpu.memref_slice %arg6[%add3A_328, %dma_wait3A_342] : memref<32768x256xf32, #tpu.memory_space<hbm>> -> memref<2x256xf32, #tpu.memory_space<hbm>>
          %dma_wait3A_344 = arith.constant 0 : i32
          %dma_wait3A_345 = arith.constant 0 : i32
          %dma_wait3A_346 = tpu.memref_slice %arg9[%dma_wait3A_344, %dma_wait3A_345] : memref<256x256xf32, #tpu.memory_space<vmem>> -> memref<2x256xf32, #tpu.memory_space<vmem>>
          tpu.wait_dma2 semaphore(%run_scoped3A : memref<!tpu.dma_semaphore, #tpu.memory_space<semaphore_mem>>) src(%dma_wait3A_346 : memref<2x256xf32, #tpu.memory_space<vmem>>) dst(%dma_wait3A_343 : memref<2x256xf32, #tpu.memory_space<hbm>>)
          tpu.yield
        }) : () -> ()
      } else {
      }
      %jit3A_312 = arith.constant 2 : i32
      %jit3A_313 = arith.constant 0 : i32
      %select_n3A_314 = arith.select %ne3A_308, %jit3A_312, %jit3A_313 : i32
      %add3A_315 = arith.addi %add3A_304, %select_n3A_314 : i32
      %and3A_316 = arith.constant 1 : i32
      %and3A_317 = arith.andi %min3A_27, %and3A_316 : i32
      %ne3A_318 = arith.constant 0 : i32
      %ne3A_319 = arith.cmpi ne, %and3A_317, %ne3A_318 : i32
      %convert_element_type3A_320 = arith.extui %ne3A_319 : i1 to i32
      %cond3A_321 = arith.constant 0 : i32
      %cond3A_322 = arith.cmpi ne, %convert_element_type3A_320, %cond3A_321 : i32
      scf.if %cond3A_322 {
        %add3A_327 = arith.addi %add3A, %add3A_315 : i32
        %add3A_328 = arith.addi %add3A_30, %add3A_315 : i32
        "tpu.region"() ({
          %run_scoped3A = tpu.sem_alloc : memref<!tpu.dma_semaphore, #tpu.memory_space<semaphore_mem>>
          %dma_start3A = arith.constant 0 : i32
          %dma_start3A_329 = arith.constant 0 : i32
          %dma_start3A_330 = tpu.memref_slice %arg9[%dma_start3A, %dma_start3A_329] : memref<256x256xf32, #tpu.memory_space<vmem>> -> memref<1x256xf32, #tpu.memory_space<vmem>>
          %dma_start3A_331 = arith.constant 0 : i32
          %dma_start3A_332 = tpu.memref_slice %arg2[%add3A_327, %dma_start3A_331] : memref<16384x256xf32, #tpu.memory_space<hbm>> -> memref<1x256xf32, #tpu.memory_space<hbm>>
          %dma_start3A_333 = arith.constant 0 : i32
          %dma_start3A_334 = arith.constant 0 : i32
          %dma_start3A_335 = tpu.memref_slice %arg9[%dma_start3A_333, %dma_start3A_334] : memref<256x256xf32, #tpu.memory_space<vmem>> -> memref<1x256xf32, #tpu.memory_space<vmem>>
          %dma_start3A_336 = arith.constant 0 : i32
          %dma_start3A_337 = tpu.memref_slice %arg2[%add3A_327, %dma_start3A_336] : memref<16384x256xf32, #tpu.memory_space<hbm>> -> memref<1x256xf32, #tpu.memory_space<hbm>>
          tpu.enqueue_dma source(%dma_start3A_337 : memref<1x256xf32, #tpu.memory_space<hbm>>) target(%dma_start3A_335 : memref<1x256xf32, #tpu.memory_space<vmem>>) target_semaphore(%run_scoped3A : memref<!tpu.dma_semaphore, #tpu.memory_space<semaphore_mem>>)
          %dma_wait3A = arith.constant 0 : i32
          %dma_wait3A_338 = arith.constant 0 : i32
          %dma_wait3A_339 = tpu.memref_slice %arg9[%dma_wait3A, %dma_wait3A_338] : memref<256x256xf32, #tpu.memory_space<vmem>> -> memref<1x256xf32, #tpu.memory_space<vmem>>
          %dma_wait3A_340 = arith.constant 0 : i32
          %dma_wait3A_341 = tpu.memref_slice %arg2[%add3A_327, %dma_wait3A_340] : memref<16384x256xf32, #tpu.memory_space<hbm>> -> memref<1x256xf32, #tpu.memory_space<hbm>>
          %dma_wait3A_342 = arith.constant 0 : i32
          %dma_wait3A_343 = arith.constant 0 : i32
          %dma_wait3A_344 = tpu.memref_slice %arg9[%dma_wait3A_342, %dma_wait3A_343] : memref<256x256xf32, #tpu.memory_space<vmem>> -> memref<1x256xf32, #tpu.memory_space<vmem>>
          %dma_wait3A_345 = arith.constant 0 : i32
          %dma_wait3A_346 = tpu.memref_slice %arg2[%add3A_327, %dma_wait3A_345] : memref<16384x256xf32, #tpu.memory_space<hbm>> -> memref<1x256xf32, #tpu.memory_space<hbm>>
          tpu.wait_dma2 semaphore(%run_scoped3A : memref<!tpu.dma_semaphore, #tpu.memory_space<semaphore_mem>>) src(%dma_wait3A_346 : memref<1x256xf32, #tpu.memory_space<hbm>>) dst(%dma_wait3A_344 : memref<1x256xf32, #tpu.memory_space<vmem>>)
          tpu.yield
        }) : () -> ()
        "tpu.region"() ({
          %run_scoped3A = tpu.sem_alloc : memref<!tpu.dma_semaphore, #tpu.memory_space<semaphore_mem>>
          %dma_start3A = arith.constant 0 : i32
          %dma_start3A_329 = arith.constant 0 : i32
          %dma_start3A_330 = tpu.memref_slice %arg9[%dma_start3A, %dma_start3A_329] : memref<256x256xf32, #tpu.memory_space<vmem>> -> memref<1x256xf32, #tpu.memory_space<vmem>>
          %dma_start3A_331 = arith.constant 0 : i32
          %dma_start3A_332 = tpu.memref_slice %arg6[%add3A_328, %dma_start3A_331] : memref<32768x256xf32, #tpu.memory_space<hbm>> -> memref<1x256xf32, #tpu.memory_space<hbm>>
          %dma_start3A_333 = arith.constant 0 : i32
          %dma_start3A_334 = tpu.memref_slice %arg6[%add3A_328, %dma_start3A_333] : memref<32768x256xf32, #tpu.memory_space<hbm>> -> memref<1x256xf32, #tpu.memory_space<hbm>>
          %dma_start3A_335 = arith.constant 0 : i32
          %dma_start3A_336 = arith.constant 0 : i32
          %dma_start3A_337 = tpu.memref_slice %arg9[%dma_start3A_335, %dma_start3A_336] : memref<256x256xf32, #tpu.memory_space<vmem>> -> memref<1x256xf32, #tpu.memory_space<vmem>>
          tpu.enqueue_dma source(%dma_start3A_337 : memref<1x256xf32, #tpu.memory_space<vmem>>) target(%dma_start3A_334 : memref<1x256xf32, #tpu.memory_space<hbm>>) target_semaphore(%run_scoped3A : memref<!tpu.dma_semaphore, #tpu.memory_space<semaphore_mem>>)
          %dma_wait3A = arith.constant 0 : i32
          %dma_wait3A_338 = arith.constant 0 : i32
          %dma_wait3A_339 = tpu.memref_slice %arg9[%dma_wait3A, %dma_wait3A_338] : memref<256x256xf32, #tpu.memory_space<vmem>> -> memref<1x256xf32, #tpu.memory_space<vmem>>
          %dma_wait3A_340 = arith.constant 0 : i32
          %dma_wait3A_341 = tpu.memref_slice %arg6[%add3A_328, %dma_wait3A_340] : memref<32768x256xf32, #tpu.memory_space<hbm>> -> memref<1x256xf32, #tpu.memory_space<hbm>>
          %dma_wait3A_342 = arith.constant 0 : i32
          %dma_wait3A_343 = tpu.memref_slice %arg6[%add3A_328, %dma_wait3A_342] : memref<32768x256xf32, #tpu.memory_space<hbm>> -> memref<1x256xf32, #tpu.memory_space<hbm>>
          %dma_wait3A_344 = arith.constant 0 : i32
          %dma_wait3A_345 = arith.constant 0 : i32
          %dma_wait3A_346 = tpu.memref_slice %arg9[%dma_wait3A_344, %dma_wait3A_345] : memref<256x256xf32, #tpu.memory_space<vmem>> -> memref<1x256xf32, #tpu.memory_space<vmem>>
          tpu.wait_dma2 semaphore(%run_scoped3A : memref<!tpu.dma_semaphore, #tpu.memory_space<semaphore_mem>>) src(%dma_wait3A_346 : memref<1x256xf32, #tpu.memory_space<vmem>>) dst(%dma_wait3A_343 : memref<1x256xf32, #tpu.memory_space<hbm>>)
          tpu.yield
        }) : () -> ()
      } else {
      }
      %jit3A_323 = arith.constant 1 : i32
      %jit3A_324 = arith.constant 0 : i32
      %select_n3A_325 = arith.select %ne3A_319, %jit3A_323, %jit3A_324 : i32
      %add3A_326 = arith.addi %add3A_315, %select_n3A_325 : i32
    } else {
    }
    %sub3A_85 = arith.constant 1024 : i32
    %sub3A_86 = arith.subi %sub3A_85, %min3A_27 : i32
    %add3A_87 = arith.addi %add3A_30, %min3A_27 : i32
    %jit3A_88 = arith.constant 128 : i32
    %eq3A_89 = arith.constant 0 : i32
    %eq3A_90 = arith.cmpi eq, %jit3A_88, %eq3A_89 : i32
    %jit3A_91 = arith.constant 1 : i32
    %select_n3A_92 = arith.select %eq3A_90, %jit3A_91, %jit3A_88 : i32
    %rem3A_93 = arith.remsi %min3A_27, %select_n3A_92 : i32
    %ne3A_94 = arith.constant 0 : i32
    %ne3A_95 = arith.cmpi ne, %rem3A_93, %ne3A_94 : i32
    %lt3A_96 = arith.constant 0 : i32
    %lt3A_97 = arith.cmpi slt, %rem3A_93, %lt3A_96 : i32
    %lt3A_98 = arith.constant 0 : i32
    %lt3A_99 = arith.cmpi slt, %select_n3A_92, %lt3A_98 : i32
    %ne3A_100 = arith.xori %lt3A_97, %lt3A_99 : i1
    %and3A_101 = arith.andi %ne3A_100, %ne3A_95 : i1
    %add3A_102 = arith.addi %rem3A_93, %select_n3A_92 : i32
    %select_n3A_103 = arith.select %and3A_101, %add3A_102, %rem3A_93 : i32
    %sub3A_104 = arith.constant 128 : i32
    %sub3A_105 = arith.subi %sub3A_104, %select_n3A_103 : i32
    %jit3A_106 = arith.constant 128 : i32
    %eq3A_107 = arith.constant 0 : i32
    %eq3A_108 = arith.cmpi eq, %jit3A_106, %eq3A_107 : i32
    %jit3A_109 = arith.constant 1 : i32
    %select_n3A_110 = arith.select %eq3A_108, %jit3A_109, %jit3A_106 : i32
    %rem3A_111 = arith.remsi %sub3A_105, %select_n3A_110 : i32
    %ne3A_112 = arith.constant 0 : i32
    %ne3A_113 = arith.cmpi ne, %rem3A_111, %ne3A_112 : i32
    %lt3A_114 = arith.constant 0 : i32
    %lt3A_115 = arith.cmpi slt, %rem3A_111, %lt3A_114 : i32
    %lt3A_116 = arith.constant 0 : i32
    %lt3A_117 = arith.cmpi slt, %select_n3A_110, %lt3A_116 : i32
    %ne3A_118 = arith.xori %lt3A_115, %lt3A_117 : i1
    %and3A_119 = arith.andi %ne3A_118, %ne3A_113 : i1
    %add3A_120 = arith.addi %rem3A_111, %select_n3A_110 : i32
    %select_n3A_121 = arith.select %and3A_119, %add3A_120, %rem3A_111 : i32
    %min3A_122 = arith.minsi %select_n3A_121, %sub3A_86 : i32
    %and3A_123 = arith.constant 64 : i32
    %and3A_124 = arith.andi %min3A_122, %and3A_123 : i32
    %ne3A_125 = arith.constant 0 : i32
    %ne3A_126 = arith.cmpi ne, %and3A_124, %ne3A_125 : i32
    %convert_element_type3A_127 = arith.extui %ne3A_126 : i1 to i32
    %cond3A_128 = arith.constant 0 : i32
    %cond3A_129 = arith.constant 0 : i32
    %cond3A_130 = arith.cmpi ne, %convert_element_type3A_127, %cond3A_129 : i32
    scf.if %cond3A_130 {
      %add3A_237 = arith.addi %add3A_87, %cond3A_128 : i32
      "tpu.region"() ({
        %run_scoped3A = tpu.sem_alloc : memref<!tpu.dma_semaphore, #tpu.memory_space<semaphore_mem>>
        %dma_start3A = arith.constant 0 : i32
        %dma_start3A_238 = arith.constant 0 : i32
        %dma_start3A_239 = tpu.memref_slice %arg10[%dma_start3A, %dma_start3A_238] : memref<128x256xf32, #tpu.memory_space<vmem>> -> memref<64x256xf32, #tpu.memory_space<vmem>>
        %dma_start3A_240 = arith.constant 0 : i32
        %dma_start3A_241 = tpu.memref_slice %arg6[%add3A_237, %dma_start3A_240] : memref<32768x256xf32, #tpu.memory_space<hbm>> -> memref<64x256xf32, #tpu.memory_space<hbm>>
        %dma_start3A_242 = arith.constant 0 : i32
        %dma_start3A_243 = tpu.memref_slice %arg6[%add3A_237, %dma_start3A_242] : memref<32768x256xf32, #tpu.memory_space<hbm>> -> memref<64x256xf32, #tpu.memory_space<hbm>>
        %dma_start3A_244 = arith.constant 0 : i32
        %dma_start3A_245 = arith.constant 0 : i32
        %dma_start3A_246 = tpu.memref_slice %arg10[%dma_start3A_244, %dma_start3A_245] : memref<128x256xf32, #tpu.memory_space<vmem>> -> memref<64x256xf32, #tpu.memory_space<vmem>>
        tpu.enqueue_dma source(%dma_start3A_246 : memref<64x256xf32, #tpu.memory_space<vmem>>) target(%dma_start3A_243 : memref<64x256xf32, #tpu.memory_space<hbm>>) target_semaphore(%run_scoped3A : memref<!tpu.dma_semaphore, #tpu.memory_space<semaphore_mem>>)
        %dma_wait3A = arith.constant 0 : i32
        %dma_wait3A_247 = arith.constant 0 : i32
        %dma_wait3A_248 = tpu.memref_slice %arg10[%dma_wait3A, %dma_wait3A_247] : memref<128x256xf32, #tpu.memory_space<vmem>> -> memref<64x256xf32, #tpu.memory_space<vmem>>
        %dma_wait3A_249 = arith.constant 0 : i32
        %dma_wait3A_250 = tpu.memref_slice %arg6[%add3A_237, %dma_wait3A_249] : memref<32768x256xf32, #tpu.memory_space<hbm>> -> memref<64x256xf32, #tpu.memory_space<hbm>>
        %dma_wait3A_251 = arith.constant 0 : i32
        %dma_wait3A_252 = tpu.memref_slice %arg6[%add3A_237, %dma_wait3A_251] : memref<32768x256xf32, #tpu.memory_space<hbm>> -> memref<64x256xf32, #tpu.memory_space<hbm>>
        %dma_wait3A_253 = arith.constant 0 : i32
        %dma_wait3A_254 = arith.constant 0 : i32
        %dma_wait3A_255 = tpu.memref_slice %arg10[%dma_wait3A_253, %dma_wait3A_254] : memref<128x256xf32, #tpu.memory_space<vmem>> -> memref<64x256xf32, #tpu.memory_space<vmem>>
        tpu.wait_dma2 semaphore(%run_scoped3A : memref<!tpu.dma_semaphore, #tpu.memory_space<semaphore_mem>>) src(%dma_wait3A_255 : memref<64x256xf32, #tpu.memory_space<vmem>>) dst(%dma_wait3A_252 : memref<64x256xf32, #tpu.memory_space<hbm>>)
        tpu.yield
      }) : () -> ()
    } else {
    }
    %jit3A_131 = arith.constant 64 : i32
    %jit3A_132 = arith.constant 0 : i32
    %select_n3A_133 = arith.select %ne3A_126, %jit3A_131, %jit3A_132 : i32
    %add3A_134 = arith.constant 0 : i32
    %add3A_135 = arith.addi %add3A_134, %select_n3A_133 : i32
    %and3A_136 = arith.constant 32 : i32
    %and3A_137 = arith.andi %min3A_122, %and3A_136 : i32
    %ne3A_138 = arith.constant 0 : i32
    %ne3A_139 = arith.cmpi ne, %and3A_137, %ne3A_138 : i32
    %convert_element_type3A_140 = arith.extui %ne3A_139 : i1 to i32
    %cond3A_141 = arith.constant 0 : i32
    %cond3A_142 = arith.cmpi ne, %convert_element_type3A_140, %cond3A_141 : i32
    scf.if %cond3A_142 {
      %add3A_237 = arith.addi %add3A_87, %add3A_135 : i32
      "tpu.region"() ({
        %run_scoped3A = tpu.sem_alloc : memref<!tpu.dma_semaphore, #tpu.memory_space<semaphore_mem>>
        %dma_start3A = arith.constant 0 : i32
        %dma_start3A_238 = arith.constant 0 : i32
        %dma_start3A_239 = tpu.memref_slice %arg10[%dma_start3A, %dma_start3A_238] : memref<128x256xf32, #tpu.memory_space<vmem>> -> memref<32x256xf32, #tpu.memory_space<vmem>>
        %dma_start3A_240 = arith.constant 0 : i32
        %dma_start3A_241 = tpu.memref_slice %arg6[%add3A_237, %dma_start3A_240] : memref<32768x256xf32, #tpu.memory_space<hbm>> -> memref<32x256xf32, #tpu.memory_space<hbm>>
        %dma_start3A_242 = arith.constant 0 : i32
        %dma_start3A_243 = tpu.memref_slice %arg6[%add3A_237, %dma_start3A_242] : memref<32768x256xf32, #tpu.memory_space<hbm>> -> memref<32x256xf32, #tpu.memory_space<hbm>>
        %dma_start3A_244 = arith.constant 0 : i32
        %dma_start3A_245 = arith.constant 0 : i32
        %dma_start3A_246 = tpu.memref_slice %arg10[%dma_start3A_244, %dma_start3A_245] : memref<128x256xf32, #tpu.memory_space<vmem>> -> memref<32x256xf32, #tpu.memory_space<vmem>>
        tpu.enqueue_dma source(%dma_start3A_246 : memref<32x256xf32, #tpu.memory_space<vmem>>) target(%dma_start3A_243 : memref<32x256xf32, #tpu.memory_space<hbm>>) target_semaphore(%run_scoped3A : memref<!tpu.dma_semaphore, #tpu.memory_space<semaphore_mem>>)
        %dma_wait3A = arith.constant 0 : i32
        %dma_wait3A_247 = arith.constant 0 : i32
        %dma_wait3A_248 = tpu.memref_slice %arg10[%dma_wait3A, %dma_wait3A_247] : memref<128x256xf32, #tpu.memory_space<vmem>> -> memref<32x256xf32, #tpu.memory_space<vmem>>
        %dma_wait3A_249 = arith.constant 0 : i32
        %dma_wait3A_250 = tpu.memref_slice %arg6[%add3A_237, %dma_wait3A_249] : memref<32768x256xf32, #tpu.memory_space<hbm>> -> memref<32x256xf32, #tpu.memory_space<hbm>>
        %dma_wait3A_251 = arith.constant 0 : i32
        %dma_wait3A_252 = tpu.memref_slice %arg6[%add3A_237, %dma_wait3A_251] : memref<32768x256xf32, #tpu.memory_space<hbm>> -> memref<32x256xf32, #tpu.memory_space<hbm>>
        %dma_wait3A_253 = arith.constant 0 : i32
        %dma_wait3A_254 = arith.constant 0 : i32
        %dma_wait3A_255 = tpu.memref_slice %arg10[%dma_wait3A_253, %dma_wait3A_254] : memref<128x256xf32, #tpu.memory_space<vmem>> -> memref<32x256xf32, #tpu.memory_space<vmem>>
        tpu.wait_dma2 semaphore(%run_scoped3A : memref<!tpu.dma_semaphore, #tpu.memory_space<semaphore_mem>>) src(%dma_wait3A_255 : memref<32x256xf32, #tpu.memory_space<vmem>>) dst(%dma_wait3A_252 : memref<32x256xf32, #tpu.memory_space<hbm>>)
        tpu.yield
      }) : () -> ()
    } else {
    }
    %jit3A_143 = arith.constant 32 : i32
    %jit3A_144 = arith.constant 0 : i32
    %select_n3A_145 = arith.select %ne3A_139, %jit3A_143, %jit3A_144 : i32
    %add3A_146 = arith.addi %add3A_135, %select_n3A_145 : i32
    %and3A_147 = arith.constant 16 : i32
    %and3A_148 = arith.andi %min3A_122, %and3A_147 : i32
    %ne3A_149 = arith.constant 0 : i32
    %ne3A_150 = arith.cmpi ne, %and3A_148, %ne3A_149 : i32
    %convert_element_type3A_151 = arith.extui %ne3A_150 : i1 to i32
    %cond3A_152 = arith.constant 0 : i32
    %cond3A_153 = arith.cmpi ne, %convert_element_type3A_151, %cond3A_152 : i32
    scf.if %cond3A_153 {
      %add3A_237 = arith.addi %add3A_87, %add3A_146 : i32
      "tpu.region"() ({
        %run_scoped3A = tpu.sem_alloc : memref<!tpu.dma_semaphore, #tpu.memory_space<semaphore_mem>>
        %dma_start3A = arith.constant 0 : i32
        %dma_start3A_238 = arith.constant 0 : i32
        %dma_start3A_239 = tpu.memref_slice %arg10[%dma_start3A, %dma_start3A_238] : memref<128x256xf32, #tpu.memory_space<vmem>> -> memref<16x256xf32, #tpu.memory_space<vmem>>
        %dma_start3A_240 = arith.constant 0 : i32
        %dma_start3A_241 = tpu.memref_slice %arg6[%add3A_237, %dma_start3A_240] : memref<32768x256xf32, #tpu.memory_space<hbm>> -> memref<16x256xf32, #tpu.memory_space<hbm>>
        %dma_start3A_242 = arith.constant 0 : i32
        %dma_start3A_243 = tpu.memref_slice %arg6[%add3A_237, %dma_start3A_242] : memref<32768x256xf32, #tpu.memory_space<hbm>> -> memref<16x256xf32, #tpu.memory_space<hbm>>
        %dma_start3A_244 = arith.constant 0 : i32
        %dma_start3A_245 = arith.constant 0 : i32
        %dma_start3A_246 = tpu.memref_slice %arg10[%dma_start3A_244, %dma_start3A_245] : memref<128x256xf32, #tpu.memory_space<vmem>> -> memref<16x256xf32, #tpu.memory_space<vmem>>
        tpu.enqueue_dma source(%dma_start3A_246 : memref<16x256xf32, #tpu.memory_space<vmem>>) target(%dma_start3A_243 : memref<16x256xf32, #tpu.memory_space<hbm>>) target_semaphore(%run_scoped3A : memref<!tpu.dma_semaphore, #tpu.memory_space<semaphore_mem>>)
        %dma_wait3A = arith.constant 0 : i32
        %dma_wait3A_247 = arith.constant 0 : i32
        %dma_wait3A_248 = tpu.memref_slice %arg10[%dma_wait3A, %dma_wait3A_247] : memref<128x256xf32, #tpu.memory_space<vmem>> -> memref<16x256xf32, #tpu.memory_space<vmem>>
        %dma_wait3A_249 = arith.constant 0 : i32
        %dma_wait3A_250 = tpu.memref_slice %arg6[%add3A_237, %dma_wait3A_249] : memref<32768x256xf32, #tpu.memory_space<hbm>> -> memref<16x256xf32, #tpu.memory_space<hbm>>
        %dma_wait3A_251 = arith.constant 0 : i32
        %dma_wait3A_252 = tpu.memref_slice %arg6[%add3A_237, %dma_wait3A_251] : memref<32768x256xf32, #tpu.memory_space<hbm>> -> memref<16x256xf32, #tpu.memory_space<hbm>>
        %dma_wait3A_253 = arith.constant 0 : i32
        %dma_wait3A_254 = arith.constant 0 : i32
        %dma_wait3A_255 = tpu.memref_slice %arg10[%dma_wait3A_253, %dma_wait3A_254] : memref<128x256xf32, #tpu.memory_space<vmem>> -> memref<16x256xf32, #tpu.memory_space<vmem>>
        tpu.wait_dma2 semaphore(%run_scoped3A : memref<!tpu.dma_semaphore, #tpu.memory_space<semaphore_mem>>) src(%dma_wait3A_255 : memref<16x256xf32, #tpu.memory_space<vmem>>) dst(%dma_wait3A_252 : memref<16x256xf32, #tpu.memory_space<hbm>>)
        tpu.yield
      }) : () -> ()
    } else {
    }
    %jit3A_154 = arith.constant 16 : i32
    %jit3A_155 = arith.constant 0 : i32
    %select_n3A_156 = arith.select %ne3A_150, %jit3A_154, %jit3A_155 : i32
    %add3A_157 = arith.addi %add3A_146, %select_n3A_156 : i32
    %and3A_158 = arith.constant 8 : i32
    %and3A_159 = arith.andi %min3A_122, %and3A_158 : i32
    %ne3A_160 = arith.constant 0 : i32
    %ne3A_161 = arith.cmpi ne, %and3A_159, %ne3A_160 : i32
    %convert_element_type3A_162 = arith.extui %ne3A_161 : i1 to i32
    %cond3A_163 = arith.constant 0 : i32
    %cond3A_164 = arith.cmpi ne, %convert_element_type3A_162, %cond3A_163 : i32
    scf.if %cond3A_164 {
      %add3A_237 = arith.addi %add3A_87, %add3A_157 : i32
      "tpu.region"() ({
        %run_scoped3A = tpu.sem_alloc : memref<!tpu.dma_semaphore, #tpu.memory_space<semaphore_mem>>
        %dma_start3A = arith.constant 0 : i32
        %dma_start3A_238 = arith.constant 0 : i32
        %dma_start3A_239 = tpu.memref_slice %arg10[%dma_start3A, %dma_start3A_238] : memref<128x256xf32, #tpu.memory_space<vmem>> -> memref<8x256xf32, #tpu.memory_space<vmem>>
        %dma_start3A_240 = arith.constant 0 : i32
        %dma_start3A_241 = tpu.memref_slice %arg6[%add3A_237, %dma_start3A_240] : memref<32768x256xf32, #tpu.memory_space<hbm>> -> memref<8x256xf32, #tpu.memory_space<hbm>>
        %dma_start3A_242 = arith.constant 0 : i32
        %dma_start3A_243 = tpu.memref_slice %arg6[%add3A_237, %dma_start3A_242] : memref<32768x256xf32, #tpu.memory_space<hbm>> -> memref<8x256xf32, #tpu.memory_space<hbm>>
        %dma_start3A_244 = arith.constant 0 : i32
        %dma_start3A_245 = arith.constant 0 : i32
        %dma_start3A_246 = tpu.memref_slice %arg10[%dma_start3A_244, %dma_start3A_245] : memref<128x256xf32, #tpu.memory_space<vmem>> -> memref<8x256xf32, #tpu.memory_space<vmem>>
        tpu.enqueue_dma source(%dma_start3A_246 : memref<8x256xf32, #tpu.memory_space<vmem>>) target(%dma_start3A_243 : memref<8x256xf32, #tpu.memory_space<hbm>>) target_semaphore(%run_scoped3A : memref<!tpu.dma_semaphore, #tpu.memory_space<semaphore_mem>>)
        %dma_wait3A = arith.constant 0 : i32
        %dma_wait3A_247 = arith.constant 0 : i32
        %dma_wait3A_248 = tpu.memref_slice %arg10[%dma_wait3A, %dma_wait3A_247] : memref<128x256xf32, #tpu.memory_space<vmem>> -> memref<8x256xf32, #tpu.memory_space<vmem>>
        %dma_wait3A_249 = arith.constant 0 : i32
        %dma_wait3A_250 = tpu.memref_slice %arg6[%add3A_237, %dma_wait3A_249] : memref<32768x256xf32, #tpu.memory_space<hbm>> -> memref<8x256xf32, #tpu.memory_space<hbm>>
        %dma_wait3A_251 = arith.constant 0 : i32
        %dma_wait3A_252 = tpu.memref_slice %arg6[%add3A_237, %dma_wait3A_251] : memref<32768x256xf32, #tpu.memory_space<hbm>> -> memref<8x256xf32, #tpu.memory_space<hbm>>
        %dma_wait3A_253 = arith.constant 0 : i32
        %dma_wait3A_254 = arith.constant 0 : i32
        %dma_wait3A_255 = tpu.memref_slice %arg10[%dma_wait3A_253, %dma_wait3A_254] : memref<128x256xf32, #tpu.memory_space<vmem>> -> memref<8x256xf32, #tpu.memory_space<vmem>>
        tpu.wait_dma2 semaphore(%run_scoped3A : memref<!tpu.dma_semaphore, #tpu.memory_space<semaphore_mem>>) src(%dma_wait3A_255 : memref<8x256xf32, #tpu.memory_space<vmem>>) dst(%dma_wait3A_252 : memref<8x256xf32, #tpu.memory_space<hbm>>)
        tpu.yield
      }) : () -> ()
    } else {
    }
    %jit3A_165 = arith.constant 8 : i32
    %jit3A_166 = arith.constant 0 : i32
    %select_n3A_167 = arith.select %ne3A_161, %jit3A_165, %jit3A_166 : i32
    %add3A_168 = arith.addi %add3A_157, %select_n3A_167 : i32
    %and3A_169 = arith.constant 4 : i32
    %and3A_170 = arith.andi %min3A_122, %and3A_169 : i32
    %ne3A_171 = arith.constant 0 : i32
    %ne3A_172 = arith.cmpi ne, %and3A_170, %ne3A_171 : i32
    %convert_element_type3A_173 = arith.extui %ne3A_172 : i1 to i32
    %cond3A_174 = arith.constant 0 : i32
    %cond3A_175 = arith.cmpi ne, %convert_element_type3A_173, %cond3A_174 : i32
    scf.if %cond3A_175 {
      %add3A_237 = arith.addi %add3A_87, %add3A_168 : i32
      "tpu.region"() ({
        %run_scoped3A = tpu.sem_alloc : memref<!tpu.dma_semaphore, #tpu.memory_space<semaphore_mem>>
        %dma_start3A = arith.constant 0 : i32
        %dma_start3A_238 = arith.constant 0 : i32
        %dma_start3A_239 = tpu.memref_slice %arg10[%dma_start3A, %dma_start3A_238] : memref<128x256xf32, #tpu.memory_space<vmem>> -> memref<4x256xf32, #tpu.memory_space<vmem>>
        %dma_start3A_240 = arith.constant 0 : i32
        %dma_start3A_241 = tpu.memref_slice %arg6[%add3A_237, %dma_start3A_240] : memref<32768x256xf32, #tpu.memory_space<hbm>> -> memref<4x256xf32, #tpu.memory_space<hbm>>
        %dma_start3A_242 = arith.constant 0 : i32
        %dma_start3A_243 = tpu.memref_slice %arg6[%add3A_237, %dma_start3A_242] : memref<32768x256xf32, #tpu.memory_space<hbm>> -> memref<4x256xf32, #tpu.memory_space<hbm>>
        %dma_start3A_244 = arith.constant 0 : i32
        %dma_start3A_245 = arith.constant 0 : i32
        %dma_start3A_246 = tpu.memref_slice %arg10[%dma_start3A_244, %dma_start3A_245] : memref<128x256xf32, #tpu.memory_space<vmem>> -> memref<4x256xf32, #tpu.memory_space<vmem>>
        tpu.enqueue_dma source(%dma_start3A_246 : memref<4x256xf32, #tpu.memory_space<vmem>>) target(%dma_start3A_243 : memref<4x256xf32, #tpu.memory_space<hbm>>) target_semaphore(%run_scoped3A : memref<!tpu.dma_semaphore, #tpu.memory_space<semaphore_mem>>)
        %dma_wait3A = arith.constant 0 : i32
        %dma_wait3A_247 = arith.constant 0 : i32
        %dma_wait3A_248 = tpu.memref_slice %arg10[%dma_wait3A, %dma_wait3A_247] : memref<128x256xf32, #tpu.memory_space<vmem>> -> memref<4x256xf32, #tpu.memory_space<vmem>>
        %dma_wait3A_249 = arith.constant 0 : i32
        %dma_wait3A_250 = tpu.memref_slice %arg6[%add3A_237, %dma_wait3A_249] : memref<32768x256xf32, #tpu.memory_space<hbm>> -> memref<4x256xf32, #tpu.memory_space<hbm>>
        %dma_wait3A_251 = arith.constant 0 : i32
        %dma_wait3A_252 = tpu.memref_slice %arg6[%add3A_237, %dma_wait3A_251] : memref<32768x256xf32, #tpu.memory_space<hbm>> -> memref<4x256xf32, #tpu.memory_space<hbm>>
        %dma_wait3A_253 = arith.constant 0 : i32
        %dma_wait3A_254 = arith.constant 0 : i32
        %dma_wait3A_255 = tpu.memref_slice %arg10[%dma_wait3A_253, %dma_wait3A_254] : memref<128x256xf32, #tpu.memory_space<vmem>> -> memref<4x256xf32, #tpu.memory_space<vmem>>
        tpu.wait_dma2 semaphore(%run_scoped3A : memref<!tpu.dma_semaphore, #tpu.memory_space<semaphore_mem>>) src(%dma_wait3A_255 : memref<4x256xf32, #tpu.memory_space<vmem>>) dst(%dma_wait3A_252 : memref<4x256xf32, #tpu.memory_space<hbm>>)
        tpu.yield
      }) : () -> ()
    } else {
    }
    %jit3A_176 = arith.constant 4 : i32
    %jit3A_177 = arith.constant 0 : i32
    %select_n3A_178 = arith.select %ne3A_172, %jit3A_176, %jit3A_177 : i32
    %add3A_179 = arith.addi %add3A_168, %select_n3A_178 : i32
    %and3A_180 = arith.constant 2 : i32
    %and3A_181 = arith.andi %min3A_122, %and3A_180 : i32
    %ne3A_182 = arith.constant 0 : i32
    %ne3A_183 = arith.cmpi ne, %and3A_181, %ne3A_182 : i32
    %convert_element_type3A_184 = arith.extui %ne3A_183 : i1 to i32
    %cond3A_185 = arith.constant 0 : i32
    %cond3A_186 = arith.cmpi ne, %convert_element_type3A_184, %cond3A_185 : i32
    scf.if %cond3A_186 {
      %add3A_237 = arith.addi %add3A_87, %add3A_179 : i32
      "tpu.region"() ({
        %run_scoped3A = tpu.sem_alloc : memref<!tpu.dma_semaphore, #tpu.memory_space<semaphore_mem>>
        %dma_start3A = arith.constant 0 : i32
        %dma_start3A_238 = arith.constant 0 : i32
        %dma_start3A_239 = tpu.memref_slice %arg10[%dma_start3A, %dma_start3A_238] : memref<128x256xf32, #tpu.memory_space<vmem>> -> memref<2x256xf32, #tpu.memory_space<vmem>>
        %dma_start3A_240 = arith.constant 0 : i32
        %dma_start3A_241 = tpu.memref_slice %arg6[%add3A_237, %dma_start3A_240] : memref<32768x256xf32, #tpu.memory_space<hbm>> -> memref<2x256xf32, #tpu.memory_space<hbm>>
        %dma_start3A_242 = arith.constant 0 : i32
        %dma_start3A_243 = tpu.memref_slice %arg6[%add3A_237, %dma_start3A_242] : memref<32768x256xf32, #tpu.memory_space<hbm>> -> memref<2x256xf32, #tpu.memory_space<hbm>>
        %dma_start3A_244 = arith.constant 0 : i32
        %dma_start3A_245 = arith.constant 0 : i32
        %dma_start3A_246 = tpu.memref_slice %arg10[%dma_start3A_244, %dma_start3A_245] : memref<128x256xf32, #tpu.memory_space<vmem>> -> memref<2x256xf32, #tpu.memory_space<vmem>>
        tpu.enqueue_dma source(%dma_start3A_246 : memref<2x256xf32, #tpu.memory_space<vmem>>) target(%dma_start3A_243 : memref<2x256xf32, #tpu.memory_space<hbm>>) target_semaphore(%run_scoped3A : memref<!tpu.dma_semaphore, #tpu.memory_space<semaphore_mem>>)
        %dma_wait3A = arith.constant 0 : i32
        %dma_wait3A_247 = arith.constant 0 : i32
        %dma_wait3A_248 = tpu.memref_slice %arg10[%dma_wait3A, %dma_wait3A_247] : memref<128x256xf32, #tpu.memory_space<vmem>> -> memref<2x256xf32, #tpu.memory_space<vmem>>
        %dma_wait3A_249 = arith.constant 0 : i32
        %dma_wait3A_250 = tpu.memref_slice %arg6[%add3A_237, %dma_wait3A_249] : memref<32768x256xf32, #tpu.memory_space<hbm>> -> memref<2x256xf32, #tpu.memory_space<hbm>>
        %dma_wait3A_251 = arith.constant 0 : i32
        %dma_wait3A_252 = tpu.memref_slice %arg6[%add3A_237, %dma_wait3A_251] : memref<32768x256xf32, #tpu.memory_space<hbm>> -> memref<2x256xf32, #tpu.memory_space<hbm>>
        %dma_wait3A_253 = arith.constant 0 : i32
        %dma_wait3A_254 = arith.constant 0 : i32
        %dma_wait3A_255 = tpu.memref_slice %arg10[%dma_wait3A_253, %dma_wait3A_254] : memref<128x256xf32, #tpu.memory_space<vmem>> -> memref<2x256xf32, #tpu.memory_space<vmem>>
        tpu.wait_dma2 semaphore(%run_scoped3A : memref<!tpu.dma_semaphore, #tpu.memory_space<semaphore_mem>>) src(%dma_wait3A_255 : memref<2x256xf32, #tpu.memory_space<vmem>>) dst(%dma_wait3A_252 : memref<2x256xf32, #tpu.memory_space<hbm>>)
        tpu.yield
      }) : () -> ()
    } else {
    }
    %jit3A_187 = arith.constant 2 : i32
    %jit3A_188 = arith.constant 0 : i32
    %select_n3A_189 = arith.select %ne3A_183, %jit3A_187, %jit3A_188 : i32
    %add3A_190 = arith.addi %add3A_179, %select_n3A_189 : i32
    %and3A_191 = arith.constant 1 : i32
    %and3A_192 = arith.andi %min3A_122, %and3A_191 : i32
    %ne3A_193 = arith.constant 0 : i32
    %ne3A_194 = arith.cmpi ne, %and3A_192, %ne3A_193 : i32
    %convert_element_type3A_195 = arith.extui %ne3A_194 : i1 to i32
    %cond3A_196 = arith.constant 0 : i32
    %cond3A_197 = arith.cmpi ne, %convert_element_type3A_195, %cond3A_196 : i32
    scf.if %cond3A_197 {
      %add3A_237 = arith.addi %add3A_87, %add3A_190 : i32
      "tpu.region"() ({
        %run_scoped3A = tpu.sem_alloc : memref<!tpu.dma_semaphore, #tpu.memory_space<semaphore_mem>>
        %dma_start3A = arith.constant 0 : i32
        %dma_start3A_238 = arith.constant 0 : i32
        %dma_start3A_239 = tpu.memref_slice %arg10[%dma_start3A, %dma_start3A_238] : memref<128x256xf32, #tpu.memory_space<vmem>> -> memref<1x256xf32, #tpu.memory_space<vmem>>
        %dma_start3A_240 = arith.constant 0 : i32
        %dma_start3A_241 = tpu.memref_slice %arg6[%add3A_237, %dma_start3A_240] : memref<32768x256xf32, #tpu.memory_space<hbm>> -> memref<1x256xf32, #tpu.memory_space<hbm>>
        %dma_start3A_242 = arith.constant 0 : i32
        %dma_start3A_243 = tpu.memref_slice %arg6[%add3A_237, %dma_start3A_242] : memref<32768x256xf32, #tpu.memory_space<hbm>> -> memref<1x256xf32, #tpu.memory_space<hbm>>
        %dma_start3A_244 = arith.constant 0 : i32
        %dma_start3A_245 = arith.constant 0 : i32
        %dma_start3A_246 = tpu.memref_slice %arg10[%dma_start3A_244, %dma_start3A_245] : memref<128x256xf32, #tpu.memory_space<vmem>> -> memref<1x256xf32, #tpu.memory_space<vmem>>
        tpu.enqueue_dma source(%dma_start3A_246 : memref<1x256xf32, #tpu.memory_space<vmem>>) target(%dma_start3A_243 : memref<1x256xf32, #tpu.memory_space<hbm>>) target_semaphore(%run_scoped3A : memref<!tpu.dma_semaphore, #tpu.memory_space<semaphore_mem>>)
        %dma_wait3A = arith.constant 0 : i32
        %dma_wait3A_247 = arith.constant 0 : i32
        %dma_wait3A_248 = tpu.memref_slice %arg10[%dma_wait3A, %dma_wait3A_247] : memref<128x256xf32, #tpu.memory_space<vmem>> -> memref<1x256xf32, #tpu.memory_space<vmem>>
        %dma_wait3A_249 = arith.constant 0 : i32
        %dma_wait3A_250 = tpu.memref_slice %arg6[%add3A_237, %dma_wait3A_249] : memref<32768x256xf32, #tpu.memory_space<hbm>> -> memref<1x256xf32, #tpu.memory_space<hbm>>
        %dma_wait3A_251 = arith.constant 0 : i32
        %dma_wait3A_252 = tpu.memref_slice %arg6[%add3A_237, %dma_wait3A_251] : memref<32768x256xf32, #tpu.memory_space<hbm>> -> memref<1x256xf32, #tpu.memory_space<hbm>>
        %dma_wait3A_253 = arith.constant 0 : i32
        %dma_wait3A_254 = arith.constant 0 : i32
        %dma_wait3A_255 = tpu.memref_slice %arg10[%dma_wait3A_253, %dma_wait3A_254] : memref<128x256xf32, #tpu.memory_space<vmem>> -> memref<1x256xf32, #tpu.memory_space<vmem>>
        tpu.wait_dma2 semaphore(%run_scoped3A : memref<!tpu.dma_semaphore, #tpu.memory_space<semaphore_mem>>) src(%dma_wait3A_255 : memref<1x256xf32, #tpu.memory_space<vmem>>) dst(%dma_wait3A_252 : memref<1x256xf32, #tpu.memory_space<hbm>>)
        tpu.yield
      }) : () -> ()
    } else {
    }
    %jit3A_198 = arith.constant 1 : i32
    %jit3A_199 = arith.constant 0 : i32
    %select_n3A_200 = arith.select %ne3A_194, %jit3A_198, %jit3A_199 : i32
    %add3A_201 = arith.addi %add3A_190, %select_n3A_200 : i32
    %sub3A_202 = arith.subi %sub3A_86, %min3A_122 : i32
    %jit3A_203 = arith.constant 128 : i32
    %div3A_204 = arith.divsi %sub3A_202, %jit3A_203 : i32
    %sign3A_205 = arith.constant 0 : i32
    %sign3A_206 = arith.cmpi sgt, %sub3A_202, %sign3A_205 : i32
    %sign3A_207 = arith.extui %sign3A_206 : i1 to i32
    %sign3A_208 = arith.constant 0 : i32
    %sign3A_209 = arith.cmpi slt, %sub3A_202, %sign3A_208 : i32
    %sign3A_210 = arith.extui %sign3A_209 : i1 to i32
    %sign3A_211 = arith.subi %sign3A_207, %sign3A_210 : i32
    %sign3A_212 = arith.constant 0 : i32
    %sign3A_213 = arith.cmpi sgt, %jit3A_203, %sign3A_212 : i32
    %sign3A_214 = arith.extui %sign3A_213 : i1 to i32
    %sign3A_215 = arith.constant 0 : i32
    %sign3A_216 = arith.cmpi slt, %jit3A_203, %sign3A_215 : i32
    %sign3A_217 = arith.extui %sign3A_216 : i1 to i32
    %sign3A_218 = arith.subi %sign3A_214, %sign3A_217 : i32
    %ne3A_219 = arith.cmpi ne, %sign3A_211, %sign3A_218 : i32
    %rem3A_220 = arith.remsi %sub3A_202, %jit3A_203 : i32
    %ne3A_221 = arith.constant 0 : i32
    %ne3A_222 = arith.cmpi ne, %rem3A_220, %ne3A_221 : i32
    %and3A_223 = arith.andi %ne3A_219, %ne3A_222 : i1
    %sub3A_224 = arith.constant 1 : i32
    %sub3A_225 = arith.subi %div3A_204, %sub3A_224 : i32
    %select_n3A_226 = arith.select %and3A_223, %sub3A_225, %div3A_204 : i32
    %while3A_227 = arith.constant 0 : i32
    %while3A_228 = arith.constant 0 : i32
    %while3A_229 = arith.subi %select_n3A_226, %while3A_228 : i32
    %while3A_230 = arith.addi %while3A_228, %while3A_229 : i32
    %while3A_231 = arith.constant 1 : i32
    %while3A_232 = arith.divsi %while3A_229, %while3A_231 : i32
    %while3A_233 = arith.muli %while3A_232, %while3A_231 : i32
    %while3A_234 = arith.addi %while3A_228, %while3A_233 : i32
    %while3A_235 = arith.constant 1 : i32
    scf.for %while3A_237 = %while3A_228 to %while3A_234 step %while3A_235  : i32 {
      %add3A_238 = arith.addi %add3A_87, %min3A_122 : i32
      %mul3A_239 = arith.constant 128 : i32
      %mul3A_240 = arith.muli %while3A_237, %mul3A_239 : i32
      %add3A_241 = arith.addi %add3A_238, %mul3A_240 : i32
      "tpu.region"() ({
        %run_scoped3A = tpu.sem_alloc : memref<!tpu.dma_semaphore, #tpu.memory_space<semaphore_mem>>
        %dma_start3A = arith.constant 0 : i32
        %dma_start3A_242 = tpu.memref_slice %arg6[%add3A_241, %dma_start3A] : memref<32768x256xf32, #tpu.memory_space<hbm>> -> memref<128x256xf32, #tpu.memory_space<hbm>>
        %dma_start3A_243 = arith.constant 0 : i32
        %dma_start3A_244 = tpu.memref_slice %arg6[%add3A_241, %dma_start3A_243] : memref<32768x256xf32, #tpu.memory_space<hbm>> -> memref<128x256xf32, #tpu.memory_space<hbm>>
        tpu.enqueue_dma source(%arg10 : memref<128x256xf32, #tpu.memory_space<vmem>>) target(%dma_start3A_244 : memref<128x256xf32, #tpu.memory_space<hbm>>) target_semaphore(%run_scoped3A : memref<!tpu.dma_semaphore, #tpu.memory_space<semaphore_mem>>)
        %dma_wait3A = arith.constant 0 : i32
        %dma_wait3A_245 = tpu.memref_slice %arg6[%add3A_241, %dma_wait3A] : memref<32768x256xf32, #tpu.memory_space<hbm>> -> memref<128x256xf32, #tpu.memory_space<hbm>>
        %dma_wait3A_246 = arith.constant 0 : i32
        %dma_wait3A_247 = tpu.memref_slice %arg6[%add3A_241, %dma_wait3A_246] : memref<32768x256xf32, #tpu.memory_space<hbm>> -> memref<128x256xf32, #tpu.memory_space<hbm>>
        tpu.wait_dma2 semaphore(%run_scoped3A : memref<!tpu.dma_semaphore, #tpu.memory_space<semaphore_mem>>) src(%arg10 : memref<128x256xf32, #tpu.memory_space<vmem>>) dst(%dma_wait3A_247 : memref<128x256xf32, #tpu.memory_space<hbm>>)
        tpu.yield
      }) : () -> ()
    }
    %while3A_236 = arith.constant 1 : i32
    scf.for %while3A_237 = %while3A_234 to %while3A_230 step %while3A_236  : i32 {
      %add3A_238 = arith.addi %add3A_87, %min3A_122 : i32
      %mul3A_239 = arith.constant 128 : i32
      %mul3A_240 = arith.muli %while3A_237, %mul3A_239 : i32
      %add3A_241 = arith.addi %add3A_238, %mul3A_240 : i32
      "tpu.region"() ({
        %run_scoped3A = tpu.sem_alloc : memref<!tpu.dma_semaphore, #tpu.memory_space<semaphore_mem>>
        %dma_start3A = arith.constant 0 : i32
        %dma_start3A_242 = tpu.memref_slice %arg6[%add3A_241, %dma_start3A] : memref<32768x256xf32, #tpu.memory_space<hbm>> -> memref<128x256xf32, #tpu.memory_space<hbm>>
        %dma_start3A_243 = arith.constant 0 : i32
        %dma_start3A_244 = tpu.memref_slice %arg6[%add3A_241, %dma_start3A_243] : memref<32768x256xf32, #tpu.memory_space<hbm>> -> memref<128x256xf32, #tpu.memory_space<hbm>>
        tpu.enqueue_dma source(%arg10 : memref<128x256xf32, #tpu.memory_space<vmem>>) target(%dma_start3A_244 : memref<128x256xf32, #tpu.memory_space<hbm>>) target_semaphore(%run_scoped3A : memref<!tpu.dma_semaphore, #tpu.memory_space<semaphore_mem>>)
        %dma_wait3A = arith.constant 0 : i32
        %dma_wait3A_245 = tpu.memref_slice %arg6[%add3A_241, %dma_wait3A] : memref<32768x256xf32, #tpu.memory_space<hbm>> -> memref<128x256xf32, #tpu.memory_space<hbm>>
        %dma_wait3A_246 = arith.constant 0 : i32
        %dma_wait3A_247 = tpu.memref_slice %arg6[%add3A_241, %dma_wait3A_246] : memref<32768x256xf32, #tpu.memory_space<hbm>> -> memref<128x256xf32, #tpu.memory_space<hbm>>
        tpu.wait_dma2 semaphore(%run_scoped3A : memref<!tpu.dma_semaphore, #tpu.memory_space<semaphore_mem>>) src(%arg10 : memref<128x256xf32, #tpu.memory_space<vmem>>) dst(%dma_wait3A_247 : memref<128x256xf32, #tpu.memory_space<hbm>>)
        tpu.yield
      }) : () -> ()
    }
    return
  }
}

module attributes {stable_mosaic.version = 14 : i64} {
  func.func @_tc_body(%arg0: i32, %arg1: memref<17xi32, #tpu.memory_space<smem>>, %arg2: memref<1x2048x2xf32, #tpu.memory_space<vmem>>, %arg3: memref<1x2048x256xf32, #tpu.memory_space<vmem>>, %arg4: memref<1x1x2048xf32, #tpu.memory_space<vmem>>) attributes {dimension_semantics = [#tpu.dimension_semantics<arbitrary>], iteration_bounds = array<i64: 16>, scalar_prefetch = 0 : i64, scratch_operands = 0 : i64, tpu.core_type = #tpu.core_type<tc>, window_params = [{transform_indices = @transform_0, window_bounds = array<i64: 17>}, {transform_indices = @transform_1, window_bounds = array<i64: 1, 2048, 2>}, {transform_indices = @transform_2, window_bounds = array<i64: 1, 2048, 256>}, {transform_indices = @transform_3, window_bounds = array<i64: 1, 1, 2048>}]} {
    %add3A = arith.constant 1 : i32
    %add3A_0 = arith.addi %arg0, %add3A : i32
    %get3A = arith.index_cast %add3A_0 : i32 to index
    %get3A_1 = memref.load %arg1[%get3A] : memref<17xi32, #tpu.memory_space<smem>>
    %get3A_2 = arith.index_cast %arg0 : i32 to index
    %get3A_3 = memref.load %arg1[%get3A_2] : memref<17xi32, #tpu.memory_space<smem>>
    %sub3A = arith.subi %get3A_1, %get3A_3 : i32
    %get3A_4 = arith.constant 0 : index
    %get3A_5 = arith.constant 0 : index
    %get3A_6 = arith.constant 0 : index
    %get3A_7 = vector.load %arg2[%get3A_4, %get3A_5, %get3A_6] : memref<1x2048x2xf32, #tpu.memory_space<vmem>>, vector<1x2048x2xf32>
    %get3A_8 = vector.shape_cast %get3A_7 : vector<1x2048x2xf32> to vector<2048x2xf32>
    %slice3A = vector.extract_strided_slice %get3A_8 {offsets = [0, 0], sizes = [2048, 1], strides = [1, 1]} : vector<2048x2xf32> to vector<2048x1xf32>
    %reduce_max3A = vector.shape_cast %slice3A : vector<2048x1xf32> to vector<1x2048x1xf32>
    %reduce_max3A_9 = arith.constant dense<0xFF800000> : vector<1xf32>
    %reduce_max3A_10 = vector.multi_reduction <maximumf>, %reduce_max3A, %reduce_max3A_9 [1, 2] : vector<1x2048x1xf32> to vector<1xf32>
    %reduce_max3A_11 = vector.shape_cast %reduce_max3A_10 : vector<1xf32> to vector<1x1x1xf32>
    %reduce_max3A_12 = vector.extract %reduce_max3A_11[0, 0, 0] : f32 from vector<1x1x1xf32>
    %slice3A_13 = vector.extract_strided_slice %get3A_8 {offsets = [0, 1], sizes = [2048, 1], strides = [1, 1]} : vector<2048x2xf32> to vector<2048x1xf32>
    %reduce_max3A_14 = vector.shape_cast %slice3A_13 : vector<2048x1xf32> to vector<1x2048x1xf32>
    %reduce_max3A_15 = arith.constant dense<0xFF800000> : vector<1xf32>
    %reduce_max3A_16 = vector.multi_reduction <maximumf>, %reduce_max3A_14, %reduce_max3A_15 [1, 2] : vector<1x2048x1xf32> to vector<1xf32>
    %reduce_max3A_17 = vector.shape_cast %reduce_max3A_16 : vector<1xf32> to vector<1x1x1xf32>
    %reduce_max3A_18 = vector.extract %reduce_max3A_17[0, 0, 0] : f32 from vector<1x1x1xf32>
    %add3A_19 = arith.constant 9.99999997E-7 : f32
    %add3A_20 = arith.addf %reduce_max3A_12, %add3A_19 : f32
    %div3A = arith.constant 6.28318548 : f32
    %div3A_21 = arith.divf %div3A, %add3A_20 : f32
    %add3A_22 = arith.constant 9.99999997E-7 : f32
    %add3A_23 = arith.addf %reduce_max3A_18, %add3A_22 : f32
    %div3A_24 = arith.constant 6.28318548 : f32
    %div3A_25 = arith.divf %div3A_24, %add3A_23 : f32
    %iota3A = tpu.iota {dimensions = array<i32: 1>} : vector<1x128xi32>
    %shift_right_arithmetic3A = arith.constant 1 : i32
    %shift_right_arithmetic3A_26 = vector.broadcast %shift_right_arithmetic3A : i32 to vector<1x128xi32>
    %shift_right_arithmetic3A_27 = arith.shrsi %iota3A, %shift_right_arithmetic3A_26 : vector<1x128xi32>
    %convert_element_type3A = arith.sitofp %shift_right_arithmetic3A_27 : vector<1x128xi32> to vector<1x128xf32>
    %mul3A = arith.constant -0.14391157 : f32
    %mul3A_28 = vector.broadcast %mul3A : f32 to vector<1x128xf32>
    %mul3A_29 = arith.mulf %convert_element_type3A, %mul3A_28 : vector<1x128xf32>
    %exp3A = math.exp %mul3A_29 : vector<1x128xf32>
    %and3A = arith.constant 1 : i32
    %and3A_30 = vector.broadcast %and3A : i32 to vector<1x128xi32>
    %and3A_31 = arith.andi %iota3A, %and3A_30 : vector<1x128xi32>
    %convert_element_type3A_32 = arith.sitofp %and3A_31 : vector<1x128xi32> to vector<1x128xf32>
    %mul3A_33 = arith.constant 1.57079637 : f32
    %mul3A_34 = vector.broadcast %mul3A_33 : f32 to vector<1x128xf32>
    %mul3A_35 = arith.mulf %convert_element_type3A_32, %mul3A_34 : vector<1x128xf32>
    %slice3A_36 = vector.extract_strided_slice %get3A_8 {offsets = [0, 0], sizes = [1024, 2], strides = [1, 1]} : vector<2048x2xf32> to vector<1024x2xf32>
    %slice3A_37 = vector.extract_strided_slice %slice3A_36 {offsets = [0, 0], sizes = [1024, 1], strides = [1, 1]} : vector<1024x2xf32> to vector<1024x1xf32>
    %mul3A_38 = vector.broadcast %div3A_21 : f32 to vector<1024x1xf32>
    %mul3A_39 = arith.mulf %slice3A_37, %mul3A_38 : vector<1024x1xf32>
    %slice3A_40 = vector.extract_strided_slice %slice3A_36 {offsets = [0, 1], sizes = [1024, 1], strides = [1, 1]} : vector<1024x2xf32> to vector<1024x1xf32>
    %mul3A_41 = vector.broadcast %div3A_25 : f32 to vector<1024x1xf32>
    %mul3A_42 = arith.mulf %slice3A_40, %mul3A_41 : vector<1024x1xf32>
    %mul3A_43 = vector.broadcast %mul3A_42 : vector<1024x1xf32> to vector<1024x128xf32>
    %mul3A_44 = vector.broadcast %exp3A : vector<1x128xf32> to vector<1024x128xf32>
    %mul3A_45 = arith.mulf %mul3A_43, %mul3A_44 : vector<1024x128xf32>
    %add3A_46 = vector.broadcast %mul3A_35 : vector<1x128xf32> to vector<1024x128xf32>
    %add3A_47 = arith.addf %mul3A_45, %add3A_46 : vector<1024x128xf32>
    %sub3A_48 = arith.constant 3.14159274 : f32
    %sub3A_49 = vector.broadcast %sub3A_48 : f32 to vector<1024x128xf32>
    %sub3A_50 = arith.subf %add3A_47, %sub3A_49 : vector<1024x128xf32>
    %gt3A = arith.constant 3.14159274 : f32
    %gt3A_51 = vector.broadcast %gt3A : f32 to vector<1024x128xf32>
    %gt3A_52 = arith.cmpf ogt, %sub3A_50, %gt3A_51 : vector<1024x128xf32>
    %jit3A = arith.constant 6.28318548 : f32
    %jit3A_53 = arith.constant 0.000000e+00 : f32
    %broadcast_in_dim3A = vector.broadcast %jit3A : f32 to vector<1024x128xf32>
    %broadcast_in_dim3A_54 = vector.broadcast %jit3A_53 : f32 to vector<1024x128xf32>
    %select_n3A = arith.select %gt3A_52, %broadcast_in_dim3A, %broadcast_in_dim3A_54 : vector<1024x128xi1>, vector<1024x128xf32>
    %sub3A_55 = arith.subf %sub3A_50, %select_n3A : vector<1024x128xf32>
    %mul3A_56 = arith.mulf %sub3A_55, %sub3A_55 : vector<1024x128xf32>
    %mul3A_57 = arith.constant 2.17325692E-6 : f32
    %mul3A_58 = vector.broadcast %mul3A_57 : f32 to vector<1024x128xf32>
    %mul3A_59 = arith.mulf %mul3A_58, %mul3A_56 : vector<1024x128xf32>
    %add3A_60 = arith.constant -1.93162705E-4 : f32
    %add3A_61 = vector.broadcast %add3A_60 : f32 to vector<1024x128xf32>
    %add3A_62 = arith.addf %mul3A_59, %add3A_61 : vector<1024x128xf32>
    %mul3A_63 = arith.mulf %add3A_62, %mul3A_56 : vector<1024x128xf32>
    %add3A_64 = arith.constant 0.00831238832 : f32
    %add3A_65 = vector.broadcast %add3A_64 : f32 to vector<1024x128xf32>
    %add3A_66 = arith.addf %mul3A_63, %add3A_65 : vector<1024x128xf32>
    %mul3A_67 = arith.mulf %add3A_66, %mul3A_56 : vector<1024x128xf32>
    %add3A_68 = arith.constant -0.166632593 : f32
    %add3A_69 = vector.broadcast %add3A_68 : f32 to vector<1024x128xf32>
    %add3A_70 = arith.addf %mul3A_67, %add3A_69 : vector<1024x128xf32>
    %mul3A_71 = arith.mulf %add3A_70, %mul3A_56 : vector<1024x128xf32>
    %add3A_72 = arith.constant 0.999984622 : f32
    %add3A_73 = vector.broadcast %add3A_72 : f32 to vector<1024x128xf32>
    %add3A_74 = arith.addf %mul3A_71, %add3A_73 : vector<1024x128xf32>
    %mul3A_75 = arith.mulf %add3A_74, %sub3A_55 : vector<1024x128xf32>
    %neg3A = arith.constant 0.000000e+00 : f32
    %neg3A_76 = vector.broadcast %neg3A : f32 to vector<1024x128xf32>
    %neg3A_77 = arith.subf %neg3A_76, %mul3A_75 : vector<1024x128xf32>
    %swap3A = arith.constant 0 : index
    %swap3A_78 = arith.constant 0 : index
    %swap3A_79 = arith.constant 0 : index
    %swap3A_80 = vector.load %arg3[%swap3A, %swap3A_78, %swap3A_79] : memref<1x2048x256xf32, #tpu.memory_space<vmem>>, vector<1x1024x128xf32>
    %swap3A_81 = vector.shape_cast %swap3A_80 : vector<1x1024x128xf32> to vector<1024x128xf32>
    %swap3A_82 = vector.shape_cast %neg3A_77 : vector<1024x128xf32> to vector<1x1024x128xf32>
    tpu.vector_store %arg3[%swap3A, %swap3A_78, %swap3A_79], %swap3A_82 {strides = array<i32>} : memref<1x2048x256xf32, #tpu.memory_space<vmem>>, vector<1x1024x128xf32>,
    %mul3A_83 = vector.broadcast %mul3A_39 : vector<1024x1xf32> to vector<1024x128xf32>
    %mul3A_84 = vector.broadcast %exp3A : vector<1x128xf32> to vector<1024x128xf32>
    %mul3A_85 = arith.mulf %mul3A_83, %mul3A_84 : vector<1024x128xf32>
    %add3A_86 = vector.broadcast %mul3A_35 : vector<1x128xf32> to vector<1024x128xf32>
    %add3A_87 = arith.addf %mul3A_85, %add3A_86 : vector<1024x128xf32>
    %sub3A_88 = arith.constant 3.14159274 : f32
    %sub3A_89 = vector.broadcast %sub3A_88 : f32 to vector<1024x128xf32>
    %sub3A_90 = arith.subf %add3A_87, %sub3A_89 : vector<1024x128xf32>
    %gt3A_91 = arith.constant 3.14159274 : f32
    %gt3A_92 = vector.broadcast %gt3A_91 : f32 to vector<1024x128xf32>
    %gt3A_93 = arith.cmpf ogt, %sub3A_90, %gt3A_92 : vector<1024x128xf32>
    %jit3A_94 = arith.constant 6.28318548 : f32
    %jit3A_95 = arith.constant 0.000000e+00 : f32
    %broadcast_in_dim3A_96 = vector.broadcast %jit3A_94 : f32 to vector<1024x128xf32>
    %broadcast_in_dim3A_97 = vector.broadcast %jit3A_95 : f32 to vector<1024x128xf32>
    %select_n3A_98 = arith.select %gt3A_93, %broadcast_in_dim3A_96, %broadcast_in_dim3A_97 : vector<1024x128xi1>, vector<1024x128xf32>
    %sub3A_99 = arith.subf %sub3A_90, %select_n3A_98 : vector<1024x128xf32>
    %mul3A_100 = arith.mulf %sub3A_99, %sub3A_99 : vector<1024x128xf32>
    %mul3A_101 = arith.constant 2.17325692E-6 : f32
    %mul3A_102 = vector.broadcast %mul3A_101 : f32 to vector<1024x128xf32>
    %mul3A_103 = arith.mulf %mul3A_102, %mul3A_100 : vector<1024x128xf32>
    %add3A_104 = arith.constant -1.93162705E-4 : f32
    %add3A_105 = vector.broadcast %add3A_104 : f32 to vector<1024x128xf32>
    %add3A_106 = arith.addf %mul3A_103, %add3A_105 : vector<1024x128xf32>
    %mul3A_107 = arith.mulf %add3A_106, %mul3A_100 : vector<1024x128xf32>
    %add3A_108 = arith.constant 0.00831238832 : f32
    %add3A_109 = vector.broadcast %add3A_108 : f32 to vector<1024x128xf32>
    %add3A_110 = arith.addf %mul3A_107, %add3A_109 : vector<1024x128xf32>
    %mul3A_111 = arith.mulf %add3A_110, %mul3A_100 : vector<1024x128xf32>
    %add3A_112 = arith.constant -0.166632593 : f32
    %add3A_113 = vector.broadcast %add3A_112 : f32 to vector<1024x128xf32>
    %add3A_114 = arith.addf %mul3A_111, %add3A_113 : vector<1024x128xf32>
    %mul3A_115 = arith.mulf %add3A_114, %mul3A_100 : vector<1024x128xf32>
    %add3A_116 = arith.constant 0.999984622 : f32
    %add3A_117 = vector.broadcast %add3A_116 : f32 to vector<1024x128xf32>
    %add3A_118 = arith.addf %mul3A_115, %add3A_117 : vector<1024x128xf32>
    %mul3A_119 = arith.mulf %add3A_118, %sub3A_99 : vector<1024x128xf32>
    %neg3A_120 = arith.constant 0.000000e+00 : f32
    %neg3A_121 = vector.broadcast %neg3A_120 : f32 to vector<1024x128xf32>
    %neg3A_122 = arith.subf %neg3A_121, %mul3A_119 : vector<1024x128xf32>
    %swap3A_123 = arith.constant 0 : index
    %swap3A_124 = arith.constant 0 : index
    %swap3A_125 = arith.constant 128 : index
    %swap3A_126 = vector.load %arg3[%swap3A_123, %swap3A_124, %swap3A_125] : memref<1x2048x256xf32, #tpu.memory_space<vmem>>, vector<1x1024x128xf32>
    %swap3A_127 = vector.shape_cast %swap3A_126 : vector<1x1024x128xf32> to vector<1024x128xf32>
    %swap3A_128 = vector.shape_cast %neg3A_122 : vector<1024x128xf32> to vector<1x1024x128xf32>
    tpu.vector_store %arg3[%swap3A_123, %swap3A_124, %swap3A_125], %swap3A_128 {strides = array<i32>} : memref<1x2048x256xf32, #tpu.memory_space<vmem>>, vector<1x1024x128xf32>,
    %slice3A_129 = vector.extract_strided_slice %get3A_8 {offsets = [1024, 0], sizes = [1024, 2], strides = [1, 1]} : vector<2048x2xf32> to vector<1024x2xf32>
    %slice3A_130 = vector.extract_strided_slice %slice3A_129 {offsets = [0, 0], sizes = [1024, 1], strides = [1, 1]} : vector<1024x2xf32> to vector<1024x1xf32>
    %mul3A_131 = vector.broadcast %div3A_21 : f32 to vector<1024x1xf32>
    %mul3A_132 = arith.mulf %slice3A_130, %mul3A_131 : vector<1024x1xf32>
    %slice3A_133 = vector.extract_strided_slice %slice3A_129 {offsets = [0, 1], sizes = [1024, 1], strides = [1, 1]} : vector<1024x2xf32> to vector<1024x1xf32>
    %mul3A_134 = vector.broadcast %div3A_25 : f32 to vector<1024x1xf32>
    %mul3A_135 = arith.mulf %slice3A_133, %mul3A_134 : vector<1024x1xf32>
    %mul3A_136 = vector.broadcast %mul3A_135 : vector<1024x1xf32> to vector<1024x128xf32>
    %mul3A_137 = vector.broadcast %exp3A : vector<1x128xf32> to vector<1024x128xf32>
    %mul3A_138 = arith.mulf %mul3A_136, %mul3A_137 : vector<1024x128xf32>
    %add3A_139 = vector.broadcast %mul3A_35 : vector<1x128xf32> to vector<1024x128xf32>
    %add3A_140 = arith.addf %mul3A_138, %add3A_139 : vector<1024x128xf32>
    %sub3A_141 = arith.constant 3.14159274 : f32
    %sub3A_142 = vector.broadcast %sub3A_141 : f32 to vector<1024x128xf32>
    %sub3A_143 = arith.subf %add3A_140, %sub3A_142 : vector<1024x128xf32>
    %gt3A_144 = arith.constant 3.14159274 : f32
    %gt3A_145 = vector.broadcast %gt3A_144 : f32 to vector<1024x128xf32>
    %gt3A_146 = arith.cmpf ogt, %sub3A_143, %gt3A_145 : vector<1024x128xf32>
    %jit3A_147 = arith.constant 6.28318548 : f32
    %jit3A_148 = arith.constant 0.000000e+00 : f32
    %broadcast_in_dim3A_149 = vector.broadcast %jit3A_147 : f32 to vector<1024x128xf32>
    %broadcast_in_dim3A_150 = vector.broadcast %jit3A_148 : f32 to vector<1024x128xf32>
    %select_n3A_151 = arith.select %gt3A_146, %broadcast_in_dim3A_149, %broadcast_in_dim3A_150 : vector<1024x128xi1>, vector<1024x128xf32>
    %sub3A_152 = arith.subf %sub3A_143, %select_n3A_151 : vector<1024x128xf32>
    %mul3A_153 = arith.mulf %sub3A_152, %sub3A_152 : vector<1024x128xf32>
    %mul3A_154 = arith.constant 2.17325692E-6 : f32
    %mul3A_155 = vector.broadcast %mul3A_154 : f32 to vector<1024x128xf32>
    %mul3A_156 = arith.mulf %mul3A_155, %mul3A_153 : vector<1024x128xf32>
    %add3A_157 = arith.constant -1.93162705E-4 : f32
    %add3A_158 = vector.broadcast %add3A_157 : f32 to vector<1024x128xf32>
    %add3A_159 = arith.addf %mul3A_156, %add3A_158 : vector<1024x128xf32>
    %mul3A_160 = arith.mulf %add3A_159, %mul3A_153 : vector<1024x128xf32>
    %add3A_161 = arith.constant 0.00831238832 : f32
    %add3A_162 = vector.broadcast %add3A_161 : f32 to vector<1024x128xf32>
    %add3A_163 = arith.addf %mul3A_160, %add3A_162 : vector<1024x128xf32>
    %mul3A_164 = arith.mulf %add3A_163, %mul3A_153 : vector<1024x128xf32>
    %add3A_165 = arith.constant -0.166632593 : f32
    %add3A_166 = vector.broadcast %add3A_165 : f32 to vector<1024x128xf32>
    %add3A_167 = arith.addf %mul3A_164, %add3A_166 : vector<1024x128xf32>
    %mul3A_168 = arith.mulf %add3A_167, %mul3A_153 : vector<1024x128xf32>
    %add3A_169 = arith.constant 0.999984622 : f32
    %add3A_170 = vector.broadcast %add3A_169 : f32 to vector<1024x128xf32>
    %add3A_171 = arith.addf %mul3A_168, %add3A_170 : vector<1024x128xf32>
    %mul3A_172 = arith.mulf %add3A_171, %sub3A_152 : vector<1024x128xf32>
    %neg3A_173 = arith.constant 0.000000e+00 : f32
    %neg3A_174 = vector.broadcast %neg3A_173 : f32 to vector<1024x128xf32>
    %neg3A_175 = arith.subf %neg3A_174, %mul3A_172 : vector<1024x128xf32>
    %swap3A_176 = arith.constant 0 : index
    %swap3A_177 = arith.constant 1024 : index
    %swap3A_178 = arith.constant 0 : index
    %swap3A_179 = vector.load %arg3[%swap3A_176, %swap3A_177, %swap3A_178] : memref<1x2048x256xf32, #tpu.memory_space<vmem>>, vector<1x1024x128xf32>
    %swap3A_180 = vector.shape_cast %swap3A_179 : vector<1x1024x128xf32> to vector<1024x128xf32>
    %swap3A_181 = vector.shape_cast %neg3A_175 : vector<1024x128xf32> to vector<1x1024x128xf32>
    tpu.vector_store %arg3[%swap3A_176, %swap3A_177, %swap3A_178], %swap3A_181 {strides = array<i32>} : memref<1x2048x256xf32, #tpu.memory_space<vmem>>, vector<1x1024x128xf32>,
    %mul3A_182 = vector.broadcast %mul3A_132 : vector<1024x1xf32> to vector<1024x128xf32>
    %mul3A_183 = vector.broadcast %exp3A : vector<1x128xf32> to vector<1024x128xf32>
    %mul3A_184 = arith.mulf %mul3A_182, %mul3A_183 : vector<1024x128xf32>
    %add3A_185 = vector.broadcast %mul3A_35 : vector<1x128xf32> to vector<1024x128xf32>
    %add3A_186 = arith.addf %mul3A_184, %add3A_185 : vector<1024x128xf32>
    %sub3A_187 = arith.constant 3.14159274 : f32
    %sub3A_188 = vector.broadcast %sub3A_187 : f32 to vector<1024x128xf32>
    %sub3A_189 = arith.subf %add3A_186, %sub3A_188 : vector<1024x128xf32>
    %gt3A_190 = arith.constant 3.14159274 : f32
    %gt3A_191 = vector.broadcast %gt3A_190 : f32 to vector<1024x128xf32>
    %gt3A_192 = arith.cmpf ogt, %sub3A_189, %gt3A_191 : vector<1024x128xf32>
    %jit3A_193 = arith.constant 6.28318548 : f32
    %jit3A_194 = arith.constant 0.000000e+00 : f32
    %broadcast_in_dim3A_195 = vector.broadcast %jit3A_193 : f32 to vector<1024x128xf32>
    %broadcast_in_dim3A_196 = vector.broadcast %jit3A_194 : f32 to vector<1024x128xf32>
    %select_n3A_197 = arith.select %gt3A_192, %broadcast_in_dim3A_195, %broadcast_in_dim3A_196 : vector<1024x128xi1>, vector<1024x128xf32>
    %sub3A_198 = arith.subf %sub3A_189, %select_n3A_197 : vector<1024x128xf32>
    %mul3A_199 = arith.mulf %sub3A_198, %sub3A_198 : vector<1024x128xf32>
    %mul3A_200 = arith.constant 2.17325692E-6 : f32
    %mul3A_201 = vector.broadcast %mul3A_200 : f32 to vector<1024x128xf32>
    %mul3A_202 = arith.mulf %mul3A_201, %mul3A_199 : vector<1024x128xf32>
    %add3A_203 = arith.constant -1.93162705E-4 : f32
    %add3A_204 = vector.broadcast %add3A_203 : f32 to vector<1024x128xf32>
    %add3A_205 = arith.addf %mul3A_202, %add3A_204 : vector<1024x128xf32>
    %mul3A_206 = arith.mulf %add3A_205, %mul3A_199 : vector<1024x128xf32>
    %add3A_207 = arith.constant 0.00831238832 : f32
    %add3A_208 = vector.broadcast %add3A_207 : f32 to vector<1024x128xf32>
    %add3A_209 = arith.addf %mul3A_206, %add3A_208 : vector<1024x128xf32>
    %mul3A_210 = arith.mulf %add3A_209, %mul3A_199 : vector<1024x128xf32>
    %add3A_211 = arith.constant -0.166632593 : f32
    %add3A_212 = vector.broadcast %add3A_211 : f32 to vector<1024x128xf32>
    %add3A_213 = arith.addf %mul3A_210, %add3A_212 : vector<1024x128xf32>
    %mul3A_214 = arith.mulf %add3A_213, %mul3A_199 : vector<1024x128xf32>
    %add3A_215 = arith.constant 0.999984622 : f32
    %add3A_216 = vector.broadcast %add3A_215 : f32 to vector<1024x128xf32>
    %add3A_217 = arith.addf %mul3A_214, %add3A_216 : vector<1024x128xf32>
    %mul3A_218 = arith.mulf %add3A_217, %sub3A_198 : vector<1024x128xf32>
    %neg3A_219 = arith.constant 0.000000e+00 : f32
    %neg3A_220 = vector.broadcast %neg3A_219 : f32 to vector<1024x128xf32>
    %neg3A_221 = arith.subf %neg3A_220, %mul3A_218 : vector<1024x128xf32>
    %swap3A_222 = arith.constant 0 : index
    %swap3A_223 = arith.constant 1024 : index
    %swap3A_224 = arith.constant 128 : index
    %swap3A_225 = vector.load %arg3[%swap3A_222, %swap3A_223, %swap3A_224] : memref<1x2048x256xf32, #tpu.memory_space<vmem>>, vector<1x1024x128xf32>
    %swap3A_226 = vector.shape_cast %swap3A_225 : vector<1x1024x128xf32> to vector<1024x128xf32>
    %swap3A_227 = vector.shape_cast %neg3A_221 : vector<1024x128xf32> to vector<1x1024x128xf32>
    tpu.vector_store %arg3[%swap3A_222, %swap3A_223, %swap3A_224], %swap3A_227 {strides = array<i32>} : memref<1x2048x256xf32, #tpu.memory_space<vmem>>, vector<1x1024x128xf32>,
    %iota3A_228 = tpu.iota {dimensions = array<i32: 2>} : vector<1x1x2048xi32>
    %le3A = arith.constant 2048 : i32
    %le3A_229 = arith.cmpi sle, %sub3A, %le3A : i32
    %add3A_230 = arith.constant 1 : i32
    %add3A_231 = arith.addi %sub3A, %add3A_230 : i32
    %ge3A = vector.broadcast %add3A_231 : i32 to vector<1x1x2048xi32>
    %ge3A_232 = arith.cmpi sge, %iota3A_228, %ge3A : vector<1x1x2048xi32>
    %and3A_233 = vector.broadcast %le3A_229 : i1 to vector<1x1x2048xi1>
    %and3A_234 = arith.andi %and3A_233, %ge3A_232 : vector<1x1x2048xi1>
    %jit3A_235 = arith.constant 1.000000e+00 : f32
    %jit3A_236 = arith.constant 0.000000e+00 : f32
    %broadcast_in_dim3A_237 = vector.broadcast %jit3A_235 : f32 to vector<1x1x2048xf32>
    %broadcast_in_dim3A_238 = vector.broadcast %jit3A_236 : f32 to vector<1x1x2048xf32>
    %select_n3A_239 = arith.select %and3A_234, %broadcast_in_dim3A_237, %broadcast_in_dim3A_238 : vector<1x1x2048xi1>, vector<1x1x2048xf32>
    %swap3A_240 = arith.constant 0 : index
    %swap3A_241 = arith.constant 0 : index
    %swap3A_242 = arith.constant 0 : index
    %swap3A_243 = vector.load %arg4[%swap3A_240, %swap3A_241, %swap3A_242] : memref<1x1x2048xf32, #tpu.memory_space<vmem>>, vector<1x1x2048xf32>
    tpu.vector_store %arg4[%swap3A_240, %swap3A_241, %swap3A_242], %select_n3A_239 {strides = array<i32>} : memref<1x1x2048xf32, #tpu.memory_space<vmem>>, vector<1x1x2048xf32>,
    return
  }
  func.func @transform_0(%arg0: i32) -> i32 {
    %c0_i32 = arith.constant 0 : i32
    %c0_i32_0 = arith.constant 0 : i32
    return %c0_i32 : i32
  }
  func.func @transform_1(%arg0: i32) -> (i32, i32, i32) {
    %c0_i32 = arith.constant 0 : i32
    %c0_i32_0 = arith.constant 0 : i32
    %c0_i32_1 = arith.constant 0 : i32
    return %arg0, %c0_i32, %c0_i32_0 : i32, i32, i32
  }
  func.func @transform_2(%arg0: i32) -> (i32, i32, i32) {
    %c0_i32 = arith.constant 0 : i32
    %c0_i32_0 = arith.constant 0 : i32
    %c0_i32_1 = arith.constant 0 : i32
    return %arg0, %c0_i32, %c0_i32_0 : i32, i32, i32
  }
  func.func @transform_3(%arg0: i32) -> (i32, i32, i32) {
    %c0_i32 = arith.constant 0 : i32
    %c0_i32_0 = arith.constant 0 : i32
    %c0_i32_1 = arith.constant 0 : i32
    return %arg0, %c0_i32, %c0_i32_0 : i32, i32, i32
  }
}

</mosaic_0001>

<sc_bundles>
// kernel: kernel.5.cloned.1.call-start
scs
__scs_entry_jumppad:
0x0: {  	(pc) =	sbr.rel $0x88, $3  }
0x1: {  	(tag) =	ssettag $0x0;
	lr =	simm.s32 $0x1  }
0x2: {  	[smem:$0x3F9E] =	sst lr;
	_ =	strace $0xD0000000  }
0x3: {  	_ = 	snop  }
0x4: {  	_ = 	snop  }
0x5: {  	_ = 	snop  }
0x6: {  	_ = 	snop  }
0x7: {  	_ = 	snop  }
__scs_overlays_trampoline_lowered:
0x8: {  	[smem:$0x3FAD] =	sst s0  }
0x9: {  	[smem:$0x3FAE] =	sst s1  }
0xa: {  	[smem:$0x3FAF] =	sst s2  }
0xb: {  	[smem:$0x3FB0] =	sst s3  }
0xc: {  	[smem:$0x3FB1] =	sst s4  }
0xd: {  	[smem:$0x3FB2] =	sst s5  }
0xe: {  	[smem:$0x3FB3] =	sst s6  }
0xf: {  	[smem:$0x3FB4] =	sst s7  }
0x10: {  	[smem:$0x3FB5] =	sst s8  }
0x11: {  	[smem:$0x3FB6] =	sst s9;
	s0 =	simm.s32 @!p0 $0x0  }
0x12: {  	s1 =	sld [smem:$0x3F9C];
	s0 =	simm.s32 @p0 $0x1  }
0x13: {  	[smem:$0x3FB7] =	sst s0;
	s0 =	simm.s32 @!p1 $0x0  }
0x14: {  	s2 =	sld [smem:$0x3F9B];
	s0 =	simm.s32 @p1 $0x1  }
0x15: {  	[smem:$0x3FB8] =	sst s0;
	s0 =	simm.s32 @!p2 $0x0  }
0x16: {  	s3 =	sld [smem:$0x3FDB];
	s0 =	simm.s32 @p2 $0x1  }
0x17: {  	s4 =	simm.s32 $0x1BF5;
	[smem:$0x3FBA] =	sst s0  }
0x18: {  	s0 =	sld [smem:$0x3F9D];
	_ =	swait.ge [sflag:s4], $0x0  }
0x19: {  	s7 =	sld [smem:$0x3F9E]  }
0x1a: {  	s8 =	sadd.s32 $0xFFFFE003, lr  }
0x1b: {  	s9 =	sadd.s32 $0xFFFFFEF7, lr;
	s5 =	simm.s32 $0xFFFFFFFF;
	p2 =	slt.u32 s8, $0xFFFFF086  }
0x1c: {  	p1 =	slt.u32 s9, $0xF7A;
	s5 =	simm.s32 @!p2 $0x0  }
0x1d: {  	s5 =	simm.s32 @p1 $0x1;
	p0 =	seq.s32 s7, s2  }
0x1e: {  	s7 =	smul.u32 @!p0 $0xF7A, s2;
	p2 =	seq.s32 @!p0 s5, $0x0  }
0x1f: {  	s9 =	smul.u32 $0xF7A, s1;
	s8 =	simm.s32 @!p0 $0x1BF5;
	p2 =	por !p2, p0  }
0x20: {  	[sflag:s8] =	ssyncset.s32 @!p0 $0xFFFFF086;
	s6 =	sadd.s32 @!p0 s3, s7;
	s7 =	simm.s32 @!p0 $0x108  }
0x21: {  	s3 =	sadd.s32 s3, s9;
	s6 =	sadd.s32 @!p0 $0x88, s6;
	s7 =	simm.s32 @p2 $0x1082  }
0x22: {  	[simem:s7], [sflag:s8] =	dma.local @!p0 [hbm:s6], $0xF7A  }
0x23: {  	s9 =	sor.u32 $0xD0000000, s2;
	s6 =	simm.s32 $0x108;
	_ =	swait.ge @!p0 [sflag:s8], $0x0  }
0x24: {  	s3 =	sadd.s32 $0x88, s3;
	s6 =	simm.s32 @!p1 $0x1082;
	[sflag:s4] =	ssyncset.s32 $0xFFFFF086  }
0x25: {  	[simem:s6], [sflag:s4] =	dma.local [hbm:s3], $0xF7A  }
0x26: {  	[smem:$0x3F9E] =	sst s1;
	(tag) =	ssettag s2;
	_ =	strace s9  }
0x27: {  	s1 =	sld [smem:$0x3FAE]  }
0x28: {  	s2 =	sld [smem:$0x3FAF]  }
0x29: {  	s4 =	sld [smem:$0x3FB1]  }
0x2a: {  	p0 =	seq.s32 s5, $0x0;
	s5 =	sld [smem:$0x3FB2]  }
0x2b: {  	s6 =	sld [smem:$0x3FB3]  }
0x2c: {  	s7 =	sld [smem:$0x3FB4]  }
0x2d: {  	s3 =	simm.s32 $0x108;
	s8 =	sld [smem:$0x3FB5]  }
0x2e: {  	s3 =	simm.s32 @!p0 $0x1082;
	s9 =	sld [smem:$0x3FB6]  }
0x2f: {  	lr =	sadd.s32 s0, s3;
	s0 =	sld [smem:$0x3FAD]  }
0x30: {  	s3 =	sld [smem:$0x3FB0]  }
0x31: {  	[smem:$0x3FB9] =	sst s10  }
0x32: {  	s10 =	sld [smem:$0x3FB7];
	_ =	sdelay $0x3  }
0x33: {  	p0 =	seq.s32 s10, $0x1;
	s10 =	sld [smem:$0x3FB9];
	_ =	sdelay $0x3  }
0x34: {  	[smem:$0x3FB9] =	sst s10  }
0x35: {  	s10 =	sld [smem:$0x3FB8];
	_ =	sdelay $0x3  }
0x36: {  	p1 =	seq.s32 s10, $0x1;
	s10 =	sld [smem:$0x3FB9];
	_ =	sdelay $0x3  }
0x37: {  	[smem:$0x3FB9] =	sst s10  }
0x38: {  	s10 =	sld [smem:$0x3FBA]  }
0x39: {  	_ = 	snop;
	(pc) =	sbr.ind lr, $3  }
0x3a: {  	_ = 	snop  }
0x3b: {  	_ = 	snop  }
0x3c: {  	p2 =	seq.s32 s10, $0x1;
	s10 =	sld [smem:$0x3FB9]  }
0x3d: {  	_ =	shalt  }
0x3e: {  	_ =	shalt  }
0x3f: {  	_ =	shalt  }
0x40: {  	_ =	shalt  }
0x41: {  	_ =	shalt  }
0x42: {  	_ =	shalt  }
0x43: {  	_ =	shalt  }
0x44: {  	_ =	shalt  }
0x45: {  	_ =	shalt  }
0x46: {  	_ =	shalt  }
0x47: {  	_ =	shalt  }
0x48: {  	_ =	shalt  }
0x49: {  	_ =	shalt  }
0x4a: {  	_ =	shalt  }
0x4b: {  	_ =	shalt  }
0x4c: {  	_ =	shalt  }
0x4d: {  	_ =	shalt  }
0x4e: {  	_ =	shalt  }
0x4f: {  	_ =	shalt  }
0x50: {  	_ =	shalt  }
0x51: {  	_ =	shalt  }
0x52: {  	_ =	shalt  }
0x53: {  	_ =	shalt  }
0x54: {  	_ =	shalt  }
0x55: {  	_ =	shalt  }
0x56: {  	_ =	shalt  }
0x57: {  	_ =	shalt  }
0x58: {  	_ =	shalt  }
0x59: {  	_ =	shalt  }
0x5a: {  	_ =	shalt  }
0x5b: {  	_ =	shalt  }
0x5c: {  	_ =	shalt  }
0x5d: {  	_ =	shalt  }
0x5e: {  	_ =	shalt  }
0x5f: {  	_ =	shalt  }
0x60: {  	_ =	shalt  }
0x61: {  	_ =	shalt  }
0x62: {  	_ =	shalt  }
0x63: {  	_ =	shalt  }
0x64: {  	_ =	shalt  }
0x65: {  	_ =	shalt  }
0x66: {  	_ =	shalt  }
0x67: {  	_ =	shalt  }
0x68: {  	_ =	shalt  }
0x69: {  	_ =	shalt  }
0x6a: {  	_ =	shalt  }
0x6b: {  	_ =	shalt  }
0x6c: {  	_ =	shalt  }
0x6d: {  	_ =	shalt  }
0x6e: {  	_ =	shalt  }
0x6f: {  	_ =	shalt  }
0x70: {  	_ =	shalt  }
0x71: {  	_ =	shalt  }
0x72: {  	_ =	shalt  }
0x73: {  	_ =	shalt  }
0x74: {  	_ =	shalt  }
0x75: {  	_ =	shalt  }
0x76: {  	_ =	shalt  }
0x77: {  	_ =	shalt  }
0x78: {  	_ =	shalt  }
0x79: {  	_ =	shalt  }
0x7a: {  	_ =	shalt  }
0x7b: {  	_ =	shalt  }
0x7c: {  	_ =	shalt  }
0x7d: {  	_ =	shalt  }
0x7e: {  	_ =	shalt  }
0x7f: {  	_ =	shalt  }
0x80: {  	_ =	shalt  }
0x81: {  	_ =	shalt  }
0x82: {  	_ =	shalt  }
0x83: {  	_ =	shalt  }
0x84: {  	_ =	shalt  }
0x85: {  	_ =	shalt  }
0x86: {  	_ =	shalt  }
0x87: {  	_ =	shalt  }
.Lfunc_end0:
.L_simem_size_0:
called_computation_lowered:
.L_overlay_start_0:
0x88: {  	s2 =	sld [smem:$0x3FD9]  }
0x89: {  	s3 =	sld [smem:$0x3FFE];
	_ =	sdelay $0x1  }
0x8a: {  	s1 =	srdreg.scid  }
0x8b: {  	s0 =	sand.u32 $0x1, s1  }
0x8c: {  	s17 =	sshll.u32 s0, $0xA;
	s2 =	sadd.s32 s3, s2  }
0x8d: {  	s2 =	sadd.s32 s2, s17  }
0x8e: {  	[smem:$0x3FC5] =	sst s2  }
0x8f: {  	_ = 	snop  }
0x90: {  	(tm) =	ssettm $0x1  }
0x91: {  	s18 =	sld [smem:$0x3FFB];
	_ =	sdelay $0x3  }
0x92: {  	_ =	strace s18  }
0x93: {  	s2 =	sld [smem:$0x3FFC];
	_ =	sdelay $0x3  }
0x94: {  	_ =	strace s2  }
0x95: {  	s2 =	sld [smem:$0x3FFD];
	_ =	sdelay $0x3  }
0x96: {  	_ =	strace s2  }
0x97: {  	_ =	strace $0x8FFFFFFF  }
0x98: {  	s19 =	sld [smem:$0x3FDB];
	_ =	sdelay $0x1  }
0x99: {  	s20 =	simm.s32 $_scs_section_size  }
0x9a: {  	s4 =	simm.s32 $_size__tile_overlayer_lowered;
	s5 =	simm.s32 $_tile_overlayer_lowered  }
0x9b: {  	s6 =	simm.s32 $0x1BFF;
	s21 =	sshll.u32 s5, $0x1;
	s3 =	sadd.s32 s20, s19  }
0x9c: {  	s22 =	simm.s32 $0x0;
	s4 =	sshll.u32 s4, $0x1;
	s5 =	sadd.s32 s21, s3  }
0x9d: {  	[timem:s22], [sflag:s6] =	dma.local [hbm:s5], s4  }
0x9e: {  	_ =	swait.ge [sflag:s6], s4  }
0x9f: {  	s4 =	ssub.s32 $0x0, s4;
	[sflag:s6] =	ssyncset.done $0x0  }
0xa0: {  	[sflag:s6] =	ssyncadd.s32 s4;
	_ =	sdelay $0x1  }
0xa1: {  	s23 =	simm.s32 $0x1B8B  }
0xa2: {  	_ =	swait.ge [sflag:s23], $0x1  }
0xa3: {  	[sflag:s23] =	ssyncset.done $0x0  }
0xa4: {  	[sflag:s23] =	ssyncadd.s32 $0xFFFFFFFF  }
0xa5: {  	s4 =	sld [smem:$0x0]  }
0xa6: {  	s5 =	sand.u32 $0xFFFFFFFE, s1  }
0xa7: {  	p0 =	sne.s32 s1, s5  }
0xa8: {  	s5 =	sshll.u32 @p0 s5, $0xE  }
0xa9: {  	s5 =	sadd.s32 @p0 $0x11B8D, s5;
	s6 =	sshll.u32 @p0 s4, $0x11  }
0xaa: {  	s5 =	sor.u32 @p0 s6, s5  }
0xab: {  	[sflag:s5] =	ssyncadd.remote.s32 @p0 $0x1;
	_ =	sdelay $0x1  }
0xac: {  	s5 =	simm.s32 @p0 $0x1B8D  }
0xad: {  	_ =	swait.eq @p0 [sflag:s5], $0x1  }
0xae: {  	[sflag:s5] =	ssyncadd.s32 @p0 $0xFFFFFFFF  }
0xaf: {  	s6 =	sshll.u32 @!p0 s1, $0xE  }
0xb0: {  	s6 =	sor.u32 @!p0 $0x4000, s6;
	s5 =	simm.s32 @!p0 $0x1B8D  }
0xb1: {  	s4 =	sshll.u32 @!p0 s4, $0x11;
	s6 =	sadd.s32 @!p0 $0x11B8D, s6;
	_ =	swait.eq @!p0 [sflag:s5], $0x1  }
0xb2: {  	s4 =	sor.u32 @!p0 s4, s6;
	[sflag:s5] =	ssyncadd.s32 @!p0 $0xFFFFFFFF  }
0xb3: {  	s25 =	simm.s32 $0x1B8E;
	s24 =	sld [smem:$0x3FFE];
	[sflag:s4] =	ssyncadd.remote.s32 @!p0 $0x1  }
0xb4: {  	s26 =	simm.s32 $execute0_lowered;
	[smem:$0x3FD2] =	sst s25  }
0xb5: {  	s5 =	sshll.u32 s26, $0x1;
	_ =	strace $0x80000049;
	[dreg:$0x1] =	wrdreg $0xFFFFFFFF  }
0xb6: {  	s28 =	simm.s32 $_size_execute0_lowered;
	s3 =	sadd.s32 s3, s5;
	[dreg:$0x0] =	wrdreg $0x0  }
0xb7: {  	s5 =	sshll.u32 s28, $0x1;
	[dreg:$0x2] =	wrdreg s3  }
0xb8: {  	[dreg:$0x3] =	wrdreg s5  }
0xb9: {  	[dreg:$0x4] =	wrdreg $0xC0  }
0xba: {  	_ =	task [dreg:s22], $0x5FFFF  }
0xbb: {  	[dreg:$0x1] =	wrdreg $0xFFFFFFFF  }
0xbc: {  	[dreg:$0x0] =	wrdreg $0x60  }
0xbd: {  	[dreg:$0x2] =	wrdreg s24  }
0xbe: {  	[dreg:$0x3] =	wrdreg $0x9  }
0xbf: {  	_ =	task.clear_ibuf [dreg:s22], $0x4FFFF;
	_ =	strace $0x90000049  }
0xc0: {  	s29 =	simm.s32 $0x9;
	_ =	strace $0x8000004B  }
0xc1: {  	_ =	swait.ge [sflag:s29], $0x1  }
0xc2: {  	[sflag:s29] =	ssyncadd.s32 $0xFFFFFFFF  }
0xc3: {  	_ =	strace $0x9000004B  }
0xc4: {  	_ =	sfence  }
0xc5: {  	s30 =	sld [smem:$0x0];
	_ =	sdelay $0x2  }
0xc6: {  	s31 =	sshll.u32 s1, $0xD;
	s1 =	sshrl.u32 s1, $0x2  }
0xc7: {  	s4 =	sand.u32 $0x4000, s31;
	s1 =	sadd.s32 s1, s30  }
0xc8: {  	s0 =	sor.u32 s4, s0;
	s1 =	sshll.u32 s1, $0x11  }
0xc9: {  	s0 =	sor.u32 s1, s0  }
0xca: {  	s0 =	sadd.s32 $0x8F2B, s0  }
0xcb: {  	[sflag:s0] =	ssyncadd.remote.s32 $0x1  }
0xcc: {  	_ =	sfence.sel $0xFFFF  }
0xcd: {  	[dreg:$0x0] =	wrdreg $0xFFFFFFFF;
	(pc) =	sbr.abs _section_cstart, $3  }
0xce: {  	[dreg:$0x1] =	wrdreg $0xFFFFFFFF  }
0xcf: {  	_ =	task.clear_ibuf [dreg:s22], $0x2FFFF;
	_ =	strace $0x9FFFFFFF  }
0xd0: {  	(tm) =	ssettm $0x7FFFFFFF  }
0xd1: {  	_ =	shalt  }
tec
execute0_lowered:
.L_overlay_start_1:
0x0: {  	(tag) =	ssettag $0x1  }
0x1: {  	s4 =	rddreg [dreg:$0x0]  }
0x2: {  	s2 =	simm.s32 $0x0;
	s1 =	srdreg.scid;
	s0 =	stileid.u32  }
0x3: {  	[smem:$0x7FF] =	sst s2;
	s5 =	sand.u32 $0x1, s1;
	s3 =	sadd.s32 $0x1200, s4  }
0x4: {  	s20 =	sadd.s32 $0x1000, s4;
	_ =	strace $0x8000004A;
	[dreg:$0x2] =	wrdreg s3  }
0x5: {  	s22 =	simm.s32 $0x10;
	s1 =	sshll.u32 s5, $0xA;
	[dreg:$0x4] =	wrdreg s20  }
0x6: {  	s8 =	sshll.u32 s0, $0xB;
	[dreg:$0x3] =	wrdreg s22;
	s7 =	sadd.s32 s1, s4  }
0x7: {  	s24 =	simm.s32 $0x20;
	s23 =	rddreg [dreg:$0x2];
	s7 =	sadd.s32 s8, s7  }
0x8: {  	[tilespmem:s2], [sflag:$0x2] =	stream.linear.gather [hbm4b:s23+s2], $0x10, $0x38;
	[tilespmem:$0x2020] =	vst v63  }
0x9: {  	[dreg:$0x6] =	wrdreg s24;
	s21 =	sadd.s32 $0x5800, s7  }
0xa: {  	s3 =	simm.s32 $0x2;
	[dreg:$0x5] =	wrdreg s21  }
0xb: {  	_ =	swait.ge [sflag:s3], $0x10  }
0xc: {  	s25 =	rddreg [dreg:$0x3];
	[sflag:s3] =	ssyncset.done $0x0  }
0xd: {  	s26 =	rddreg [dreg:$0x4];
	[sflag:s3] =	ssyncadd.s32 $0xFFFFFFF0  }
0xe: {  	[tilespmem:s25], [sflag:$0x2] =	stream.linear.gather [hbm4b:s26+s2], $0x10, $0x38;
	[tilespmem:$0x2020] =	vst v63  }
0xf: {  	_ =	swait.ge [sflag:s3], $0x10  }
0x10: {  	[sflag:s3] =	ssyncset.done $0x0  }
0x11: {  	[sflag:s3] =	ssyncadd.s32 $0xFFFFFFF0  }
0x12: {  	v0 =	vld [tilespmem:$0x0]  }
0x13: {  	v1 =	vld [tilespmem:$0x10];
	_ =	sdelay $0x2  }
0x14: {  	v3 =	vlaneseq.u32;
	v2 =	vmov s0  }
0x15: {  	vm0 =	veq.s32 v2, v3;
	v0 =	vxor.u32 $0x80000000, v0  }
0x16: {  	v1 =	vxor.u32 $0x80000000, v1;
	v0 =	vnsel vm0, $0x0, v0  }
0x17: {  	v1 =	vnsel vm0, $0x0, v1;
	(xrf0) =	vmax.scan.msk.u32 $0xffff, v0  }
0x18: {  	(xrf0) =	vmax.scan.msk.u32 $0xffff, v1;
	_ =	sdelay $0x4  }
0x19: {  	v0, _, _ =	vpop (xrf0)  }
0x1a: {  	(v2sf) =	vpush v0, $0xF;
	v63, _, _ =	vpop (xrf0)  }
0x1b: {  	(v2sf) =	vpush v63, $0xF;
	_ =	sdelay $0xd  }
0x1c: {  	s5 =	ssub.s32 $0x2, s5;
	s28 =	spop (v2sf)  }
0x1d: {  	s31 =	sshrl.u32 s5, $0x1;
	s29 =	spop (v2sf)  }
0x1e: {  	s8 =	ssub.s32 s5, s31;
	s10 =	sxor.u32 $0x80000000, s28;
	s30 =	sxor.u32 $0x80000000, s29  }
0x1f: {  	s8 =	smax.u32 s8, $0x1;
	s9 =	ssub.s32 s30, s10  }
0x20: {  	s8 =	sadd.s32 $0xFFFFFFFF, s8;
	p0 =	slt.s32 s9, $0x800  }
0x21: {  	s5 =	sadd.s32 $0x5400, s4;
	s9 =	simm.s32 @!p0 $0x800;
	p0 =	sne.s32 s8, $0x0  }
0x22: {  	s7 =	sadd.s32 $0x1400, s4;
	[dreg:$0x7] =	wrdreg s1;
	s0 =	simm.s32 @!p0 $0x0  }
0x23: {  	s12 =	sadd.s32 s1, s10;
	s9 =	ssub.s32 s9, s1;
	s0 =	simm.s32 @p0 $0x1  }
0x24: {  	p0 =	sgt.s32 s9, $0x0;
	p1 =	slt.s32 s9, $0x400;
	[smem:$0x7FD] =	sst s0  }
0x25: {  	s9 =	simm.s32 @!p0 $0x0;
	s13 =	simm.s32 @!p1 $0x0;
	s14 =	simm.s32 @!p1 $0x400  }
0x26: {  	s11 =	simm.s32 @!p0 $0x400;
	s19 =	sand.u32 @!p1 $0x1FFFFFFF, s12;
	s9 =	smin.u32 s9, $0x400  }
0x27: {  	s14 =	simm.s32 @p1 $0x0;
	s11 =	simm.s32 @p0 $0x0;
	s31 =	sld [smem:$0x7FD]  }
0x28: {  	s0 =	sand.u32 $0x200, s9;
	s15 =	sand.u32 $0x100, s9;
	s17 =	sand.u32 $0x80, s9  }
0x29: {  	s22 =	sand.u32 $0x8, s9;
	s24 =	sand.u32 $0x1, s9;
	s2 =	sand.u32 $0x40, s9  }
0x2a: {  	s4 =	sand.u32 $0x4, s9;
	s6 =	sand.u32 $0x20, s9;
	s26 =	sand.u32 $0x10, s9  }
0x2b: {  	p2 =	seq.s32 s0, $0x0;
	s10 =	sor.u32 s0, s14;
	p3 =	seq.s32 s15, $0x0  }
0x2c: {  	p6 =	seq.s32 s24, $0x0;
	s24 =	simm.s32 @!p1 $0x20;
	s0 =	simm.s32 @!p0 $0x0  }
0x2d: {  	s16 =	sadd.s32 @!p2 s12, s14;
	s14 =	sshll.u32 @!p2 s14, $0x3;
	s18 =	sor.u32 s15, s10  }
0x2e: {  	s21 =	simm.s32 @!p2 $0x0;
	s15 =	sadd.s32 @!p1 s7, s19;
	s23 =	sshll.u32 @!p3 s10, $0x3  }
0x2f: {  	s0 =	simm.s32 @p0 $0x1;
	s16 =	sand.u32 @!p2 $0x1FFFFFFF, s16;
	s20 =	sor.u32 s17, s18  }
0x30: {  	s19 =	sadd.s32 @!p2 $0x20, s14;
	s14 =	sadd.s32 @!p3 s12, s10;
	s10 =	ssub.s32 $0x400, s9  }
0x31: {  	[tilespmem:s24], [sflag:$0x1] =	stream.linear.gather @!p1 [hbm4b:s15+s13], $0x2000, $0x38;
	[tilespmem:$0x2020] =	vst v63  }
0x32: {  	p1 =	seq.s32 s17, $0x0;
	s17 =	sadd.s32 @!p3 $0x20, s23;
	s23 =	simm.s32 @!p3 $0x0  }
0x33: {  	[smem:$0x7FC] =	sst s0;
	s16 =	sadd.s32 @!p2 s7, s16;
	s25 =	sand.u32 @!p3 $0x1FFFFFFF, s14  }
0x34: {  	s14 =	sshll.u32 @!p0 s9, $0x3;
	s1 =	sand.u32 $0x200, s10;
	s13 =	simm.s32 @!p1 $0x0  }
0x35: {  	s28 =	sand.u32 $0x80, s10;
	s29 =	sand.u32 $0x100, s10;
	s30 =	sld [smem:$0x7FC]  }
0x36: {  	[tilespmem:s19], [sflag:$0x1] =	stream.linear.gather @!p2 [hbm4b:s16+s21], $0x1000, $0x38;
	[tilespmem:$0x2020] =	vst v63  }
0x37: {  	s25 =	sadd.s32 @!p3 s7, s25;
	s16 =	sand.u32 $0x2, s9;
	s19 =	sor.u32 s2, s20  }
0x38: {  	p2 =	seq.s32 s2, $0x0;
	p0 =	seq.s32 s1, $0x0;
	p5 =	seq.s32 s28, $0x0  }
0x39: {  	[tilespmem:s17], [sflag:$0x1] =	stream.linear.gather @!p3 [hbm4b:s25+s23], $0x800, $0x38;
	[tilespmem:$0x2020] =	vst v63  }
0x3a: {  	p4 =	seq.s32 s16, $0x0;
	s17 =	sor.u32 s6, s19;
	s25 =	sadd.s32 @!p1 s12, s18  }
0x3b: {  	s18 =	sshll.u32 @!p1 s18, $0x3;
	p3 =	seq.s32 s26, $0x0;
	s0 =	simm.s32 @!p4 $0x0  }
0x3c: {  	s25 =	sand.u32 @!p1 $0x1FFFFFFF, s25;
	s18 =	sadd.s32 @!p1 $0x20, s18;
	s0 =	simm.s32 @p4 $0x1  }
0x3d: {  	s23 =	sadd.s32 @!p3 s12, s17;
	s25 =	sadd.s32 @!p1 s7, s25;
	[smem:$0x7FA] =	sst s0  }
0x3e: {  	[tilespmem:s18], [sflag:$0x1] =	stream.linear.gather @!p1 [hbm4b:s25+s13], $0x400, $0x38;
	[tilespmem:$0x2020] =	vst v63  }
0x3f: {  	s0 =	simm.s32 @!p0 $0x0;
	s13 =	sadd.s32 s26, s17;
	s18 =	sadd.s32 @!p2 s12, s20  }
0x40: {  	p1 =	seq.s32 s22, $0x0;
	s20 =	sshll.u32 @!p2 s20, $0x3;
	s18 =	sand.u32 @!p2 $0x1FFFFFFF, s18  }
0x41: {  	s25 =	simm.s32 @!p2 $0x0;
	s20 =	sadd.s32 @!p2 $0x20, s20;
	s18 =	sadd.s32 @!p2 s7, s18  }
0x42: {  	[tilespmem:s20], [sflag:$0x1] =	stream.linear.gather @!p2 [hbm4b:s18+s25], $0x200, $0x38;
	[tilespmem:$0x2020] =	vst v63  }
0x43: {  	s17 =	sshll.u32 @!p3 s17, $0x3;
	s0 =	simm.s32 @p0 $0x1;
	p2 =	seq.s32 s6, $0x0  }
0x44: {  	s18 =	sadd.s32 @!p1 s12, s13;
	s20 =	sshll.u32 @!p1 s13, $0x3;
	s21 =	sadd.s32 @!p2 s12, s19  }
0x45: {  	s18 =	sand.u32 @!p1 $0x1FFFFFFF, s18;
	s19 =	sshll.u32 @!p2 s19, $0x3;
	s21 =	sand.u32 @!p2 $0x1FFFFFFF, s21  }
0x46: {  	s25 =	simm.s32 @!p2 $0x0;
	s19 =	sadd.s32 @!p2 $0x20, s19;
	s21 =	sadd.s32 @!p2 s7, s21  }
0x47: {  	[tilespmem:s19], [sflag:$0x1] =	stream.linear.gather @!p2 [hbm4b:s21+s25], $0x100, $0x38;
	[tilespmem:$0x2020] =	vst v63  }
0x48: {  	s17 =	sadd.s32 @!p3 $0x20, s17;
	s18 =	sadd.s32 @!p1 s7, s18;
	s19 =	sadd.s32 @!p1 $0x20, s20  }
0x49: {  	s20 =	sadd.s32 s22, s13;
	p2 =	seq.s32 s4, $0x0;
	s13 =	sand.u32 @!p3 $0x1FFFFFFF, s23  }
0x4a: {  	s23 =	simm.s32 @!p3 $0x0;
	s21 =	sadd.s32 @!p2 s12, s20;
	s22 =	sshll.u32 @!p2 s20, $0x3  }
0x4b: {  	s13 =	sadd.s32 @!p3 s7, s13;
	s20 =	sadd.s32 s4, s20;
	s21 =	sand.u32 @!p2 $0x1FFFFFFF, s21  }
0x4c: {  	[tilespmem:s17], [sflag:$0x1] =	stream.linear.gather @!p3 [hbm4b:s13+s23], $0x80, $0x38;
	[tilespmem:$0x2020] =	vst v63  }
0x4d: {  	s17 =	simm.s32 @!p2 $0x0;
	s23 =	simm.s32 @!p1 $0x0;
	s16 =	sadd.s32 @!p6 s16, s20  }
0x4e: {  	[tilespmem:s19], [sflag:$0x1] =	stream.linear.gather @!p1 [hbm4b:s18+s23], $0x40, $0x38;
	[tilespmem:$0x2020] =	vst v63  }
0x4f: {  	s21 =	sadd.s32 @!p2 s7, s21;
	s24 =	sshll.u32 @!p6 s16, $0x3;
	s18 =	sadd.s32 @!p4 s12, s20  }
0x50: {  	s19 =	sshll.u32 @!p4 s20, $0x3;
	s20 =	sadd.s32 @!p2 $0x20, s22;
	s12 =	sadd.s32 @!p6 s12, s16  }
0x51: {  	p1 =	seq.s32 s29, $0x0;
	s18 =	sand.u32 @!p4 $0x1FFFFFFF, s18;
	s16 =	sadd.s32 @!p4 $0x20, s19  }
0x52: {  	[tilespmem:s20], [sflag:$0x1] =	stream.linear.gather @!p2 [hbm4b:s21+s17], $0x20, $0x38;
	[tilespmem:$0x2020] =	vst v63  }
0x53: {  	s12 =	sand.u32 @!p6 $0x1FFFFFFF, s12;
	s18 =	sadd.s32 @!p4 s7, s18;
	s20 =	simm.s32 @!p4 $0x0  }
0x54: {  	s19 =	sadd.s32 @!p6 s7, s12;
	s12 =	sor.u32 s1, s11;
	s21 =	sadd.s32 @!p0 s9, s11  }
0x55: {  	p0 =	seq.s32 s30, $0x1;
	s11 =	sadd.s32 @!p1 s9, s12;
	s12 =	sor.u32 s29, s12  }
0x56: {  	p4 =	por p0, p0;
	s17 =	sshll.u32 @!p1 s11, $0x3;
	s11 =	sadd.s32 @!p5 s9, s12  }
0x57: {  	s22 =	sor.u32 s28, s12;
	s12 =	sadd.s32 @!p0 $0x20, s14;
	p0 =	seq.s32 s31, $0x1  }
.Ltmp0:
0x58: {  	_ = 	snop;
	(pc) =	sbr.rel @!p0 .LBB2_2-.Ltmp0, $4  }
0x59: {  	s26 =	sand.u32 $0x40, s10;
	[smem:$0x7FB] =	sst s0  }
0x5a: {  	s25 =	simm.s32 @!p6 $0x0;
	s13 =	sand.u32 $0x20, s10;
	p3 =	por p6, p6  }
0x5b: {  	s24 =	sadd.s32 @!p6 $0x20, s24;
	p6 =	seq.s32 s13, $0x0;
	s23 =	sor.u32 s26, s22  }
0x5c: {  	p2 =	seq.s32 s26, $0x0;
	s15 =	sshll.u32 @!p5 s11, $0x3;
	s11 =	sadd.s32 @!p6 s9, s23  }
.LBB2_1:
0x5d: {  	s0 =	sld [smem:$0x7FA];
	_ =	sdelay $0x1  }
0x5e: {  	s8 =	sadd.s32 $0xFFFFFFFF, s8;
	s14 =	sand.u32 $0x1, s10  }
0x5f: {  	s13 =	sor.u32 s13, s23;
	s2 =	sld [smem:$0x7FB];
	p0 =	seq.s32 s0, $0x1  }
0x60: {  	[tilespmem:s16], [sflag:$0x1] =	stream.linear.gather @!p0 [hbm4b:s18+s20], $0x10, $0x38;
	[tilespmem:$0x2020] =	vst v63  }
0x61: {  	s4 =	sand.u32 $0x4, s10;
	s6 =	sand.u32 $0x8, s10;
	s11 =	sshll.u32 @!p6 s11, $0x3  }
0x62: {  	[tilespmem:s24], [sflag:$0x1] =	stream.linear.gather @!p3 [hbm4b:s19+s25], $0x8, $0x38;
	[tilespmem:$0x2020] =	vst v63  }
0x63: {  	s11 =	sadd.s32 @!p6 $0x20, s11;
	s16 =	simm.s32 @!p4 $0x0;
	p3 =	seq.s32 s2, $0x1  }
0x64: {  	[tilespmem:s12], [sflag:$0x1] =	stream.linear.gather @!p4 [hbm4b:s5+s16], $0x2000, $0x38;
	[tilespmem:$0x2020] =	vst v63  }
0x65: {  	p0 =	seq.s32 s14, $0x0;
	s14 =	sadd.s32 @!p2 s9, s22;
	s12 =	sshll.u32 @!p3 s21, $0x3  }
0x66: {  	s14 =	sshll.u32 @!p2 s14, $0x3;
	s18 =	simm.s32 @!p3 $0x0;
	s12 =	sadd.s32 @!p3 $0x20, s12  }
0x67: {  	[tilespmem:s12], [sflag:$0x1] =	stream.linear.gather @!p3 [hbm4b:s5+s18], $0x1000, $0x38;
	[tilespmem:$0x2020] =	vst v63  }
0x68: {  	s14 =	sadd.s32 @!p2 $0x20, s14;
	s12 =	sadd.s32 @!p1 $0x20, s17;
	s17 =	simm.s32 @!p1 $0x0  }
0x69: {  	[tilespmem:s12], [sflag:$0x1] =	stream.linear.gather @!p1 [hbm4b:s5+s17], $0x800, $0x38;
	[tilespmem:$0x2020] =	vst v63  }
0x6a: {  	s19 =	simm.s32 $0x1;
	s16 =	sand.u32 $0x2, s10;
	s17 =	sand.u32 $0x10, s10  }
0x6b: {  	s12 =	sadd.s32 @!p5 $0x20, s15;
	s15 =	simm.s32 @!p5 $0x0;
	p4 =	seq.s32 s17, $0x0  }
0x6c: {  	[tilespmem:s12], [sflag:$0x1] =	stream.linear.gather @!p5 [hbm4b:s5+s15], $0x400, $0x38;
	[tilespmem:$0x2020] =	vst v63  }
0x6d: {  	p3 =	seq.s32 s4, $0x0;
	s12 =	simm.s32 @!p2 $0x0;
	s15 =	sadd.s32 @!p4 s9, s13  }
0x6e: {  	[tilespmem:s14], [sflag:$0x1] =	stream.linear.gather @!p2 [hbm4b:s5+s12], $0x200, $0x38;
	[tilespmem:$0x2020] =	vst v63  }
0x6f: {  	s10 =	sadd.s32 s17, s13;
	s12 =	simm.s32 @!p6 $0x0;
	s14 =	sshll.u32 @!p4 s15, $0x3  }
0x70: {  	p2 =	seq.s32 s6, $0x0;
	s13 =	sadd.s32 @!p4 $0x20, s14;
	s14 =	sadd.s32 s6, s10  }
0x71: {  	[tilespmem:s11], [sflag:$0x1] =	stream.linear.gather @!p6 [hbm4b:s5+s12], $0x100, $0x38;
	[tilespmem:$0x2020] =	vst v63  }
0x72: {  	p1 =	seq.s32 s16, $0x0;
	s10 =	sadd.s32 @!p2 s9, s10;
	s12 =	sadd.s32 s4, s14  }
0x73: {  	s11 =	sadd.s32 @!p3 s9, s14;
	s10 =	sshll.u32 @!p2 s10, $0x3;
	s14 =	sadd.s32 @!p1 s9, s12  }
0x74: {  	s9 =	sadd.s32 @!p0 s9, s12;
	s12 =	simm.s32 @!p4 $0x0;
	s10 =	sadd.s32 @!p2 $0x20, s10  }
0x75: {  	[tilespmem:s13], [sflag:$0x1] =	stream.linear.gather @!p4 [hbm4b:s5+s12], $0x80, $0x38;
	[tilespmem:$0x2020] =	vst v63  }
0x76: {  	s11 =	sshll.u32 @!p3 s11, $0x3;
	s9 =	sadd.s32 @!p0 s16, s9;
	p4 =	sne.s32 s8, $0x0  }
0x77: {  	s12 =	simm.s32 @!p2 $0x0;
	s11 =	sadd.s32 @!p3 $0x20, s11;
	s13 =	sshll.u32 @!p1 s14, $0x3  }
0x78: {  	[tilespmem:s10], [sflag:$0x1] =	stream.linear.gather @!p2 [hbm4b:s5+s12], $0x40, $0x38;
	[tilespmem:$0x2020] =	vst v63  }
0x79: {  	s0 =	simm.s32 @!p4 $0x0;
	s9 =	sshll.u32 @!p0 s9, $0x3;
	s10 =	simm.s32 @!p3 $0x0  }
0x7a: {  	[tilespmem:s11], [sflag:$0x1] =	stream.linear.gather @!p3 [hbm4b:s5+s10], $0x20, $0x38;
	[tilespmem:$0x2020] =	vst v63  }
0x7b: {  	s0 =	simm.s32 @p4 $0x1;
	s12 =	sadd.s32 @!p1 $0x20, s13;
	s10 =	simm.s32 @!p1 $0x0  }
0x7c: {  	[tilespmem:s12], [sflag:$0x1] =	stream.linear.gather @!p1 [hbm4b:s5+s10], $0x10, $0x38;
	[tilespmem:$0x2020] =	vst v63  }
0x7d: {  	s9 =	sadd.s32 @!p0 $0x20, s9;
	[smem:$0x7F9] =	sst s0;
	s10 =	simm.s32 @!p0 $0x0  }
0x7e: {  	[tilespmem:s9], [sflag:$0x1] =	stream.linear.gather @!p0 [hbm4b:s5+s10], $0x8, $0x38;
	[tilespmem:$0x2020] =	vst v63  }
0x7f: {  	_ =	swait.ge [sflag:s19], $0x2000  }
0x80: {  	s20 =	rddreg [dreg:$0x5];
	[sflag:s19] =	ssyncset.done $0x0  }
0x81: {  	s22 =	simm.s32 $0x0;
	s21 =	rddreg [dreg:$0x6];
	[sflag:s19] =	ssyncadd.s32 $0xFFFFE000  }
0x82: {  	[hbm4b:s20+s22] =	stream.linear.scatter [tilespmem:s21], [sflag:$0x2], $0x2000, $0x38;
	[tilespmem:$0x2020] =	vst v63  }
0x83: {  	_ =	swait.ge [sflag:s3], $0x2000  }
0x84: {  	[sflag:s3] =	ssyncset.done $0x0  }
0x85: {  	s23 =	rddreg [dreg:$0x2];
	[sflag:s3] =	ssyncadd.s32 $0xFFFFE000  }
0x86: {  	[tilespmem:s22], [sflag:$0x2] =	stream.linear.gather [hbm4b:s23+s22], $0x10, $0x38;
	[tilespmem:$0x2020] =	vst v63  }
0x87: {  	_ =	swait.ge [sflag:s3], $0x10  }
0x88: {  	s24 =	rddreg [dreg:$0x3];
	[sflag:s3] =	ssyncset.done $0x0  }
0x89: {  	s25 =	rddreg [dreg:$0x4];
	[sflag:s3] =	ssyncadd.s32 $0xFFFFFFF0  }
0x8a: {  	[tilespmem:s24], [sflag:$0x2] =	stream.linear.gather [hbm4b:s25+s22], $0x10, $0x38;
	[tilespmem:$0x2020] =	vst v63  }
0x8b: {  	_ =	swait.ge [sflag:s3], $0x10  }
0x8c: {  	[sflag:s3] =	ssyncset.done $0x0  }
0x8d: {  	[sflag:s3] =	ssyncadd.s32 $0xFFFFFFF0  }
0x8e: {  	v0 =	vld [tilespmem:$0x0]  }
0x8f: {  	v1 =	vld [tilespmem:$0x10];
	_ =	sdelay $0x3  }
0x90: {  	v0 =	vxor.u32 $0x80000000, v0  }
0x91: {  	v1 =	vxor.u32 $0x80000000, v1;
	v0 =	vnsel vm0, $0x0, v0  }
0x92: {  	v1 =	vnsel vm0, $0x0, v1;
	(xrf0) =	vmax.scan.msk.u32 $0xffff, v0  }
0x93: {  	(xrf0) =	vmax.scan.msk.u32 $0xffff, v1;
	_ =	sdelay $0x4  }
0x94: {  	v0, _, _ =	vpop (xrf0)  }
0x95: {  	(v2sf) =	vpush v0, $0xF;
	v63, _, _ =	vpop (xrf0)  }
0x96: {  	(v2sf) =	vpush v63, $0xF;
	_ =	sdelay $0xd  }
0x97: {  	s26 =	spop (v2sf)  }
0x98: {  	s28 =	spop (v2sf)  }
0x99: {  	s29 =	sxor.u32 $0x80000000, s26;
	s30 =	sxor.u32 $0x80000000, s28  }
0x9a: {  	s9 =	ssub.s32 s30, s29  }
0x9b: {  	p0 =	slt.s32 s9, $0x800  }
0x9c: {  	s31 =	rddreg [dreg:$0x7];
	s9 =	simm.s32 @!p0 $0x800  }
0x9d: {  	s9 =	ssub.s32 s9, s31  }
0x9e: {  	s14 =	sadd.s32 s31, s29;
	p0 =	sgt.s32 s9, $0x0;
	p2 =	slt.s32 s9, $0x400  }
0x9f: {  	s9 =	simm.s32 @!p0 $0x0;
	s17 =	simm.s32 @!p2 $0x0;
	s10 =	simm.s32 @!p2 $0x400  }
0xa0: {  	s11 =	simm.s32 @!p0 $0x400;
	s0 =	simm.s32 @!p0 $0x0;
	s16 =	sand.u32 @!p2 $0x1FFFFFFF, s14  }
0xa1: {  	s9 =	smin.u32 s9, $0x400;
	s0 =	simm.s32 @p0 $0x1;
	s10 =	simm.s32 @p2 $0x0  }
0xa2: {  	s24 =	sadd.s32 @!p2 s7, s16;
	[smem:$0x7FC] =	sst s0;
	s1 =	sand.u32 $0x200, s9  }
0xa3: {  	s2 =	sand.u32 $0x100, s9;
	s19 =	sand.u32 $0x80, s9;
	s13 =	sand.u32 $0x8, s9  }
0xa4: {  	s4 =	sand.u32 $0x1, s9;
	s29 =	sand.u32 $0x40, s9;
	s18 =	sand.u32 $0x4, s9  }
0xa5: {  	s31 =	sand.u32 $0x20, s9;
	s6 =	sand.u32 $0x10, s9;
	p4 =	seq.s32 s1, $0x0  }
0xa6: {  	s12 =	sor.u32 s1, s10;
	p1 =	seq.s32 s2, $0x0;
	p5 =	seq.s32 s31, $0x0  }
0xa7: {  	p6 =	seq.s32 s6, $0x0;
	s1 =	simm.s32 @!p2 $0x20;
	p3 =	seq.s32 s29, $0x0  }
0xa8: {  	s15 =	sadd.s32 @!p4 s14, s10;
	s10 =	sshll.u32 @!p4 s10, $0x3;
	s21 =	sor.u32 s2, s12  }
0xa9: {  	[tilespmem:s1], [sflag:$0x1] =	stream.linear.gather @!p2 [hbm4b:s24+s17], $0x2000, $0x38;
	[tilespmem:$0x2020] =	vst v63  }
0xaa: {  	s23 =	simm.s32 @!p4 $0x0;
	s26 =	sshll.u32 @!p1 s12, $0x3;
	p2 =	seq.s32 s18, $0x0  }
0xab: {  	s15 =	sand.u32 @!p4 $0x1FFFFFFF, s15;
	s20 =	sor.u32 s19, s21;
	s25 =	sadd.s32 @!p4 $0x20, s10  }
0xac: {  	s10 =	sadd.s32 @!p1 s14, s12;
	s12 =	sshll.u32 @!p0 s9, $0x3;
	p0 =	seq.s32 s4, $0x0  }
0xad: {  	s22 =	sadd.s32 @!p4 s7, s15;
	s16 =	sand.u32 @!p1 $0x1FFFFFFF, s10;
	s10 =	ssub.s32 $0x400, s9  }
0xae: {  	s0 =	simm.s32 @!p0 $0x0;
	s30 =	sor.u32 s29, s20;
	s29 =	simm.s32 @!p1 $0x0  }
0xaf: {  	s28 =	sadd.s32 @!p1 s7, s16;
	s0 =	simm.s32 @p0 $0x1;
	s15 =	sand.u32 $0x200, s10  }
0xb0: {  	s16 =	sand.u32 $0x2, s9;
	s31 =	sor.u32 s31, s30;
	s1 =	sadd.s32 @!p5 s14, s30  }
0xb1: {  	[tilespmem:s25], [sflag:$0x1] =	stream.linear.gather @!p4 [hbm4b:s22+s23], $0x1000, $0x38;
	[tilespmem:$0x2020] =	vst v63  }
0xb2: {  	s22 =	sshll.u32 @!p5 s30, $0x3;
	p4 =	seq.s32 s19, $0x0;
	s30 =	simm.s32 @!p3 $0x0  }
0xb3: {  	[smem:$0x7F8] =	sst s0;
	p0 =	seq.s32 s16, $0x0;
	s24 =	sadd.s32 @!p6 s14, s31  }
0xb4: {  	s1 =	sand.u32 @!p5 $0x1FFFFFFF, s1;
	s17 =	sshll.u32 @!p6 s31, $0x3;
	s23 =	sadd.s32 @!p4 s14, s21  }
0xb5: {  	s25 =	simm.s32 @!p4 $0x0;
	s21 =	sshll.u32 @!p4 s21, $0x3;
	s0 =	simm.s32 @!p0 $0x0  }
0xb6: {  	s19 =	sadd.s32 @!p6 $0x20, s17;
	s23 =	sand.u32 @!p4 $0x1FFFFFFF, s23;
	s21 =	sadd.s32 @!p4 $0x20, s21  }
0xb7: {  	s1 =	sadd.s32 @!p5 s7, s1;
	s0 =	simm.s32 @p0 $0x1;
	p0 =	seq.s32 s13, $0x0  }
0xb8: {  	s23 =	sadd.s32 @!p4 s7, s23;
	[smem:$0x7FA] =	sst s0;
	s0 =	sadd.s32 s6, s31  }
0xb9: {  	s6 =	sld [smem:$0x7FC];
	s31 =	sand.u32 $0x40, s10;
	s2 =	sadd.s32 @!p0 s14, s0  }
0xba: {  	s4 =	sshll.u32 @!p0 s0, $0x3;
	s0 =	sadd.s32 s13, s0;
	s2 =	sand.u32 @!p0 $0x1FFFFFFF, s2  }
0xbb: {  	s17 =	sadd.s32 @!p0 s7, s2;
	s2 =	sadd.s32 @!p1 $0x20, s26;
	s26 =	sadd.s32 @!p3 s14, s20  }
0xbc: {  	s13 =	sadd.s32 @!p2 s14, s0;
	s20 =	sshll.u32 @!p3 s20, $0x3;
	s26 =	sand.u32 @!p3 $0x1FFFFFFF, s26  }
0xbd: {  	[tilespmem:s2], [sflag:$0x1] =	stream.linear.gather @!p1 [hbm4b:s28+s29], $0x800, $0x38;
	[tilespmem:$0x2020] =	vst v63  }
0xbe: {  	s20 =	sadd.s32 @!p3 $0x20, s20;
	s2 =	sadd.s32 @!p0 $0x20, s4;
	p1 =	por p0, p0  }
0xbf: {  	s4 =	sand.u32 @!p6 $0x1FFFFFFF, s24;
	s24 =	sshll.u32 @!p2 s0, $0x3;
	s28 =	sand.u32 @!p2 $0x1FFFFFFF, s13  }
0xc0: {  	s29 =	simm.s32 @!p2 $0x0;
	p0 =	seq.s32 s6, $0x1;
	s0 =	sadd.s32 s18, s0  }
0xc1: {  	s18 =	sld [smem:$0x7FA];
	s11 =	simm.s32 @p0 $0x0;
	p0 =	seq.s32 s15, $0x0  }
0xc2: {  	[tilespmem:s21], [sflag:$0x1] =	stream.linear.gather @!p4 [hbm4b:s23+s25], $0x400, $0x38;
	[tilespmem:$0x2020] =	vst v63  }
0xc3: {  	s26 =	sadd.s32 @!p3 s7, s26;
	s4 =	sadd.s32 @!p6 s7, s4;
	s6 =	simm.s32 @!p0 $0x0  }
0xc4: {  	s21 =	sadd.s32 @!p5 $0x20, s22;
	s22 =	simm.s32 @!p5 $0x0;
	s6 =	simm.s32 @p0 $0x1  }
0xc5: {  	s23 =	sand.u32 $0x80, s10;
	s25 =	simm.s32 @!p6 $0x0;
	[smem:$0x7FB] =	sst s6  }
0xc6: {  	[tilespmem:s20], [sflag:$0x1] =	stream.linear.gather @!p3 [hbm4b:s26+s30], $0x200, $0x38;
	[tilespmem:$0x2020] =	vst v63  }
0xc7: {  	p4 =	por p1, p1;
	p0 =	seq.s32 s18, $0x1;
	s30 =	sld [smem:$0x7F8]  }
0xc8: {  	s18 =	sadd.s32 @!p0 s14, s0;
	s6 =	sshll.u32 @!p0 s0, $0x3;
	s26 =	simm.s32 @!p1 $0x0  }
0xc9: {  	[tilespmem:s21], [sflag:$0x1] =	stream.linear.gather @!p5 [hbm4b:s1+s22], $0x100, $0x38;
	[tilespmem:$0x2020] =	vst v63  }
0xca: {  	s20 =	simm.s32 @!p0 $0x0;
	s18 =	sand.u32 @!p0 $0x1FFFFFFF, s18;
	p3 =	seq.s32 s30, $0x1  }
0xcb: {  	s1 =	sadd.s32 @!p2 $0x20, s24;
	s21 =	sadd.s32 @!p2 s7, s28;
	s0 =	sadd.s32 @!p3 s16, s0  }
0xcc: {  	[tilespmem:s19], [sflag:$0x1] =	stream.linear.gather @!p6 [hbm4b:s4+s25], $0x80, $0x38;
	[tilespmem:$0x2020] =	vst v63  }
0xcd: {  	s28 =	sand.u32 $0x100, s10;
	s14 =	sadd.s32 @!p3 s14, s0;
	s0 =	sshll.u32 @!p3 s0, $0x3  }
0xce: {  	[tilespmem:s2], [sflag:$0x1] =	stream.linear.gather @!p4 [hbm4b:s17+s26], $0x40, $0x38;
	[tilespmem:$0x2020] =	vst v63  }
0xcf: {  	p1 =	seq.s32 s28, $0x0;
	s24 =	sadd.s32 @!p3 $0x20, s0;
	s0 =	sor.u32 s15, s11  }
0xd0: {  	[tilespmem:s1], [sflag:$0x1] =	stream.linear.gather @!p2 [hbm4b:s21+s29], $0x20, $0x38;
	[tilespmem:$0x2020] =	vst v63  }
0xd1: {  	s29 =	sld [smem:$0x7FB];
	s1 =	sadd.s32 @!p1 s9, s0;
	s0 =	sor.u32 s28, s0  }
0xd2: {  	p5 =	seq.s32 s23, $0x0;
	s30 =	sld [smem:$0x7FC];
	s22 =	sor.u32 s23, s0  }
0xd3: {  	p2 =	seq.s32 s31, $0x0;
	s23 =	sor.u32 s31, s22;
	s31 =	sld [smem:$0x7F9]  }
0xd4: {  	s18 =	sadd.s32 @!p0 s7, s18;
	s16 =	sadd.s32 @!p0 $0x20, s6;
	p0 =	seq.s32 s29, $0x1  }
0xd5: {  	s21 =	sadd.s32 @!p0 s9, s11;
	p0 =	seq.s32 s30, $0x1  }
0xd6: {  	p4 =	por p0, p0;
	s12 =	sadd.s32 @!p0 $0x20, s12;
	p0 =	seq.s32 s31, $0x1  }
.Ltmp1:
0xd7: {  	_ = 	snop;
	(pc) =	sbr.rel @p0 .LBB2_1-.Ltmp1, $4  }
0xd8: {  	s13 =	sand.u32 $0x20, s10  }
0xd9: {  	s25 =	simm.s32 @!p3 $0x0;
	p6 =	seq.s32 s13, $0x0  }
0xda: {  	s6 =	sand.u32 @!p3 $0x1FFFFFFF, s14;
	s17 =	sshll.u32 @!p1 s1, $0x3;
	s1 =	sadd.s32 @!p5 s9, s0  }
0xdb: {  	s19 =	sadd.s32 @!p3 s7, s6;
	s15 =	sshll.u32 @!p5 s1, $0x3;
	s11 =	sadd.s32 @!p6 s9, s23  }
.LBB2_2:
0xdc: {  	s0 =	sld [smem:$0x7FA];
	_ =	sdelay $0x2  }
0xdd: {  	p0 =	seq.s32 s0, $0x1  }
0xde: {  	[tilespmem:s16], [sflag:$0x1] =	stream.linear.gather @!p0 [hbm4b:s18+s20], $0x10, $0x38;
	[tilespmem:$0x2020] =	vst v63  }
0xdf: {  	s20 =	sld [smem:$0x7FB];
	_ =	sdelay $0x1  }
0xe0: {  	[tilespmem:s24], [sflag:$0x1] =	stream.linear.gather @!p3 [hbm4b:s19+s25], $0x8, $0x38;
	[tilespmem:$0x2020] =	vst v63  }
0xe1: {  	s0 =	simm.s32 @!p4 $0x0;
	p0 =	seq.s32 s20, $0x1  }
0xe2: {  	[tilespmem:s12], [sflag:$0x1] =	stream.linear.gather @!p4 [hbm4b:s5+s0], $0x2000, $0x38;
	[tilespmem:$0x2020] =	vst v63  }
0xe3: {  	s0 =	sshll.u32 @!p0 s21, $0x3  }
0xe4: {  	s1 =	simm.s32 @!p0 $0x0;
	s0 =	sadd.s32 @!p0 $0x20, s0  }
0xe5: {  	[tilespmem:s0], [sflag:$0x1] =	stream.linear.gather @!p0 [hbm4b:s5+s1], $0x1000, $0x38;
	[tilespmem:$0x2020] =	vst v63  }
0xe6: {  	s0 =	sadd.s32 @!p1 $0x20, s17;
	s1 =	simm.s32 @!p1 $0x0  }
0xe7: {  	[tilespmem:s0], [sflag:$0x1] =	stream.linear.gather @!p1 [hbm4b:s5+s1], $0x800, $0x38;
	[tilespmem:$0x2020] =	vst v63  }
0xe8: {  	s0 =	sadd.s32 @!p5 $0x20, s15;
	s1 =	simm.s32 @!p5 $0x0  }
0xe9: {  	[tilespmem:s0], [sflag:$0x1] =	stream.linear.gather @!p5 [hbm4b:s5+s1], $0x400, $0x38;
	[tilespmem:$0x2020] =	vst v63  }
0xea: {  	s0 =	sadd.s32 @!p2 s9, s22  }
0xeb: {  	s0 =	sshll.u32 @!p2 s0, $0x3  }
0xec: {  	s1 =	simm.s32 @!p2 $0x0;
	s0 =	sadd.s32 @!p2 $0x20, s0  }
0xed: {  	[tilespmem:s0], [sflag:$0x1] =	stream.linear.gather @!p2 [hbm4b:s5+s1], $0x200, $0x38;
	[tilespmem:$0x2020] =	vst v63  }
0xee: {  	s0 =	sshll.u32 @!p6 s11, $0x3  }
0xef: {  	s2 =	simm.s32 @!p6 $0x0;
	s22 =	sand.u32 $0x10, s10;
	s0 =	sadd.s32 @!p6 $0x20, s0  }
0xf0: {  	[tilespmem:s0], [sflag:$0x1] =	stream.linear.gather @!p6 [hbm4b:s5+s2], $0x100, $0x38;
	[tilespmem:$0x2020] =	vst v63  }
0xf1: {  	p0 =	seq.s32 s22, $0x0;
	s0 =	sor.u32 s13, s23  }
0xf2: {  	s2 =	sadd.s32 @!p0 s9, s0  }
0xf3: {  	s2 =	sshll.u32 @!p0 s2, $0x3  }
0xf4: {  	s4 =	sand.u32 $0x8, s10;
	s6 =	simm.s32 @!p0 $0x0;
	s2 =	sadd.s32 @!p0 $0x20, s2  }
0xf5: {  	[tilespmem:s2], [sflag:$0x1] =	stream.linear.gather @!p0 [hbm4b:s5+s6], $0x80, $0x38;
	[tilespmem:$0x2020] =	vst v63  }
0xf6: {  	s0 =	sadd.s32 s22, s0;
	p0 =	seq.s32 s4, $0x0  }
0xf7: {  	s1 =	sadd.s32 @!p0 s9, s0  }
0xf8: {  	s1 =	sshll.u32 @!p0 s1, $0x3  }
0xf9: {  	s24 =	sand.u32 $0x4, s10;
	s6 =	simm.s32 @!p0 $0x0;
	s1 =	sadd.s32 @!p0 $0x20, s1  }
0xfa: {  	[tilespmem:s1], [sflag:$0x1] =	stream.linear.gather @!p0 [hbm4b:s5+s6], $0x40, $0x38;
	[tilespmem:$0x2020] =	vst v63  }
0xfb: {  	s0 =	sadd.s32 s4, s0;
	p0 =	seq.s32 s24, $0x0  }
0xfc: {  	s1 =	sadd.s32 @!p0 s9, s0  }
0xfd: {  	s1 =	sshll.u32 @!p0 s1, $0x3  }
0xfe: {  	s4 =	sand.u32 $0x2, s10;
	s6 =	simm.s32 @!p0 $0x0;
	s1 =	sadd.s32 @!p0 $0x20, s1  }
0xff: {  	[tilespmem:s1], [sflag:$0x1] =	stream.linear.gather @!p0 [hbm4b:s5+s6], $0x20, $0x38;
	[tilespmem:$0x2020] =	vst v63  }
0x100: {  	s0 =	sadd.s32 s24, s0;
	p0 =	seq.s32 s4, $0x0  }
0x101: {  	s1 =	sadd.s32 @!p0 s9, s0  }
0x102: {  	s1 =	sshll.u32 @!p0 s1, $0x3  }
0x103: {  	s25 =	sand.u32 $0x1, s10;
	s6 =	simm.s32 @!p0 $0x0;
	s1 =	sadd.s32 @!p0 $0x20, s1  }
0x104: {  	[tilespmem:s1], [sflag:$0x1] =	stream.linear.gather @!p0 [hbm4b:s5+s6], $0x10, $0x38;
	[tilespmem:$0x2020] =	vst v63  }
0x105: {  	p0 =	seq.s32 s25, $0x0  }
0x106: {  	s0 =	sadd.s32 @!p0 s9, s0  }
0x107: {  	s0 =	sadd.s32 @!p0 s4, s0  }
0x108: {  	s0 =	sshll.u32 @!p0 s0, $0x3  }
0x109: {  	s26 =	simm.s32 $0x1;
	s1 =	simm.s32 @!p0 $0x0;
	s0 =	sadd.s32 @!p0 $0x20, s0  }
0x10a: {  	[tilespmem:s0], [sflag:$0x1] =	stream.linear.gather @!p0 [hbm4b:s5+s1], $0x8, $0x38;
	[tilespmem:$0x2020] =	vst v63  }
0x10b: {  	_ =	swait.ge [sflag:s26], $0x2000  }
0x10c: {  	s28 =	rddreg [dreg:$0x5];
	[sflag:s26] =	ssyncset.done $0x0  }
0x10d: {  	s30 =	simm.s32 $0x0;
	s29 =	rddreg [dreg:$0x6];
	[sflag:s26] =	ssyncadd.s32 $0xFFFFE000  }
0x10e: {  	[hbm4b:s28+s30] =	stream.linear.scatter [tilespmem:s29], [sflag:$0x2], $0x2000, $0x38;
	[tilespmem:$0x2020] =	vst v63  }
0x10f: {  	_ =	swait.ge [sflag:s3], $0x2000  }
0x110: {  	[sflag:s3] =	ssyncset.done $0x0  }
0x111: {  	[sflag:s3] =	ssyncadd.s32 $0xFFFFE000  }
0x112: {  	_ =	sfence.sel $0x180000  }
0x113: {  	[bflag:$0x0] =	sbarrier.arrive $0xFFFF  }
0x114: {  	_ =	strace $0x9000004A  }
0x115: {  	s31 =	stileid.u32;
	[bflag:$0x2] =	sbarrier.arrive $0xFFFF  }
0x116: {  	p0 =	sne.s32 s31, $0x0;
	s0 =	rddreg [dreg:$0x1]  }
0x117: {  	s0 =	sadd.s32 @!p0 $0x100000, s0  }
0x118: {  	[sflag:s0] =	ssyncadd.tile.s32 @!p0 $0x1;
	_ =	shalt  }
.Lfunc_end2:
_tile_overlayer_lowered:
.L_overlay_start_2:
0x119: {  	(tag) =	ssettag $0x2  }
0x11a: {  	s0 =	rddreg [dreg:$0x0];
	s2 =	stileid.u32  }
0x11b: {  	s1 =	rddreg [dreg:$0x1];
	p0 =	sne.s32 s2, $0x0  }
0x11c: {  	s3 =	rddreg [dreg:$0x2];
	[bflag:$0x3] =	sbarrier.arrive $0xFFFF;
	s2 =	simm.s32 @!p0 $0x1C02  }
0x11d: {  	[timem:s3], [sflag:s2] =	dma.local @!p0 [hbm:s0], s1  }
0x11e: {  	s0 =	simm.s32 @!p0 $0x2  }
0x11f: {  	_ =	swait.ge @!p0 [sflag:s0], s1  }
0x120: {  	s1 =	ssub.s32 @!p0 $0x0, s1;
	[sflag:s0] =	ssyncset.done @!p0 $0x0  }
0x121: {  	[sflag:s0] =	ssyncadd.s32 @!p0 s1  }
0x122: {  	[bflag:$0x3] =	sbarrier.arrive $0xFFFF  }
0x123: {  	_ =	shalt  }

// kernel: kernel.8.cloned.1.call-start
scs
__scs_entry_jumppad:
0x0: {  	(pc) =	sbr.rel $0x88, $3  }
0x1: {  	(tag) =	ssettag $0x0;
	lr =	simm.s32 $0x1  }
0x2: {  	[smem:$0x3F9E] =	sst lr;
	_ =	strace $0xD0000000  }
0x3: {  	_ = 	snop  }
0x4: {  	_ = 	snop  }
0x5: {  	_ = 	snop  }
0x6: {  	_ = 	snop  }
0x7: {  	_ = 	snop  }
__scs_overlays_trampoline_lowered:
0x8: {  	[smem:$0x3FAD] =	sst s0  }
0x9: {  	[smem:$0x3FAE] =	sst s1  }
0xa: {  	[smem:$0x3FAF] =	sst s2  }
0xb: {  	[smem:$0x3FB0] =	sst s3  }
0xc: {  	[smem:$0x3FB1] =	sst s4  }
0xd: {  	[smem:$0x3FB2] =	sst s5  }
0xe: {  	[smem:$0x3FB3] =	sst s6  }
0xf: {  	[smem:$0x3FB4] =	sst s7  }
0x10: {  	[smem:$0x3FB5] =	sst s8  }
0x11: {  	[smem:$0x3FB6] =	sst s9;
	s0 =	simm.s32 @!p0 $0x0  }
0x12: {  	s1 =	sld [smem:$0x3F9C];
	s0 =	simm.s32 @p0 $0x1  }
0x13: {  	[smem:$0x3FB7] =	sst s0;
	s0 =	simm.s32 @!p1 $0x0  }
0x14: {  	s2 =	sld [smem:$0x3F9B];
	s0 =	simm.s32 @p1 $0x1  }
0x15: {  	[smem:$0x3FB8] =	sst s0;
	s0 =	simm.s32 @!p2 $0x0  }
0x16: {  	s3 =	sld [smem:$0x3FDB];
	s0 =	simm.s32 @p2 $0x1  }
0x17: {  	s4 =	simm.s32 $0x1BF5;
	[smem:$0x3FBA] =	sst s0  }
0x18: {  	s0 =	sld [smem:$0x3F9D];
	_ =	swait.ge [sflag:s4], $0x0  }
0x19: {  	s7 =	sld [smem:$0x3F9E]  }
0x1a: {  	s8 =	sadd.s32 $0xFFFFE003, lr  }
0x1b: {  	s9 =	sadd.s32 $0xFFFFFEF7, lr;
	s5 =	simm.s32 $0xFFFFFFFF;
	p2 =	slt.u32 s8, $0xFFFFF086  }
0x1c: {  	p1 =	slt.u32 s9, $0xF7A;
	s5 =	simm.s32 @!p2 $0x0  }
0x1d: {  	s5 =	simm.s32 @p1 $0x1;
	p0 =	seq.s32 s7, s2  }
0x1e: {  	s7 =	smul.u32 @!p0 $0xF7A, s2;
	p2 =	seq.s32 @!p0 s5, $0x0  }
0x1f: {  	s9 =	smul.u32 $0xF7A, s1;
	s8 =	simm.s32 @!p0 $0x1BF5;
	p2 =	por !p2, p0  }
0x20: {  	[sflag:s8] =	ssyncset.s32 @!p0 $0xFFFFF086;
	s6 =	sadd.s32 @!p0 s3, s7;
	s7 =	simm.s32 @!p0 $0x108  }
0x21: {  	s3 =	sadd.s32 s3, s9;
	s6 =	sadd.s32 @!p0 $0x88, s6;
	s7 =	simm.s32 @p2 $0x1082  }
0x22: {  	[simem:s7], [sflag:s8] =	dma.local @!p0 [hbm:s6], $0xF7A  }
0x23: {  	s9 =	sor.u32 $0xD0000000, s2;
	s6 =	simm.s32 $0x108;
	_ =	swait.ge @!p0 [sflag:s8], $0x0  }
0x24: {  	s3 =	sadd.s32 $0x88, s3;
	s6 =	simm.s32 @!p1 $0x1082;
	[sflag:s4] =	ssyncset.s32 $0xFFFFF086  }
0x25: {  	[simem:s6], [sflag:s4] =	dma.local [hbm:s3], $0xF7A  }
0x26: {  	[smem:$0x3F9E] =	sst s1;
	(tag) =	ssettag s2;
	_ =	strace s9  }
0x27: {  	s1 =	sld [smem:$0x3FAE]  }
0x28: {  	s2 =	sld [smem:$0x3FAF]  }
0x29: {  	s4 =	sld [smem:$0x3FB1]  }
0x2a: {  	p0 =	seq.s32 s5, $0x0;
	s5 =	sld [smem:$0x3FB2]  }
0x2b: {  	s6 =	sld [smem:$0x3FB3]  }
0x2c: {  	s7 =	sld [smem:$0x3FB4]  }
0x2d: {  	s3 =	simm.s32 $0x108;
	s8 =	sld [smem:$0x3FB5]  }
0x2e: {  	s3 =	simm.s32 @!p0 $0x1082;
	s9 =	sld [smem:$0x3FB6]  }
0x2f: {  	lr =	sadd.s32 s0, s3;
	s0 =	sld [smem:$0x3FAD]  }
0x30: {  	s3 =	sld [smem:$0x3FB0]  }
0x31: {  	[smem:$0x3FB9] =	sst s10  }
0x32: {  	s10 =	sld [smem:$0x3FB7];
	_ =	sdelay $0x3  }
0x33: {  	p0 =	seq.s32 s10, $0x1;
	s10 =	sld [smem:$0x3FB9];
	_ =	sdelay $0x3  }
0x34: {  	[smem:$0x3FB9] =	sst s10  }
0x35: {  	s10 =	sld [smem:$0x3FB8];
	_ =	sdelay $0x3  }
0x36: {  	p1 =	seq.s32 s10, $0x1;
	s10 =	sld [smem:$0x3FB9];
	_ =	sdelay $0x3  }
0x37: {  	[smem:$0x3FB9] =	sst s10  }
0x38: {  	s10 =	sld [smem:$0x3FBA]  }
0x39: {  	_ = 	snop;
	(pc) =	sbr.ind lr, $3  }
0x3a: {  	_ = 	snop  }
0x3b: {  	_ = 	snop  }
0x3c: {  	p2 =	seq.s32 s10, $0x1;
	s10 =	sld [smem:$0x3FB9]  }
0x3d: {  	_ =	shalt  }
0x3e: {  	_ =	shalt  }
0x3f: {  	_ =	shalt  }
0x40: {  	_ =	shalt  }
0x41: {  	_ =	shalt  }
0x42: {  	_ =	shalt  }
0x43: {  	_ =	shalt  }
0x44: {  	_ =	shalt  }
0x45: {  	_ =	shalt  }
0x46: {  	_ =	shalt  }
0x47: {  	_ =	shalt  }
0x48: {  	_ =	shalt  }
0x49: {  	_ =	shalt  }
0x4a: {  	_ =	shalt  }
0x4b: {  	_ =	shalt  }
0x4c: {  	_ =	shalt  }
0x4d: {  	_ =	shalt  }
0x4e: {  	_ =	shalt  }
0x4f: {  	_ =	shalt  }
0x50: {  	_ =	shalt  }
0x51: {  	_ =	shalt  }
0x52: {  	_ =	shalt  }
0x53: {  	_ =	shalt  }
0x54: {  	_ =	shalt  }
0x55: {  	_ =	shalt  }
0x56: {  	_ =	shalt  }
0x57: {  	_ =	shalt  }
0x58: {  	_ =	shalt  }
0x59: {  	_ =	shalt  }
0x5a: {  	_ =	shalt  }
0x5b: {  	_ =	shalt  }
0x5c: {  	_ =	shalt  }
0x5d: {  	_ =	shalt  }
0x5e: {  	_ =	shalt  }
0x5f: {  	_ =	shalt  }
0x60: {  	_ =	shalt  }
0x61: {  	_ =	shalt  }
0x62: {  	_ =	shalt  }
0x63: {  	_ =	shalt  }
0x64: {  	_ =	shalt  }
0x65: {  	_ =	shalt  }
0x66: {  	_ =	shalt  }
0x67: {  	_ =	shalt  }
0x68: {  	_ =	shalt  }
0x69: {  	_ =	shalt  }
0x6a: {  	_ =	shalt  }
0x6b: {  	_ =	shalt  }
0x6c: {  	_ =	shalt  }
0x6d: {  	_ =	shalt  }
0x6e: {  	_ =	shalt  }
0x6f: {  	_ =	shalt  }
0x70: {  	_ =	shalt  }
0x71: {  	_ =	shalt  }
0x72: {  	_ =	shalt  }
0x73: {  	_ =	shalt  }
0x74: {  	_ =	shalt  }
0x75: {  	_ =	shalt  }
0x76: {  	_ =	shalt  }
0x77: {  	_ =	shalt  }
0x78: {  	_ =	shalt  }
0x79: {  	_ =	shalt  }
0x7a: {  	_ =	shalt  }
0x7b: {  	_ =	shalt  }
0x7c: {  	_ =	shalt  }
0x7d: {  	_ =	shalt  }
0x7e: {  	_ =	shalt  }
0x7f: {  	_ =	shalt  }
0x80: {  	_ =	shalt  }
0x81: {  	_ =	shalt  }
0x82: {  	_ =	shalt  }
0x83: {  	_ =	shalt  }
0x84: {  	_ =	shalt  }
0x85: {  	_ =	shalt  }
0x86: {  	_ =	shalt  }
0x87: {  	_ =	shalt  }
.Lfunc_end0:
.L_simem_size_0:
called_computation.1_lowered:
.L_overlay_start_0:
0x88: {  	s2 =	sld [smem:$0x3FD9]  }
0x89: {  	s3 =	sld [smem:$0x3FFE];
	_ =	sdelay $0x1  }
0x8a: {  	s1 =	srdreg.scid  }
0x8b: {  	s0 =	sand.u32 $0x1, s1  }
0x8c: {  	s14 =	sshll.u32 s0, $0xA;
	s2 =	sadd.s32 s3, s2  }
0x8d: {  	s2 =	sadd.s32 s2, s14  }
0x8e: {  	[smem:$0x3FC5] =	sst s2  }
0x8f: {  	_ = 	snop  }
0x90: {  	s2 =	sld [smem:$0x3FD0];
	_ =	sdelay $0x2  }
0x91: {  	s15 =	simm.s32 $0xB;
	s4 =	simm.s32 $0x10  }
0x92: {  	[smem:s4], [sflag:s15] =	dma.local [hbm:s2], $0x1  }
0x93: {  	_ =	swait.eq [sflag:s15], $0x1  }
0x94: {  	s16 =	sld [smem:$0x10];
	[sflag:s15] =	ssyncset.done $0x0  }
0x95: {  	s17 =	sld [smem:$0x11];
	[sflag:s15] =	ssyncadd.s32 $0xFFFFFFFF  }
0x96: {  	s18 =	sld [smem:$0x12];
	(tm) =	ssettm $0x1  }
0x97: {  	s5 =	sld [smem:$0x3FFB];
	_ =	sdelay $0x3  }
0x98: {  	_ =	strace s5  }
0x99: {  	s5 =	sld [smem:$0x3FFC];
	_ =	sdelay $0x3  }
0x9a: {  	_ =	strace s5  }
0x9b: {  	s5 =	sld [smem:$0x3FFD];
	_ =	sdelay $0x3  }
0x9c: {  	_ =	strace s5  }
0x9d: {  	_ =	strace $0x8FFFFFFF  }
0x9e: {  	s19 =	sld [smem:$0x3FDB];
	_ =	sdelay $0x1  }
0x9f: {  	s6 =	simm.s32 $_scs_section_size  }
0xa0: {  	s7 =	simm.s32 $_size__tile_overlayer_lowered;
	s8 =	simm.s32 $_tile_overlayer_lowered  }
0xa1: {  	s22 =	simm.s32 $0x1BFF;
	s21 =	sshll.u32 s8, $0x1;
	s5 =	sadd.s32 s6, s19  }
0xa2: {  	s9 =	simm.s32 $0x0;
	s20 =	sshll.u32 s7, $0x1;
	s7 =	sadd.s32 s21, s5  }
0xa3: {  	[timem:s9], [sflag:s22] =	dma.local [hbm:s7], s20  }
0xa4: {  	_ =	swait.ge [sflag:s22], s20  }
0xa5: {  	s6 =	ssub.s32 $0x0, s20;
	[sflag:s22] =	ssyncset.done $0x0  }
0xa6: {  	[sflag:s22] =	ssyncadd.s32 s6;
	_ =	sdelay $0x1  }
0xa7: {  	s23 =	simm.s32 $0x1B8B  }
0xa8: {  	_ =	swait.ge [sflag:s23], $0x1  }
0xa9: {  	[sflag:s23] =	ssyncset.done $0x0  }
0xaa: {  	s25 =	simm.s32 $0x1B8E;
	s24 =	sld [smem:$0x3FFE];
	[sflag:s23] =	ssyncadd.s32 $0xFFFFFFFF  }
0xab: {  	s26 =	simm.s32 $execute0_lowered;
	[smem:$0x3FD2] =	sst s25  }
0xac: {  	s7 =	sshll.u32 s26, $0x1;
	_ =	strace $0x80000046;
	[dreg:$0x1] =	wrdreg $0xFFFFFFFF  }
0xad: {  	s28 =	simm.s32 $_size_execute0_lowered;
	s5 =	sadd.s32 s5, s7;
	[dreg:$0x0] =	wrdreg $0x0  }
0xae: {  	s7 =	sshll.u32 s28, $0x1;
	[dreg:$0x2] =	wrdreg s5  }
0xaf: {  	[dreg:$0x3] =	wrdreg s7  }
0xb0: {  	[dreg:$0x4] =	wrdreg $0xC0  }
0xb1: {  	_ =	task [dreg:s9], $0x5FFFF  }
0xb2: {  	[dreg:$0x1] =	wrdreg $0xFFFFFFFF  }
0xb3: {  	[dreg:$0x0] =	wrdreg $0x60  }
0xb4: {  	[dreg:$0x2] =	wrdreg s16  }
0xb5: {  	[dreg:$0x3] =	wrdreg s17  }
0xb6: {  	[dreg:$0x4] =	wrdreg s24  }
0xb7: {  	[dreg:$0x5] =	wrdreg s18  }
0xb8: {  	[dreg:$0x6] =	wrdreg $0xA  }
0xb9: {  	_ =	task.clear_ibuf [dreg:s9], $0x7FFFF;
	_ =	strace $0x90000046  }
0xba: {  	s29 =	simm.s32 $0xA;
	_ =	strace $0x80000048  }
0xbb: {  	_ =	swait.ge [sflag:s29], $0x1  }
0xbc: {  	[sflag:s29] =	ssyncadd.s32 $0xFFFFFFFF  }
0xbd: {  	_ =	strace $0x90000048  }
0xbe: {  	_ =	sfence  }
0xbf: {  	s30 =	sld [smem:$0x0];
	_ =	sdelay $0x2  }
0xc0: {  	s31 =	sshll.u32 s1, $0xD;
	s1 =	sshrl.u32 s1, $0x2  }
0xc1: {  	s3 =	sand.u32 $0x4000, s31;
	s1 =	sadd.s32 s1, s30  }
0xc2: {  	s0 =	sor.u32 s3, s0;
	s1 =	sshll.u32 s1, $0x11  }
0xc3: {  	s0 =	sor.u32 s1, s0  }
0xc4: {  	s0 =	sadd.s32 $0x8F2B, s0  }
0xc5: {  	[sflag:s0] =	ssyncadd.remote.s32 $0x1  }
0xc6: {  	_ =	sfence.sel $0xFFFF  }
0xc7: {  	[dreg:$0x0] =	wrdreg $0xFFFFFFFF;
	(pc) =	sbr.abs _section_cstart, $3  }
0xc8: {  	[dreg:$0x1] =	wrdreg $0xFFFFFFFF  }
0xc9: {  	_ =	task.clear_ibuf [dreg:s9], $0x2FFFF;
	_ =	strace $0x9FFFFFFF  }
0xca: {  	(tm) =	ssettm $0x7FFFFFFF  }
0xcb: {  	_ =	shalt  }
tec
execute0_lowered:
.L_overlay_start_1:
0x0: {  	(tag) =	ssettag $0x1  }
0x1: {  	s1 =	rddreg [dreg:$0x0]  }
0x2: {  	s2 =	rddreg [dreg:$0x1]  }
0x3: {  	s9 =	rddreg [dreg:$0x2]  }
0x4: {  	s3 =	rddreg [dreg:$0x3]  }
0x5: {  	s0 =	rddreg [dreg:$0x4]  }
0x6: {  	s5 =	simm.s32 $0x0;
	s6 =	srdreg.scid;
	s4 =	stileid.u32  }
0x7: {  	s14 =	simm.s32 $0x10;
	s15 =	simm.s32 $0x10020;
	s16 =	simm.s32 $0x20  }
0x8: {  	s17 =	simm.s32 $0x0;
	[smem:$0x7FF] =	sst s5;
	s12 =	sand.u32 $0x1, s6  }
0x9: {  	s8 =	sshll.u32 s4, $0xB;
	s7 =	sadd.s32 $0x1200, s9;
	s9 =	sadd.s32 $0x1000, s9  }
.Ltmp0:
0xa: {  	s31 =	sshll.u32 s4, $0x10;
	s6 =	sshll.u32 s12, $0xA;
	(pc) =	sbr.rel .LBB2_1-.Ltmp0, $4  }
0xb: {  	_ =	strace $0x80000047;
	s10 =	ssub.s32 $0x2, s12;
	s8 =	sor.u32 s6, s8  }
0xc: {  	s12 =	sshll.u32 s12, $0xF;
	s11 =	sshrl.u32 s10, $0x1;
	s13 =	sshll.u32 s8, $0x5  }
0xd: {  	v1 =	vlaneseq.u32;
	v0 =	vmov s4;
	s11 =	ssub.s32 s10, s11;
	s10 =	sadd.s32 s3, s13;
	s13 =	sadd.s32 s31, s3  }
0xe: {  	vm0 =	veq.s32 v0, v1;
	s11 =	smax.u32 s11, $0x1;
	s12 =	sadd.s32 s12, s13;
	s13 =	simm.s32 $0x1  }
.LBB2_15:
0xf: {  	[sflag:s13] =	ssyncset.done $0x0  }
0x10: {  	[sflag:s13] =	ssyncadd.s32 $0xFFFF8000  }
.LBB2_16:
0x11: {  	s17 =	sadd.s32 $0x1, s17  }
0x12: {  	p0 =	sne.s32 s17, s11  }
.Ltmp1:
0x13: {  	_ = 	snop;
	(pc) =	sbr.rel @!p0 .LBB2_17-.Ltmp1, $1  }
0x14: {  	_ =	sdelay $0x3  }
.LBB2_1:
0x15: {  	[tilespmem:s5], [sflag:$0x1] =	stream.linear.gather [hbm4b:s7+s5], $0x10, $0x38;
	[tilespmem:$0x18020] =	vst v63  }
0x16: {  	_ =	swait.ge [sflag:s13], $0x10  }
0x17: {  	[sflag:s13] =	ssyncset.done $0x0  }
0x18: {  	[sflag:s13] =	ssyncadd.s32 $0xFFFFFFF0  }
0x19: {  	[tilespmem:s14], [sflag:$0x1] =	stream.linear.gather [hbm4b:s9+s5], $0x10, $0x38;
	[tilespmem:$0x18020] =	vst v63  }
0x1a: {  	_ =	swait.ge [sflag:s13], $0x10  }
0x1b: {  	[sflag:s13] =	ssyncset.done $0x0  }
0x1c: {  	[sflag:s13] =	ssyncadd.s32 $0xFFFFFFF0  }
0x1d: {  	v0 =	vld [tilespmem:$0x0]  }
0x1e: {  	v1 =	vld [tilespmem:$0x10];
	_ =	sdelay $0x3  }
0x1f: {  	v0 =	vxor.u32 $0x80000000, v0  }
0x20: {  	v1 =	vxor.u32 $0x80000000, v1;
	v0 =	vnsel vm0, $0x0, v0  }
0x21: {  	v61 =	vnsel vm0, $0x0, v1;
	(xrf0) =	vmax.scan.msk.u32 $0xffff, v0  }
0x22: {  	(xrf0) =	vmax.scan.msk.u32 $0xffff, v61;
	_ =	sdelay $0x4  }
0x23: {  	v62, _, _ =	vpop (xrf0)  }
0x24: {  	(v2sf) =	vpush v62, $0xF;
	v63, _, _ =	vpop (xrf0)  }
0x25: {  	(v2sf) =	vpush v63, $0xF;
	_ =	sdelay $0xd  }
0x26: {  	s18 =	spop (v2sf)  }
0x27: {  	s19 =	spop (v2sf)  }
0x28: {  	s22 =	sxor.u32 $0x80000000, s18;
	s31 =	sxor.u32 $0x80000000, s19  }
0x29: {  	s18 =	ssub.s32 s31, s22  }
0x2a: {  	p0 =	slt.s32 s18, $0x800  }
0x2b: {  	s18 =	simm.s32 @!p0 $0x800  }
0x2c: {  	s20 =	ssub.s32 s18, s6  }
0x2d: {  	p0 =	sgt.s32 s20, $0x0;
	s18 =	smov.u32 s20  }
0x2e: {  	s18 =	simm.s32 @!p0 $0x0  }
0x2f: {  	s18 =	smin.u32 s18, $0x400  }
0x30: {  	s21 =	sand.u32 $0xFF, s18  }
0x31: {  	p6 =	slt.s32 s20, $0x1;
	p1 =	sne.s32 s21, $0x0  }
0x32: {  	p0 =	por !p6, !p1  }
0x33: {  	s19 =	simm.s32 $0x1;
	p0 =	por !p0, !p0  }
0x34: {  	s23 =	sshrl.u32 s18, $0x8;
	s19 =	simm.s32 @!p0 $0x0  }
0x35: {  	s23 =	ssub.s32 s23, s19  }
0x36: {  	p0 =	slt.s32 s23, $0x1  }
.Ltmp2:
0x37: {  	_ = 	snop;
	(pc) =	sbr.rel @p0 .LBB2_8-.Ltmp2, $4  }
0x38: {  	[tilespmem:s15], [sflag:$0x1] =	stream.linear.gather [hbm4b:s2+s5], $0x8000, $0x38;
	[tilespmem:$0x18020] =	vst v63  }
0x39: {  	_ =	swait.ge [sflag:s13], $0x8000  }
0x3a: {  	[sflag:s13] =	ssyncset.done $0x0  }
0x3b: {  	[sflag:s13] =	ssyncadd.s32 $0xFFFF8000;
	s19 =	sadd.s32 s6, s22  }
0x3c: {  	p1 =	sne.s32 s23, $0x1  }
.Ltmp3:
0x3d: {  	_ = 	snop;
	(pc) =	sbr.rel @!p1 .LBB2_3-.Ltmp3, $3  }
0x3e: {  	_ =	sdelay $0x1  }
0x3f: {  	s22 =	sshll.u32 s19, $0x5  }
0x40: {  	s23 =	sadd.s32 $0xFFFFFFFF, s23;
	p0 =	por $0x0, $0x0;
	s25 =	sand.u32 $0x1FFFFFE0, s22  }
0x41: {  	s24 =	sadd.s32 s1, s25  }
0x42: {  	[tilespmem:s16], [sflag:$0x1] =	stream.linear.gather [hbm4b:s24+s5], $0x10000, $0x38;
	[tilespmem:$0x18020] =	vst v63  }
0x43: {  	p1 =	sne.s32 s23, $0x1;
	_ =	swait.ge [sflag:s13], $0x10000  }
.Ltmp4:
0x44: {  	[sflag:s13] =	ssyncset.done $0x0;
	(pc) =	sbr.rel @!p1 .LBB2_5-.Ltmp4, $4  }
0x45: {  	s23 =	sadd.s32 $0xFFFFFFFF, s23;
	[sflag:s13] =	ssyncadd.s32 $0xFFFF0000  }
0x46: {  	[hbm4b:s12+s5] =	stream.linear.scatter [tilespmem:s16], [sflag:$0x1], $0x10000, $0x38;
	[tilespmem:$0x18020] =	vst v63  }
0x47: {  	p0 =	por $0x1, $0x1;
	s24 =	sadd.s32 $0x2000, s22;
	_ =	swait.ge [sflag:s13], $0x10000  }
0x48: {  	s22 =	smov.u32 s12;
	s25 =	sand.u32 $0x1FFFFFE0, s24;
	[sflag:s13] =	ssyncset.done $0x0  }
.LBB2_6:
0x49: {  	s25 =	sadd.s32 s1, s25;
	[sflag:s13] =	ssyncadd.s32 $0xFFFF0000;
	s22 =	sadd.s32 $0x2000, s22  }
0x4a: {  	[tilespmem:s16], [sflag:$0x1] =	stream.linear.gather [hbm4b:s25+s5], $0x10000, $0x38;
	[tilespmem:$0x18020] =	vst v63  }
0x4b: {  	p1 =	sne.s32 s23, $0x1;
	s23 =	sadd.s32 $0xFFFFFFFF, s23;
	_ =	swait.ge [sflag:s13], $0x10000  }
.Ltmp5:
0x4c: {  	[sflag:s13] =	ssyncset.done $0x0;
	(pc) =	sbr.rel @p1 .LBB2_6-.Ltmp5, $4  }
0x4d: {  	[sflag:s13] =	ssyncadd.s32 $0xFFFF0000  }
0x4e: {  	[hbm4b:s22+s5] =	stream.linear.scatter [tilespmem:s16], [sflag:$0x1], $0x10000, $0x38;
	[tilespmem:$0x18020] =	vst v63  }
0x4f: {  	s24 =	sadd.s32 $0x2000, s24;
	_ =	swait.ge [sflag:s13], $0x10000  }
0x50: {  	s25 =	sand.u32 $0x1FFFFFE0, s24;
	[sflag:s13] =	ssyncset.done $0x0  }
.LBB2_7:
0x51: {  	s23 =	sadd.s32 s1, s25;
	[sflag:s13] =	ssyncadd.s32 @p0 $0xFFFF0000  }
0x52: {  	[tilespmem:s16], [sflag:$0x1] =	stream.linear.gather [hbm4b:s23+s5], $0x10000, $0x38;
	[tilespmem:$0x18020] =	vst v63  }
0x53: {  	_ =	swait.ge [sflag:s13], $0x10000  }
0x54: {  	s22 =	sadd.s32 @p0 $0x2000, s22;
	s23 =	smov.u32 s12;
	[sflag:s13] =	ssyncset.done $0x0  }
0x55: {  	s23 =	smov.u32 @p0 s22;
	[sflag:s13] =	ssyncadd.s32 $0xFFFF0000  }
0x56: {  	[hbm4b:s23+s5] =	stream.linear.scatter [tilespmem:s16], [sflag:$0x1], $0x10000, $0x38;
	[tilespmem:$0x18020] =	vst v63  }
0x57: {  	_ =	swait.ge [sflag:s13], $0x10000  }
0x58: {  	[sflag:s13] =	ssyncset.done $0x0  }
0x59: {  	[sflag:s13] =	ssyncadd.s32 $0xFFFF0000  }
.LBB2_8:
0x5a: {  	p0 =	slt.s32 s20, $0x100  }
0x5b: {  	p1 =	seq.s32 @!p0 s21, $0x0  }
0x5c: {  	p0 =	por p0, p1  }
.Ltmp6:
0x5d: {  	_ = 	snop;
	(pc) =	sbr.rel @p0 .LBB2_10-.Ltmp6, $1  }
0x5e: {  	_ =	sdelay $0x3  }
0x5f: {  	s19 =	sadd.s32 s19, s18  }
0x60: {  	s19 =	sshll.u32 s19, $0x8  }
0x61: {  	s19 =	sadd.s32 $0xFFFF0000, s19  }
0x62: {  	s19 =	sshrl.u32 s19, $0x3  }
0x63: {  	s31 =	sadd.s32 s8, s18;
	s19 =	sadd.s32 s1, s19  }
0x64: {  	[tilespmem:s16], [sflag:$0x1] =	stream.linear.gather [hbm4b:s19+s5], $0x10000, $0x38;
	[tilespmem:$0x18020] =	vst v63  }
0x65: {  	s19 =	sshll.u32 s31, $0x8  }
0x66: {  	_ =	swait.ge [sflag:s13], $0x10000;
	s19 =	sadd.s32 $0xFFFF0000, s19  }
0x67: {  	[sflag:s13] =	ssyncset.done $0x0;
	s19 =	sshrl.u32 s19, $0x3  }
.Ltmp7:
0x68: {  	[sflag:s13] =	ssyncadd.s32 $0xFFFF0000;
	s19 =	sadd.s32 s3, s19;
	(pc) =	sbr.rel .LBB2_12-.Ltmp7, $4  }
0x69: {  	[hbm4b:s19+s5] =	stream.linear.scatter [tilespmem:s16], [sflag:$0x1], $0x10000, $0x38;
	[tilespmem:$0x18020] =	vst v63  }
0x6a: {  	_ =	swait.ge [sflag:s13], $0x10000  }
0x6b: {  	[sflag:s13] =	ssyncset.done $0x0  }
0x6c: {  	[sflag:s13] =	ssyncadd.s32 $0xFFFF0000  }
.LBB2_10:
0x6d: {  	p0 =	sgt.s32 s20, $0xFF  }
0x6e: {  	p1 =	seq.s32 @!p0 s21, $0x0  }
0x6f: {  	p0 =	por p0, p1  }
.Ltmp8:
0x70: {  	_ = 	snop;
	(pc) =	sbr.rel @p0 .LBB2_12-.Ltmp8, $1  }
0x71: {  	_ =	sdelay $0x3  }
0x72: {  	s20 =	sand.u32 $0x80, s18  }
0x73: {  	p0 =	seq.s32 s20, $0x0  }
0x74: {  	s21 =	sshll.u32 @!p0 s19, $0x5  }
0x75: {  	s21 =	sand.u32 @!p0 $0x1FFFFFE0, s21  }
0x76: {  	s22 =	simm.s32 @!p0 $0x0;
	s23 =	simm.s32 @!p0 $0x20;
	s21 =	sadd.s32 @!p0 s1, s21  }
0x77: {  	[tilespmem:s23], [sflag:$0x1] =	stream.linear.gather @!p0 [hbm4b:s21+s22], $0x8000, $0x38;
	[tilespmem:$0x18020] =	vst v63  }
0x78: {  	s21 =	simm.s32 @!p0 $0x1  }
0x79: {  	_ =	swait.ge @!p0 [sflag:s21], $0x8000  }
0x7a: {  	s24 =	sand.u32 $0x40, s18;
	[sflag:s21] =	ssyncset.done @!p0 $0x0  }
0x7b: {  	p1 =	seq.s32 s24, $0x0;
	[sflag:s21] =	ssyncadd.s32 @!p0 $0xFFFF8000  }
0x7c: {  	[hbm4b:s10+s22] =	stream.linear.scatter @!p0 [tilespmem:s23], [sflag:$0x1], $0x8000, $0x38;
	[tilespmem:$0x18020] =	vst v63  }
0x7d: {  	s22 =	sadd.s32 @!p1 s19, s20;
	_ =	swait.ge @!p0 [sflag:s21], $0x8000  }
0x7e: {  	s22 =	sshll.u32 @!p1 s22, $0x5;
	[sflag:s21] =	ssyncset.done @!p0 $0x0  }
0x7f: {  	[sflag:s21] =	ssyncadd.s32 @!p0 $0xFFFF8000;
	s21 =	sand.u32 @!p1 $0x1FFFFFE0, s22  }
0x80: {  	s23 =	simm.s32 @!p1 $0x20;
	s22 =	simm.s32 @!p1 $0x0;
	s21 =	sadd.s32 @!p1 s1, s21  }
0x81: {  	[tilespmem:s23], [sflag:$0x1] =	stream.linear.gather @!p1 [hbm4b:s21+s22], $0x4000, $0x38;
	[tilespmem:$0x18020] =	vst v63  }
0x82: {  	s21 =	simm.s32 @!p1 $0x1  }
0x83: {  	s20 =	sor.u32 @!p1 s8, s20;
	_ =	swait.ge @!p1 [sflag:s21], $0x4000  }
0x84: {  	s25 =	sand.u32 $0x20, s18;
	s20 =	sshll.u32 @!p1 s20, $0x5;
	[sflag:s21] =	ssyncset.done @!p1 $0x0  }
0x85: {  	s20 =	sadd.s32 @!p1 s3, s20;
	p0 =	seq.s32 s25, $0x0;
	[sflag:s21] =	ssyncadd.s32 @!p1 $0xFFFFC000  }
0x86: {  	[hbm4b:s20+s22] =	stream.linear.scatter @!p1 [tilespmem:s23], [sflag:$0x1], $0x4000, $0x38;
	[tilespmem:$0x18020] =	vst v63  }
0x87: {  	s20 =	sand.u32 @!p0 $0xC0, s18  }
0x88: {  	_ =	swait.ge @!p1 [sflag:s21], $0x4000;
	s22 =	sadd.s32 @!p0 s19, s20  }
0x89: {  	[sflag:s21] =	ssyncset.done @!p1 $0x0;
	s22 =	sshll.u32 @!p0 s22, $0x5  }
0x8a: {  	[sflag:s21] =	ssyncadd.s32 @!p1 $0xFFFFC000;
	s21 =	sand.u32 @!p0 $0x1FFFFFE0, s22  }
0x8b: {  	s23 =	simm.s32 @!p0 $0x20;
	s22 =	simm.s32 @!p0 $0x0;
	s21 =	sadd.s32 @!p0 s1, s21  }
0x8c: {  	[tilespmem:s23], [sflag:$0x1] =	stream.linear.gather @!p0 [hbm4b:s21+s22], $0x2000, $0x38;
	[tilespmem:$0x18020] =	vst v63  }
0x8d: {  	s21 =	simm.s32 @!p0 $0x1  }
0x8e: {  	s20 =	sor.u32 @!p0 s8, s20;
	_ =	swait.ge @!p0 [sflag:s21], $0x2000  }
0x8f: {  	s26 =	sand.u32 $0x10, s18;
	s20 =	sshll.u32 @!p0 s20, $0x5;
	[sflag:s21] =	ssyncset.done @!p0 $0x0  }
0x90: {  	s20 =	sadd.s32 @!p0 s3, s20;
	p1 =	seq.s32 s26, $0x0;
	[sflag:s21] =	ssyncadd.s32 @!p0 $0xFFFFE000  }
0x91: {  	[hbm4b:s20+s22] =	stream.linear.scatter @!p0 [tilespmem:s23], [sflag:$0x1], $0x2000, $0x38;
	[tilespmem:$0x18020] =	vst v63  }
0x92: {  	s20 =	sand.u32 @!p1 $0xE0, s18  }
0x93: {  	_ =	swait.ge @!p0 [sflag:s21], $0x2000;
	s22 =	sadd.s32 @!p1 s19, s20  }
0x94: {  	[sflag:s21] =	ssyncset.done @!p0 $0x0;
	s22 =	sshll.u32 @!p1 s22, $0x5  }
0x95: {  	[sflag:s21] =	ssyncadd.s32 @!p0 $0xFFFFE000;
	s21 =	sand.u32 @!p1 $0x1FFFFFE0, s22  }
0x96: {  	s23 =	simm.s32 @!p1 $0x20;
	s22 =	simm.s32 @!p1 $0x0;
	s21 =	sadd.s32 @!p1 s1, s21  }
0x97: {  	[tilespmem:s23], [sflag:$0x1] =	stream.linear.gather @!p1 [hbm4b:s21+s22], $0x1000, $0x38;
	[tilespmem:$0x18020] =	vst v63  }
0x98: {  	s21 =	simm.s32 @!p1 $0x1  }
0x99: {  	s20 =	sor.u32 @!p1 s8, s20;
	_ =	swait.ge @!p1 [sflag:s21], $0x1000  }
0x9a: {  	s28 =	sand.u32 $0x8, s18;
	s20 =	sshll.u32 @!p1 s20, $0x5;
	[sflag:s21] =	ssyncset.done @!p1 $0x0  }
0x9b: {  	s20 =	sadd.s32 @!p1 s3, s20;
	p0 =	seq.s32 s28, $0x0;
	[sflag:s21] =	ssyncadd.s32 @!p1 $0xFFFFF000  }
0x9c: {  	[hbm4b:s20+s22] =	stream.linear.scatter @!p1 [tilespmem:s23], [sflag:$0x1], $0x1000, $0x38;
	[tilespmem:$0x18020] =	vst v63  }
0x9d: {  	s20 =	sand.u32 @!p0 $0xF0, s18  }
0x9e: {  	_ =	swait.ge @!p1 [sflag:s21], $0x1000;
	s22 =	sadd.s32 @!p0 s19, s20  }
0x9f: {  	[sflag:s21] =	ssyncset.done @!p1 $0x0;
	s22 =	sshll.u32 @!p0 s22, $0x5  }
0xa0: {  	[sflag:s21] =	ssyncadd.s32 @!p1 $0xFFFFF000;
	s21 =	sand.u32 @!p0 $0x1FFFFFE0, s22  }
0xa1: {  	s23 =	simm.s32 @!p0 $0x20;
	s22 =	simm.s32 @!p0 $0x0;
	s21 =	sadd.s32 @!p0 s1, s21  }
0xa2: {  	[tilespmem:s23], [sflag:$0x1] =	stream.linear.gather @!p0 [hbm4b:s21+s22], $0x800, $0x38;
	[tilespmem:$0x18020] =	vst v63  }
0xa3: {  	s21 =	simm.s32 @!p0 $0x1  }
0xa4: {  	s20 =	sor.u32 @!p0 s8, s20;
	_ =	swait.ge @!p0 [sflag:s21], $0x800  }
0xa5: {  	s29 =	sand.u32 $0x4, s18;
	s20 =	sshll.u32 @!p0 s20, $0x5;
	[sflag:s21] =	ssyncset.done @!p0 $0x0  }
0xa6: {  	s20 =	sadd.s32 @!p0 s3, s20;
	p1 =	seq.s32 s29, $0x0;
	[sflag:s21] =	ssyncadd.s32 @!p0 $0xFFFFF800  }
0xa7: {  	[hbm4b:s20+s22] =	stream.linear.scatter @!p0 [tilespmem:s23], [sflag:$0x1], $0x800, $0x38;
	[tilespmem:$0x18020] =	vst v63  }
0xa8: {  	s20 =	sand.u32 @!p1 $0xF8, s18  }
0xa9: {  	_ =	swait.ge @!p0 [sflag:s21], $0x800;
	s22 =	sadd.s32 @!p1 s19, s20  }
0xaa: {  	[sflag:s21] =	ssyncset.done @!p0 $0x0;
	s22 =	sshll.u32 @!p1 s22, $0x5  }
0xab: {  	[sflag:s21] =	ssyncadd.s32 @!p0 $0xFFFFF800;
	s21 =	sand.u32 @!p1 $0x1FFFFFE0, s22  }
0xac: {  	s23 =	simm.s32 @!p1 $0x20;
	s22 =	simm.s32 @!p1 $0x0;
	s21 =	sadd.s32 @!p1 s1, s21  }
0xad: {  	[tilespmem:s23], [sflag:$0x1] =	stream.linear.gather @!p1 [hbm4b:s21+s22], $0x400, $0x38;
	[tilespmem:$0x18020] =	vst v63  }
0xae: {  	s21 =	simm.s32 @!p1 $0x1  }
0xaf: {  	s20 =	sor.u32 @!p1 s8, s20;
	_ =	swait.ge @!p1 [sflag:s21], $0x400  }
0xb0: {  	s30 =	sand.u32 $0x2, s18;
	s20 =	sshll.u32 @!p1 s20, $0x5;
	[sflag:s21] =	ssyncset.done @!p1 $0x0  }
0xb1: {  	s20 =	sadd.s32 @!p1 s3, s20;
	p0 =	seq.s32 s30, $0x0;
	[sflag:s21] =	ssyncadd.s32 @!p1 $0xFFFFFC00  }
0xb2: {  	[hbm4b:s20+s22] =	stream.linear.scatter @!p1 [tilespmem:s23], [sflag:$0x1], $0x400, $0x38;
	[tilespmem:$0x18020] =	vst v63  }
0xb3: {  	s20 =	sand.u32 @!p0 $0xFC, s18  }
0xb4: {  	_ =	swait.ge @!p1 [sflag:s21], $0x400;
	s22 =	sadd.s32 @!p0 s19, s20  }
0xb5: {  	[sflag:s21] =	ssyncset.done @!p1 $0x0;
	s22 =	sshll.u32 @!p0 s22, $0x5  }
0xb6: {  	[sflag:s21] =	ssyncadd.s32 @!p1 $0xFFFFFC00;
	s21 =	sand.u32 @!p0 $0x1FFFFFE0, s22  }
0xb7: {  	s23 =	simm.s32 @!p0 $0x20;
	s22 =	simm.s32 @!p0 $0x0;
	s21 =	sadd.s32 @!p0 s1, s21  }
0xb8: {  	[tilespmem:s23], [sflag:$0x1] =	stream.linear.gather @!p0 [hbm4b:s21+s22], $0x200, $0x38;
	[tilespmem:$0x18020] =	vst v63  }
0xb9: {  	s21 =	simm.s32 @!p0 $0x1  }
0xba: {  	s20 =	sor.u32 @!p0 s8, s20;
	_ =	swait.ge @!p0 [sflag:s21], $0x200  }
0xbb: {  	s31 =	sand.u32 $0x1, s18;
	s20 =	sshll.u32 @!p0 s20, $0x5;
	[sflag:s21] =	ssyncset.done @!p0 $0x0  }
0xbc: {  	s20 =	sadd.s32 @!p0 s3, s20;
	p1 =	seq.s32 s31, $0x0;
	[sflag:s21] =	ssyncadd.s32 @!p0 $0xFFFFFE00  }
0xbd: {  	[hbm4b:s20+s22] =	stream.linear.scatter @!p0 [tilespmem:s23], [sflag:$0x1], $0x200, $0x38;
	[tilespmem:$0x18020] =	vst v63  }
0xbe: {  	s20 =	sand.u32 @!p1 $0xFE, s18  }
0xbf: {  	s19 =	sadd.s32 @!p1 s19, s20  }
0xc0: {  	_ =	swait.ge @!p0 [sflag:s21], $0x200;
	s19 =	sshll.u32 @!p1 s19, $0x5  }
0xc1: {  	s22 =	simm.s32 @!p1 $0x20;
	[sflag:s21] =	ssyncset.done @!p0 $0x0;
	s19 =	sand.u32 @!p1 $0x1FFFFFE0, s19  }
0xc2: {  	[sflag:s21] =	ssyncadd.s32 @!p0 $0xFFFFFE00;
	s21 =	simm.s32 @!p1 $0x0;
	s19 =	sadd.s32 @!p1 s1, s19  }
0xc3: {  	[tilespmem:s22], [sflag:$0x1] =	stream.linear.gather @!p1 [hbm4b:s19+s21], $0x100, $0x38;
	[tilespmem:$0x18020] =	vst v63  }
0xc4: {  	s19 =	simm.s32 @!p1 $0x1  }
0xc5: {  	s20 =	sor.u32 @!p1 s8, s20;
	_ =	swait.ge @!p1 [sflag:s19], $0x100  }
0xc6: {  	s20 =	sshll.u32 @!p1 s20, $0x5;
	[sflag:s19] =	ssyncset.done @!p1 $0x0  }
0xc7: {  	s20 =	sadd.s32 @!p1 s3, s20;
	[sflag:s19] =	ssyncadd.s32 @!p1 $0xFFFFFF00  }
0xc8: {  	[hbm4b:s20+s21] =	stream.linear.scatter @!p1 [tilespmem:s22], [sflag:$0x1], $0x100, $0x38;
	[tilespmem:$0x18020] =	vst v63  }
0xc9: {  	_ =	swait.ge @!p1 [sflag:s19], $0x100  }
0xca: {  	[sflag:s19] =	ssyncset.done @!p1 $0x0  }
0xcb: {  	[sflag:s19] =	ssyncadd.s32 @!p1 $0xFFFFFF00  }
.LBB2_12:
0xcc: {  	s19 =	ssub.s32 $0x0, s18  }
0xcd: {  	s21 =	ssub.s32 $0x400, s18;
	s19 =	sand.u32 $0x7F, s19  }
0xce: {  	s19 =	smin.u32 s19, s21  }
0xcf: {  	s20 =	sadd.s32 s8, s18;
	p1 =	slt.u32 s19, $0x40  }
0xd0: {  	s22 =	sshll.u32 @!p1 s20, $0x5  }
0xd1: {  	s23 =	simm.s32 @!p1 $0x0;
	s24 =	simm.s32 @!p1 $0x10020;
	s22 =	sadd.s32 @!p1 s3, s22  }
0xd2: {  	[hbm4b:s22+s23] =	stream.linear.scatter @!p1 [tilespmem:s24], [sflag:$0x1], $0x4000, $0x38;
	[tilespmem:$0x18020] =	vst v63  }
0xd3: {  	s24 =	sand.u32 $0x20, s19  }
0xd4: {  	p0 =	seq.s32 s24, $0x0  }
0xd5: {  	s25 =	sand.u32 $0x10, s19;
	s23 =	simm.s32 @!p1 $0x1;
	s22 =	sand.u32 @!p0 $0x40, s19  }
0xd6: {  	s26 =	sand.u32 $0x8, s19;
	_ =	swait.ge @!p1 [sflag:s23], $0x4000;
	s22 =	sadd.s32 @!p0 s20, s22  }
0xd7: {  	[sflag:s23] =	ssyncset.done @!p1 $0x0;
	s24 =	simm.s32 @!p0 $0x10020;
	s22 =	sshll.u32 @!p0 s22, $0x5  }
0xd8: {  	[sflag:s23] =	ssyncadd.s32 @!p1 $0xFFFFC000;
	s23 =	simm.s32 @!p0 $0x0;
	s22 =	sadd.s32 @!p0 s3, s22  }
0xd9: {  	[hbm4b:s22+s23] =	stream.linear.scatter @!p0 [tilespmem:s24], [sflag:$0x1], $0x2000, $0x38;
	[tilespmem:$0x18020] =	vst v63  }
0xda: {  	s28 =	sand.u32 $0x4, s19;
	p1 =	seq.s32 s25, $0x0;
	s23 =	simm.s32 @!p0 $0x1  }
0xdb: {  	s29 =	sand.u32 $0x2, s19;
	s22 =	sand.u32 @!p1 $0x60, s19;
	_ =	swait.ge @!p0 [sflag:s23], $0x2000  }
0xdc: {  	s30 =	sand.u32 $0x1, s19;
	s22 =	sadd.s32 @!p1 s20, s22;
	[sflag:s23] =	ssyncset.done @!p0 $0x0  }
0xdd: {  	s24 =	simm.s32 @!p1 $0x10020;
	s22 =	sshll.u32 @!p1 s22, $0x5;
	[sflag:s23] =	ssyncadd.s32 @!p0 $0xFFFFE000  }
0xde: {  	s22 =	sadd.s32 @!p1 s3, s22;
	s23 =	simm.s32 @!p1 $0x0;
	p0 =	seq.s32 s26, $0x0  }
0xdf: {  	[hbm4b:s22+s23] =	stream.linear.scatter @!p1 [tilespmem:s24], [sflag:$0x1], $0x1000, $0x38;
	[tilespmem:$0x18020] =	vst v63  }
0xe0: {  	s21 =	ssub.s32 s21, s19;
	s23 =	simm.s32 @!p1 $0x1;
	s22 =	sand.u32 @!p0 $0x70, s19  }
0xe1: {  	p2 =	seq.s32 s28, $0x0;
	_ =	swait.ge @!p1 [sflag:s23], $0x1000;
	s22 =	sadd.s32 @!p0 s20, s22  }
0xe2: {  	s24 =	simm.s32 @!p0 $0x10020;
	[sflag:s23] =	ssyncset.done @!p1 $0x0;
	s22 =	sshll.u32 @!p0 s22, $0x5  }
0xe3: {  	[sflag:s23] =	ssyncadd.s32 @!p1 $0xFFFFF000;
	s22 =	sadd.s32 @!p0 s3, s22;
	s23 =	simm.s32 @!p0 $0x0  }
0xe4: {  	[hbm4b:s22+s23] =	stream.linear.scatter @!p0 [tilespmem:s24], [sflag:$0x1], $0x800, $0x38;
	[tilespmem:$0x18020] =	vst v63  }
0xe5: {  	s31 =	sand.u32 $0x7F, s21;
	s23 =	simm.s32 @!p0 $0x1;
	s22 =	sand.u32 @!p2 $0x78, s19  }
0xe6: {  	p1 =	seq.s32 s29, $0x0;
	_ =	swait.ge @!p0 [sflag:s23], $0x800;
	s22 =	sadd.s32 @!p2 s20, s22  }
0xe7: {  	s24 =	simm.s32 @!p2 $0x10020;
	[sflag:s23] =	ssyncset.done @!p0 $0x0;
	s22 =	sshll.u32 @!p2 s22, $0x5  }
0xe8: {  	[sflag:s23] =	ssyncadd.s32 @!p0 $0xFFFFF800;
	s22 =	sadd.s32 @!p2 s3, s22;
	s23 =	simm.s32 @!p2 $0x0  }
0xe9: {  	[hbm4b:s22+s23] =	stream.linear.scatter @!p2 [tilespmem:s24], [sflag:$0x1], $0x400, $0x38;
	[tilespmem:$0x18020] =	vst v63  }
0xea: {  	p5 =	slt.s32 s21, $0x1;
	s23 =	simm.s32 @!p2 $0x1;
	s22 =	sand.u32 @!p1 $0x7C, s19  }
0xeb: {  	p0 =	seq.s32 s30, $0x0;
	_ =	swait.ge @!p2 [sflag:s23], $0x400;
	s22 =	sadd.s32 @!p1 s20, s22  }
0xec: {  	s24 =	simm.s32 @!p1 $0x10020;
	[sflag:s23] =	ssyncset.done @!p2 $0x0;
	s22 =	sshll.u32 @!p1 s22, $0x5  }
0xed: {  	[sflag:s23] =	ssyncadd.s32 @!p2 $0xFFFFFC00;
	s22 =	sadd.s32 @!p1 s3, s22;
	s23 =	simm.s32 @!p1 $0x0  }
0xee: {  	[hbm4b:s22+s23] =	stream.linear.scatter @!p1 [tilespmem:s24], [sflag:$0x1], $0x200, $0x38;
	[tilespmem:$0x18020] =	vst v63  }
0xef: {  	p3 =	sne.s32 s31, $0x0;
	s22 =	simm.s32 @!p1 $0x1;
	s23 =	sand.u32 @!p0 $0x7E, s19  }
0xf0: {  	p6 =	por !p5, !p3;
	_ =	swait.ge @!p1 [sflag:s22], $0x200;
	s20 =	sadd.s32 @!p0 s20, s23  }
0xf1: {  	s23 =	simm.s32 @!p0 $0x10020;
	[sflag:s22] =	ssyncset.done @!p1 $0x0;
	s20 =	sshll.u32 @!p0 s20, $0x5  }
0xf2: {  	[sflag:s22] =	ssyncadd.s32 @!p1 $0xFFFFFE00;
	s20 =	sadd.s32 @!p0 s3, s20;
	s22 =	simm.s32 @!p0 $0x0  }
0xf3: {  	[hbm4b:s20+s22] =	stream.linear.scatter @!p0 [tilespmem:s23], [sflag:$0x1], $0x100, $0x38;
	[tilespmem:$0x18020] =	vst v63  }
0xf4: {  	p1 =	por !p6, !p6;
	s20 =	simm.s32 $0x1  }
0xf5: {  	s21 =	sshrl.u32 s21, $0x7;
	s20 =	simm.s32 @!p1 $0x0  }
0xf6: {  	s20 =	ssub.s32 s21, s20  }
0xf7: {  	p1 =	slt.s32 s20, $0x1  }
.Ltmp9:
0xf8: {  	_ = 	snop;
	(pc) =	sbr.rel @p1 .LBB2_16-.Ltmp9, $4  }
0xf9: {  	s22 =	simm.s32 @!p0 $0x1  }
0xfa: {  	_ =	swait.ge @!p0 [sflag:s22], $0x100  }
0xfb: {  	[sflag:s22] =	ssyncset.done @!p0 $0x0  }
0xfc: {  	[sflag:s22] =	ssyncadd.s32 @!p0 $0xFFFFFF00  }
0xfd: {  	s19 =	sadd.s32 s19, s8  }
0xfe: {  	p0 =	sne.s32 s20, $0x1;
	s18 =	sadd.s32 s18, s19  }
.Ltmp10:
0xff: {  	s19 =	sshll.u32 s18, $0x8;
	(pc) =	sbr.rel @!p0 .LBB2_15-.Ltmp10, $4  }
0x100: {  	s18 =	sshrl.u32 s19, $0x3  }
0x101: {  	s18 =	sadd.s32 s3, s18  }
0x102: {  	[hbm4b:s18+s5] =	stream.linear.scatter [tilespmem:s15], [sflag:$0x1], $0x8000, $0x38;
	[tilespmem:$0x18020] =	vst v63  }
0x103: {  	s19 =	sadd.s32 $0x8000, s19;
	s18 =	sadd.s32 $0xFFFFFFFF, s20;
	_ =	swait.ge [sflag:s13], $0x8000  }
.LBB2_14:
0x104: {  	s20 =	sshrl.u32 s19, $0x3;
	[sflag:s13] =	ssyncset.done $0x0;
	p0 =	sne.s32 s18, $0x1  }
.Ltmp11:
0x105: {  	s20 =	sadd.s32 s3, s20;
	[sflag:s13] =	ssyncadd.s32 $0xFFFF8000;
	(pc) =	sbr.rel @p0 .LBB2_14-.Ltmp11, $3  }
0x106: {  	[hbm4b:s20+s5] =	stream.linear.scatter [tilespmem:s15], [sflag:$0x1], $0x8000, $0x38;
	[tilespmem:$0x18020] =	vst v63  }
0x107: {  	s18 =	sadd.s32 $0xFFFFFFFF, s18;
	_ =	sdelay $0x1  }
0x108: {  	s19 =	sadd.s32 $0x8000, s19;
	_ =	swait.ge [sflag:s13], $0x8000  }
.Ltmp12:
0x109: {  	_ = 	snop;
	(pc) =	sbr.rel .LBB2_15-.Ltmp12, $1  }
0x10a: {  	_ =	sdelay $0x3  }
.LBB2_3:
.Ltmp13:
0x10b: {  	(pc) =	sbr.rel .LBB2_7-.Ltmp13, $2  }
0x10c: {  	_ =	sdelay $0x2  }
0x10d: {  	s22 =	smov.u32 s12  }
.LBB2_5:
.Ltmp14:
0x10e: {  	(pc) =	sbr.rel .LBB2_7-.Ltmp14, $2  }
0x10f: {  	_ =	sdelay $0x2  }
0x110: {  	s22 =	smov.u32 s12  }
.LBB2_17:
0x111: {  	_ =	sfence.sel $0x180000  }
0x112: {  	[bflag:$0x0] =	sbarrier.arrive $0xFFFF  }
0x113: {  	p0 =	sne.s32 s4, $0x0;
	_ =	strace $0x90000047  }
0x114: {  	s0 =	sadd.s32 @!p0 $0x100000, s0;
	[bflag:$0x2] =	sbarrier.arrive $0xFFFF  }
0x115: {  	[sflag:s0] =	ssyncadd.tile.s32 @!p0 $0x1;
	_ =	shalt  }
.Lfunc_end2:
_tile_overlayer_lowered:
.L_overlay_start_2:
0x116: {  	(tag) =	ssettag $0x2  }
0x117: {  	s0 =	rddreg [dreg:$0x0];
	s2 =	stileid.u32  }
0x118: {  	s1 =	rddreg [dreg:$0x1];
	p0 =	sne.s32 s2, $0x0  }
0x119: {  	s3 =	rddreg [dreg:$0x2];
	[bflag:$0x3] =	sbarrier.arrive $0xFFFF;
	s2 =	simm.s32 @!p0 $0x1C01  }
0x11a: {  	[timem:s3], [sflag:s2] =	dma.local @!p0 [hbm:s0], s1  }
0x11b: {  	s0 =	simm.s32 @!p0 $0x1  }
0x11c: {  	_ =	swait.ge @!p0 [sflag:s0], s1  }
0x11d: {  	s1 =	ssub.s32 @!p0 $0x0, s1;
	[sflag:s0] =	ssyncset.done @!p0 $0x0  }
0x11e: {  	[sflag:s0] =	ssyncadd.s32 @!p0 s1  }
0x11f: {  	[bflag:$0x3] =	sbarrier.arrive $0xFFFF  }
0x120: {  	_ =	shalt  }

</sc_bundles>
